<compile_context>
chip_gen: v7x
topology: tpu7x:2x2x1
jax: 0.10.2.dev20260603
libtpu: 0.0.44.dev20260713+nightly
codegen_flags: <defaults>
</compile_context>

<pallas_src>
import jax
import jax.numpy as jnp
import numpy as np
from jax import lax
from jax.experimental import pallas as pl
from jax.experimental.pallas import tpu as pltpu
from jax.experimental.pallas import tpu_sc as plsc

E = 8
K = 4
D_ENC = 256
D_LAT = 256
HID = 256
OUT = 4
DEPTH = 7
SKIP = 5
CH = D_LAT // E
XL = D_ENC + D_LAT

T = 4096
TB = 512
B = 256
LOGB = 8
NB = T // B + E
NBP = 32
P = NB * B
FW = 128

NC = 2
NS = 16
NW = NC * NS
TPW = T // NW
SR = 64
L = 16

_EPS = np.float32(np.finfo(np.float32).eps)
_LOG_EPS = np.float32(np.log(np.finfo(np.float32).eps))


def _dot(a, b):
    return jnp.dot(a, b, preferred_element_type=jnp.float32)


def _vgather(vec, idx):
    return lax.gather(
        vec, idx[:, None],
        lax.GatherDimensionNumbers(offset_dims=(),
                                   collapsed_slice_dims=(0,),
                                   start_index_map=(0,)),
        slice_sizes=(1,),
        mode=lax.GatherScatterMode.PROMISE_IN_BOUNDS)



def _gate_body(x_ref, lat_ref, gW1, gb1, gW2, gb2, gln_g, gln_b, gW3, gb3,
               tri_ref, pk_ref, gv2_ref, cnt_ref, bexp_ref, run_ref):
    i = pl.program_id(0)
    @pl.when(i == 0)
    def _():
        run_ref[...] = jnp.zeros((1, E), jnp.float32)
    xb = x_ref[...]
    lb = lat_ref[...]
    g = jax.nn.relu(_dot(xb, gW1[:D_ENC]) + _dot(lb, gW1[D_ENC:]) + gb1[...])
    g = _dot(g, gW2[...]) + gb2[...]
    m = g.mean(-1, keepdims=True)
    v = (g * g).mean(-1, keepdims=True) - m * m
    g = (g - m) / jnp.sqrt(v + 1e-5) * gln_g[...] + gln_b[...]
    logits = _dot(g, gW3[...]) + gb3[...]
    mx = logits.max(-1, keepdims=True)
    s = jnp.exp(logits - mx)
    s = s / s.sum(-1, keepdims=True)
    lanes = jax.lax.broadcasted_iota(jnp.int32, s.shape, 1)
    lanesf = lanes.astype(jnp.float32)
    cur = s
    sum4 = jnp.zeros((s.shape[0], 1), jnp.float32)
    eidx = gmax = onehot = None
    for r in range(K):
        m_r = cur.max(-1, keepdims=True)
        sum4 = sum4 + m_r
        if r == 0:
            onehot = (cur == m_r).astype(jnp.float32)
            eidx = (onehot * lanesf).sum(-1, keepdims=True).astype(jnp.int32)
            gmax = m_r
        cur = jnp.where(cur == m_r, -jnp.inf, cur)
    gval = gmax / (sum4 + 1e-9)
    prefix = _dot(tri_ref[...], onehot)
    run = run_ref[...]
    rank = ((prefix + run) * onehot).sum(-1, keepdims=True)
    newrun = run + onehot.sum(0, keepdims=True)
    run_ref[...] = newrun

    pk = (eidx << 12) | rank.astype(jnp.int32)
    pk_ref[...] = pk.reshape(1, TB, 1)
    gv2_ref[...] = jnp.concatenate([gval, jnp.log(gval)],
                                   axis=-1).reshape(1, TB, 2)

    @pl.when(i == pl.num_programs(0) - 1)
    def _():
        cnt = newrun.astype(jnp.int32)
        padded = ((cnt + (B - 1)) >> LOGB) << LOGB
        cum = padded
        for sh in (1, 2, 4):
            cum = cum + jnp.concatenate(
                [jnp.zeros((1, sh), jnp.int32), cum[:, :-sh]], axis=-1)
        astart = cum - padded
        cnt_ref[...] = jnp.concatenate(
            [astart, jnp.zeros((1, NBP - E), jnp.int32)], axis=-1)
        bstart = jax.lax.broadcasted_iota(jnp.int32, (1, NBP), 1) << LOGB
        acc = jnp.zeros((1, NBP), jnp.int32)
        for e in range(E):
            acc = acc + jnp.where(bstart >= cum[0, e], 1, 0)
        enc = jnp.where(bstart < cum[0, E - 1],
                        jnp.minimum(acc, E - 1) + E, E - 1)
        bexp_ref[...] = enc


def _gate(x, latent, gW1, gb1, gW2, gb2, gln_g, gln_b, gW3, gb3, tri):
    tok = lambda i: (i, 0)
    out3 = lambda i: (i, 0, 0)
    def wspec(a):
        return pl.BlockSpec(a.shape, lambda i, _a=a: tuple([0] * _a.ndim))
    res = pl.pallas_call(
        _gate_body,
        grid=(T // TB,),
        in_specs=[pl.BlockSpec((TB, D_ENC), tok),
                  pl.BlockSpec((TB, D_LAT), tok)]
                 + [wspec(a) for a in (gW1, gb1, gW2, gb2, gln_g, gln_b,
                                       gW3, gb3)]
                 + [pl.BlockSpec((TB, TB), lambda i: (0, 0))],
        out_specs=[pl.BlockSpec((1, TB, 1), out3),
                   pl.BlockSpec((1, TB, 2), out3),
                   pl.BlockSpec((1, NBP), lambda i: (0, 0)),
                   pl.BlockSpec((1, NBP), lambda i: (0, 0))],
        out_shape=[jax.ShapeDtypeStruct((T // TB, TB, 1), jnp.int32),
                   jax.ShapeDtypeStruct((T // TB, TB, 2), jnp.float32),
                   jax.ShapeDtypeStruct((1, NBP), jnp.int32),
                   jax.ShapeDtypeStruct((1, NBP), jnp.int32)],
        scratch_shapes=[pltpu.VMEM((1, E), jnp.float32)],
    )(x, latent, gW1, gb1, gW2, gb2, gln_g, gln_b, gW3, gb3, tri)
    pk, gv2, astart, bexp = res
    return (pk.reshape(T), gv2.reshape(T, 2),
            astart.reshape(NBP), bexp.reshape(NBP))



def _dispatch_body(pk_h, astart_h, x_h, lat_h,
                   xls_h, slots_h,
                   pk_v, astart_v, slots_lin_v, rows_v,
                   sem, sem2):
    wid = lax.axis_index("s") * NC + lax.axis_index("c")
    tbase = wid * TPW

    cpx = pltpu.async_copy(x_h.at[pl.ds(tbase, TPW)],
                           rows_v.at[:, 0, pl.ds(0, D_ENC)], sem)
    cpl = pltpu.async_copy(lat_h.at[pl.ds(tbase, TPW)],
                           rows_v.at[:, 0, pl.ds(D_ENC, D_LAT)], sem2)
    pltpu.sync_copy(pk_h.at[pl.ds(tbase, TPW)], pk_v)
    pltpu.sync_copy(astart_h.at[pl.ds(0, L)], astart_v)
    astart = astart_v[pl.ds(0, L)]
    for k in range(TPW // L):
        pk = pk_v[pl.ds(k * L, L)]
        base = _vgather(astart, pk >> 12)
        slot = base + (pk & 4095)
        slots_lin_v[pl.ds(k * L, L)] = slot
    pltpu.sync_copy(slots_lin_v, slots_h.at[pl.ds(tbase, TPW)])

    cpx.wait()
    cpl.wait()
    pltpu.async_copy(rows_v, xls_h.at[slots_lin_v], sem).wait()


def _dispatch(pk, astart, x, latent):
    mesh = plsc.VectorSubcoreMesh(core_axis_name="c", subcore_axis_name="s")
    f = pl.kernel(
        _dispatch_body,
        compiler_params=pltpu.CompilerParams(needs_layout_passes=False),
        out_type=[jax.ShapeDtypeStruct((P, 1, XL), jnp.float32),
                  jax.ShapeDtypeStruct((T,), jnp.int32)],
        mesh=mesh,
        scratch_types=[
            pltpu.VMEM((TPW,), jnp.int32),
            pltpu.VMEM((L,), jnp.int32),
            pltpu.VMEM((TPW,), jnp.int32),
            pltpu.VMEM((TPW, 1, XL), jnp.float32),
            pltpu.SemaphoreType.DMA,
            pltpu.SemaphoreType.DMA,
        ],
    )
    return f(pk, astart, x, latent)



def _mlp_body(bexp_sm, xls_ref, eW0, eb0, eWh, ebh, eWs, ebs,
              eWo, ebo, out_ref):
    enc = bexp_sm[pl.program_id(0)]
    @pl.when(enc >= E)
    def _():
        e = enc - E
        xls = xls_ref[:, 0, :]
        sel = (jax.lax.broadcasted_iota(jnp.int32, (D_LAT, CH), 0)
               == e * CH + jax.lax.broadcasted_iota(jnp.int32, (D_LAT, CH), 1)
               ).astype(jnp.float32)
        B2 = B // 2
        halves = [xls[:B2], xls[B2:]]
        chunks = [_dot(hh[:, D_ENC:], sel) for hh in halves]
        h0s = [jnp.concatenate([hh[:, :D_ENC], ck], axis=-1)
               for hh, ck in zip(halves, chunks)]
        hs = [jax.nn.relu(_dot(h0, eW0[0]) + eb0[0]) for h0 in h0s]
        hidx = 0
        for i in range(1, DEPTH):
            if i == SKIP:
                hs = [jnp.concatenate([h, h0], axis=-1)
                      for h, h0 in zip(hs, h0s)]
                hs = [jax.nn.relu(_dot(h, eWs[0]) + ebs[0]) for h in hs]
            else:
                hs = [jax.nn.relu(_dot(h, eWh[0, hidx]) + ebh[0, hidx])
                      for h in hs]
                hidx += 1
        os_ = [_dot(h, eWo[0]) + ebo[0] for h in hs]
        o = jnp.concatenate(os_, axis=0)
        out_ref[...] = jnp.concatenate(
            [o, jnp.zeros((B, FW - OUT), jnp.float32)], axis=-1)


def _grouped_mlp(bexp, xls, eW0, eb0, eWh, ebh, eWs, ebs, eWo, ebo):
    def ws(a):
        nd = a.ndim - 1
        return pl.BlockSpec((1,) + a.shape[1:],
                            lambda i, be, _n=nd: (be[i] & (E - 1),)
                            + (0,) * _n)
    grid_spec = pltpu.PrefetchScalarGridSpec(
        num_scalar_prefetch=1,
        grid=(NB,),
        in_specs=[
            pl.BlockSpec((B, 1, XL), lambda i, be: (i, 0, 0)),
            ws(eW0), ws(eb0), ws(eWh), ws(ebh),
            ws(eWs), ws(ebs), ws(eWo), ws(ebo),
        ],
        out_specs=pl.BlockSpec((B, FW), lambda i, be: (i, 0)),
    )
    return pl.pallas_call(
        _mlp_body,
        grid_spec=grid_spec,
        out_shape=jax.ShapeDtypeStruct((P, FW), jnp.float32),
    )(bexp, xls, eW0, eb0, eWh, ebh, eWs, ebs, eWo, ebo)



def _combine_body(fs_h, slots_h, gv2_h, out_h,
                  myslots_v, gv2_v, rows_v, out_v, sem):
    wid = lax.axis_index("s") * NC + lax.axis_index("c")
    tbase = wid * TPW
    pltpu.sync_copy(slots_h.at[pl.ds(tbase, TPW)], myslots_v)
    pltpu.sync_copy(gv2_h.at[pl.ds(tbase, TPW)], gv2_v)
    pltpu.async_copy(fs_h.at[myslots_v], rows_v, sem).wait()
    lane = lax.iota(jnp.int32, L)
    for k in range(TPW // L):
        tloc = k * L + lane
        g16 = plsc.load_gather(gv2_v, [tloc, lane * 0])
        lg16 = plsc.load_gather(gv2_v, [tloc, lane * 0 + 1])
        for j in range(OUT):
            val = plsc.load_gather(rows_v, [tloc, lane * 0 + j])
            c = jnp.exp(val) * g16
            res = jnp.where(c == 0, _LOG_EPS, val + lg16)
            plsc.store_scatter(out_v, [tloc * OUT + j], res)
    pltpu.sync_copy(out_v, out_h.at[pl.ds(tbase * OUT, TPW * OUT)])


def _combine(fs, slots, gv2):
    mesh = plsc.VectorSubcoreMesh(core_axis_name="c", subcore_axis_name="s")
    f = pl.kernel(
        _combine_body,
        compiler_params=pltpu.CompilerParams(needs_layout_passes=False),
        out_type=jax.ShapeDtypeStruct((T * OUT,), jnp.float32),
        mesh=mesh,
        scratch_types=[
            pltpu.VMEM((TPW,), jnp.int32),
            pltpu.VMEM((TPW, 2), jnp.float32),
            pltpu.VMEM((TPW, FW), jnp.float32),
            pltpu.VMEM((TPW * OUT,), jnp.float32),
            pltpu.SemaphoreType.DMA,
        ],
    )
    return f(fs, slots, gv2)



_TRI = np.tril(np.ones((TB, TB), np.float32), -1)


def kernel(x, latent, gW1, gb1, gW2, gb2, gln_g, gln_b, gW3, gb3,
           eW0, eb0, eWh, ebh, eWs, ebs, eWo, ebo):
    tri = jnp.asarray(_TRI)
    pk, gv2, astart, bexp = _gate(
        x, latent, gW1, gb1, gW2, gb2, gln_g, gln_b, gW3, gb3, tri)
    xls, slots = _dispatch(pk, astart, x, latent)
    fs = _grouped_mlp(bexp, xls,
                      eW0, eb0.reshape(E, 1, HID),
                      eWh, ebh, eWs,
                      ebs.reshape(E, 1, HID), eWo,
                      ebo.reshape(E, 1, OUT))
    out = _combine(fs, slots, gv2)
    return out.reshape(T, OUT)

# --- scband reference (transcript-rebuilt; emitter-appended) ---
"""Pipeline reference for scband-mo-e-75239237091571 (READ-ONLY COPY).

The authoritative reference and input builder live on the scoring server;
editing this copy changes nothing except your own understanding.
"""

import jax, jax.numpy as jnp
import numpy as np

E = 8
K = 4
D_ENC = 256
D_LAT = 256
HID = 256
OUT = 4
DEPTH = 7
SKIP = 5
T = 4096
CH = D_LAT // E
EIN = D_ENC + CH
GIN = D_ENC + D_LAT


def setup_inputs(seed: int = 0) -> dict:
    key = jax.random.key(seed)
    ks = jax.random.split(key, 16)
    def p(k, shape):
        return jax.random.normal(k, shape, dtype=jnp.float32) * 0.02
    inp = {
        'x': jax.random.normal(ks[0], (T, D_ENC), dtype=jnp.float32),
        'latent': jax.random.normal(ks[1], (T, D_LAT), dtype=jnp.float32),
        'gW1': p(ks[2], (GIN, HID)), 'gb1': jnp.zeros((HID,), jnp.float32),
        'gW2': p(ks[3], (HID, HID)), 'gb2': jnp.zeros((HID,), jnp.float32),
        'gln_g': jnp.ones((HID,), jnp.float32), 'gln_b': jnp.zeros((HID,), jnp.float32),
        'gW3': p(ks[4], (HID, E)), 'gb3': jnp.zeros((E,), jnp.float32),
        'eW0': p(ks[5], (E, EIN, HID)), 'eb0': jnp.zeros((E, HID), jnp.float32),
        'eWh': p(ks[6], (E, DEPTH - 2, HID, HID)), 'ebh': jnp.zeros((E, DEPTH - 2, HID), jnp.float32),
        'eWs': p(ks[7], (E, HID + EIN, HID)), 'ebs': jnp.zeros((E, HID), jnp.float32),
        'eWo': p(ks[8], (E, HID, OUT)), 'ebo': jnp.zeros((E, OUT), jnp.float32),
    }
    return inp


def _layernorm(h, g, b):
    m = h.mean(-1, keepdims=True)
    v = ((h - m) ** 2).mean(-1, keepdims=True)
    return (h - m) / jnp.sqrt(v + 1e-5) * g + b


def _mlp(h0, W0, b0, Wh, bh, Ws, bs, Wo, bo):
    h = jax.nn.relu(h0 @ W0 + b0)
    hidx = 0
    for i in range(1, DEPTH):
        if i == SKIP:
            h = jnp.concatenate([h, h0], axis=-1)
            h = jax.nn.relu(h @ Ws + bs)
        else:
            h = jax.nn.relu(h @ Wh[hidx] + bh[hidx])
            hidx += 1
    return h @ Wo + bo


def reference(x, latent, gW1, gb1, gW2, gb2, gln_g, gln_b, gW3, gb3, eW0, eb0, eWh, ebh, eWs, ebs, eWo, ebo):
    Tn = x.shape[0]
    gate_in = jnp.concatenate([x, latent], axis=-1)
    g = jax.nn.relu(gate_in @ gW1 + gb1)
    g = g @ gW2 + gb2
    g = _layernorm(g, gln_g, gln_b)
    logits = g @ gW3 + gb3
    gates = jax.nn.softmax(logits, axis=-1)
    # top-k gating: keep top-k gates, renormalize, zero the rest
    tv, ti = jax.lax.top_k(gates, K)
    tv = tv / (tv.sum(-1, keepdims=True) + 1e-9)
    rows = jnp.arange(Tn)
    gates_k = jnp.zeros_like(gates).at[rows[:, None], ti].set(tv)
    # SparseDispatcher dispatches each element to its argmax expert only
    expert_index = jnp.argmax(gates_k, axis=1)
    nonzero_gates = gates_k[rows, expert_index]
    # each expert sees enc_xyz concat its own latent chunk (latent_dim // num_experts)
    lat_chunks = latent.reshape(Tn, E, CH).transpose(1, 0, 2)  # [E, T, CH]
    def per_expert(lc, W0, b0, Wh, bh, Ws, bs, Wo, bo):
        h0 = jnp.concatenate([x, lc], axis=-1)
        return _mlp(h0, W0, b0, Wh, bh, Ws, bs, Wo, bo)
    outs = jax.vmap(per_expert)(lat_chunks, eW0, eb0, eWh, ebh, eWs, ebs, eWo, ebo)  # [E, T, OUT]
    sel = outs[expert_index, rows]  # [T, OUT]
    # combine: log(sum gate * exp(expert_out)) with eps flooring
    stitched = jnp.exp(sel) * nonzero_gates[:, None]
    combined = jnp.zeros((Tn, OUT), jnp.float32).at[rows].add(stitched)
    combined = jnp.where(combined == 0, jnp.float32(np.finfo(np.float32).eps), combined)
    return jnp.log(combined)

if __name__ == "__main__":
    import jax
    _d = setup_inputs()
    print(jax.jit(kernel)(*tuple(_d.values())))

</pallas_src>

<mosaic_0001>
#map = affine_map<(d0, d1) -> (0, 0)>
#map1 = affine_map<(d0, d1) -> (0)>
module attributes {stable_mosaic.version = 14 : i64} {
  func.func @_combine_body(%arg0: i32, %arg1: i32, %arg2: memref<6144x128xf32, #tpu.memory_space<hbm>>, %arg3: memref<4096xi32, #tpu.memory_space<hbm>>, %arg4: memref<4096x2xf32, #tpu.memory_space<hbm>>, %arg5: memref<16384xf32, #tpu.memory_space<hbm>>, %arg6: memref<128xi32, #tpu.memory_space<vmem>>, %arg7: memref<128x2xf32, #tpu.memory_space<vmem>>, %arg8: memref<128x128xf32, #tpu.memory_space<vmem>>, %arg9: memref<512xf32, #tpu.memory_space<vmem>>, %arg10: memref<!tpu.dma_semaphore, #tpu.memory_space<semaphore_mem>>) attributes {dimension_semantics = [#tpu.dimension_semantics<core_parallel>, #tpu.dimension_semantics<subcore_parallel>], iteration_bounds = array<i64: 2, 16>, scalar_prefetch = 0 : i64, scratch_operands = 5 : i64, tpu.core_type = #tpu.core_type<sc_vector_subcore>, window_params = [{transform_indices = #map}, {transform_indices = #map1}, {transform_indices = #map}, {transform_indices = #map1}]} {
    %mul3A = arith.constant 2 : i32
    %mul3A_0 = arith.muli %arg1, %mul3A : i32
    %add3A = arith.addi %mul3A_0, %arg0 : i32
    %mul3A_1 = arith.constant 128 : i32
    %mul3A_2 = arith.muli %add3A, %mul3A_1 : i32
    "tpu.region"() ({
      %run_scoped3A = tpu.sem_alloc : memref<!tpu.dma_semaphore, #tpu.memory_space<semaphore_mem>>
      %dma_start3A_819 = tpu.memref_slice %arg3[%mul3A_2] : memref<4096xi32, #tpu.memory_space<hbm>> -> memref<128xi32, #tpu.memory_space<hbm>>
      %dma_start3A_820 = tpu.memref_slice %arg3[%mul3A_2] : memref<4096xi32, #tpu.memory_space<hbm>> -> memref<128xi32, #tpu.memory_space<hbm>>
      tpu.enqueue_dma source(%dma_start3A_820 : memref<128xi32, #tpu.memory_space<hbm>>) target(%arg6 : memref<128xi32, #tpu.memory_space<vmem>>) target_semaphore(%run_scoped3A : memref<!tpu.dma_semaphore, #tpu.memory_space<semaphore_mem>>)
      %dma_wait3A_821 = tpu.memref_slice %arg3[%mul3A_2] : memref<4096xi32, #tpu.memory_space<hbm>> -> memref<128xi32, #tpu.memory_space<hbm>>
      %dma_wait3A_822 = tpu.memref_slice %arg3[%mul3A_2] : memref<4096xi32, #tpu.memory_space<hbm>> -> memref<128xi32, #tpu.memory_space<hbm>>
      tpu.wait_dma2 semaphore(%run_scoped3A : memref<!tpu.dma_semaphore, #tpu.memory_space<semaphore_mem>>) src(%dma_wait3A_822 : memref<128xi32, #tpu.memory_space<hbm>>) dst(%arg6 : memref<128xi32, #tpu.memory_space<vmem>>)
      tpu.yield
    }) : () -> ()
    "tpu.region"() ({
      %run_scoped3A = tpu.sem_alloc : memref<!tpu.dma_semaphore, #tpu.memory_space<semaphore_mem>>
      %dma_start3A_819 = arith.constant 0 : i32
      %dma_start3A_820 = tpu.memref_slice %arg4[%mul3A_2, %dma_start3A_819] : memref<4096x2xf32, #tpu.memory_space<hbm>> -> memref<128x2xf32, #tpu.memory_space<hbm>>
      %dma_start3A_821 = arith.constant 0 : i32
      %dma_start3A_822 = tpu.memref_slice %arg4[%mul3A_2, %dma_start3A_821] : memref<4096x2xf32, #tpu.memory_space<hbm>> -> memref<128x2xf32, #tpu.memory_space<hbm>>
      tpu.enqueue_dma source(%dma_start3A_822 : memref<128x2xf32, #tpu.memory_space<hbm>>) target(%arg7 : memref<128x2xf32, #tpu.memory_space<vmem>>) target_semaphore(%run_scoped3A : memref<!tpu.dma_semaphore, #tpu.memory_space<semaphore_mem>>)
      %dma_wait3A_823 = arith.constant 0 : i32
      %dma_wait3A_824 = tpu.memref_slice %arg4[%mul3A_2, %dma_wait3A_823] : memref<4096x2xf32, #tpu.memory_space<hbm>> -> memref<128x2xf32, #tpu.memory_space<hbm>>
      %dma_wait3A_825 = arith.constant 0 : i32
      %dma_wait3A_826 = tpu.memref_slice %arg4[%mul3A_2, %dma_wait3A_825] : memref<4096x2xf32, #tpu.memory_space<hbm>> -> memref<128x2xf32, #tpu.memory_space<hbm>>
      tpu.wait_dma2 semaphore(%run_scoped3A : memref<!tpu.dma_semaphore, #tpu.memory_space<semaphore_mem>>) src(%dma_wait3A_826 : memref<128x2xf32, #tpu.memory_space<hbm>>) dst(%arg7 : memref<128x2xf32, #tpu.memory_space<vmem>>)
      tpu.yield
    }) : () -> ()
    %dma_start3A = arith.constant 0 : i32
    %dma_start3A_3 = arith.constant 0 : i32
    %dma_start3A_4 = tpu.memref_slice %arg2[%dma_start3A, %dma_start3A_3] : memref<6144x128xf32, #tpu.memory_space<hbm>> -> memref<6144x128xf32, #tpu.memory_space<hbm>>
    tpu.enqueue_indirect_dma source(%dma_start3A_4 : memref<6144x128xf32, #tpu.memory_space<hbm>>) target(%arg8 : memref<128x128xf32, #tpu.memory_space<vmem>>) offsets(%arg6 : memref<128xi32, #tpu.memory_space<vmem>>) semaphore(%arg10 : memref<!tpu.dma_semaphore, #tpu.memory_space<semaphore_mem>>)
    %dma_wait3A = arith.constant 0 : i32
    %dma_wait3A_5 = arith.constant 0 : i32
    %dma_wait3A_6 = tpu.memref_slice %arg2[%dma_wait3A, %dma_wait3A_5] : memref<6144x128xf32, #tpu.memory_space<hbm>> -> memref<6144x128xf32, #tpu.memory_space<hbm>>
    tpu.wait_indirect_dma semaphore(%arg10 : memref<!tpu.dma_semaphore, #tpu.memory_space<semaphore_mem>>) src(%dma_wait3A_6 : memref<6144x128xf32, #tpu.memory_space<hbm>>) dst(%arg8 : memref<128x128xf32, #tpu.memory_space<vmem>>)
    %iota3A = tpu.iota {dimensions = array<i32: 0>} : vector<16xi32>
    %add3A_7 = arith.constant 0 : i32
    %add3A_8 = vector.broadcast %add3A_7 : i32 to vector<16xi32>
    %add3A_9 = arith.addi %add3A_8, %iota3A : vector<16xi32>
    %mul3A_10 = arith.constant 0 : i32
    %mul3A_11 = vector.broadcast %mul3A_10 : i32 to vector<16xi32>
    %mul3A_12 = arith.muli %iota3A, %mul3A_11 : vector<16xi32>
    %gather3A = tpu.vector_load_idx %arg7[%add3A_9, %mul3A_12] : memref<128x2xf32, #tpu.memory_space<vmem>>[vector<16xi32>, vector<16xi32>], vector<16xf32>,
    %mul3A_13 = arith.constant 0 : i32
    %mul3A_14 = vector.broadcast %mul3A_13 : i32 to vector<16xi32>
    %mul3A_15 = arith.muli %iota3A, %mul3A_14 : vector<16xi32>
    %add3A_16 = arith.constant 1 : i32
    %add3A_17 = vector.broadcast %add3A_16 : i32 to vector<16xi32>
    %add3A_18 = arith.addi %mul3A_15, %add3A_17 : vector<16xi32>
    %gather3A_19 = tpu.vector_load_idx %arg7[%add3A_9, %add3A_18] : memref<128x2xf32, #tpu.memory_space<vmem>>[vector<16xi32>, vector<16xi32>], vector<16xf32>,
    %mul3A_20 = arith.constant 0 : i32
    %mul3A_21 = vector.broadcast %mul3A_20 : i32 to vector<16xi32>
    %mul3A_22 = arith.muli %iota3A, %mul3A_21 : vector<16xi32>
    %add3A_23 = arith.constant 0 : i32
    %add3A_24 = vector.broadcast %add3A_23 : i32 to vector<16xi32>
    %add3A_25 = arith.addi %mul3A_22, %add3A_24 : vector<16xi32>
    %gather3A_26 = tpu.vector_load_idx %arg8[%add3A_9, %add3A_25] : memref<128x128xf32, #tpu.memory_space<vmem>>[vector<16xi32>, vector<16xi32>], vector<16xf32>,
    %exp3A = math.exp %gather3A_26 : vector<16xf32>
    %mul3A_27 = arith.mulf %exp3A, %gather3A : vector<16xf32>
    %eq3A = arith.constant 0.000000e+00 : f32
    %eq3A_28 = vector.broadcast %eq3A : f32 to vector<16xf32>
    %eq3A_29 = arith.cmpf oeq, %mul3A_27, %eq3A_28 : vector<16xf32>
    %add3A_30 = arith.addf %gather3A_26, %gather3A_19 : vector<16xf32>
    %jit3A = arith.constant -15.9423847 : f32
    %broadcast_in_dim3A = vector.broadcast %jit3A : f32 to vector<16xf32>
    %select_n3A = arith.select %eq3A_29, %broadcast_in_dim3A, %add3A_30 : vector<16xi1>, vector<16xf32>
    %mul3A_31 = arith.constant 4 : i32
    %mul3A_32 = vector.broadcast %mul3A_31 : i32 to vector<16xi32>
    %mul3A_33 = arith.muli %add3A_9, %mul3A_32 : vector<16xi32>
    %add3A_34 = arith.constant 0 : i32
    %add3A_35 = vector.broadcast %add3A_34 : i32 to vector<16xi32>
    %add3A_36 = arith.addi %mul3A_33, %add3A_35 : vector<16xi32>
    tpu.vector_store_idx %arg9[%add3A_36], %select_n3A : memref<512xf32, #tpu.memory_space<vmem>>[vector<16xi32>], vector<16xf32>,
    %mul3A_37 = arith.constant 0 : i32
    %mul3A_38 = vector.broadcast %mul3A_37 : i32 to vector<16xi32>
    %mul3A_39 = arith.muli %iota3A, %mul3A_38 : vector<16xi32>
    %add3A_40 = arith.constant 1 : i32
    %add3A_41 = vector.broadcast %add3A_40 : i32 to vector<16xi32>
    %add3A_42 = arith.addi %mul3A_39, %add3A_41 : vector<16xi32>
    %gather3A_43 = tpu.vector_load_idx %arg8[%add3A_9, %add3A_42] : memref<128x128xf32, #tpu.memory_space<vmem>>[vector<16xi32>, vector<16xi32>], vector<16xf32>,
    %exp3A_44 = math.exp %gather3A_43 : vector<16xf32>
    %mul3A_45 = arith.mulf %exp3A_44, %gather3A : vector<16xf32>
    %eq3A_46 = arith.constant 0.000000e+00 : f32
    %eq3A_47 = vector.broadcast %eq3A_46 : f32 to vector<16xf32>
    %eq3A_48 = arith.cmpf oeq, %mul3A_45, %eq3A_47 : vector<16xf32>
    %add3A_49 = arith.addf %gather3A_43, %gather3A_19 : vector<16xf32>
    %jit3A_50 = arith.constant -15.9423847 : f32
    %broadcast_in_dim3A_51 = vector.broadcast %jit3A_50 : f32 to vector<16xf32>
    %select_n3A_52 = arith.select %eq3A_48, %broadcast_in_dim3A_51, %add3A_49 : vector<16xi1>, vector<16xf32>
    %mul3A_53 = arith.constant 4 : i32
    %mul3A_54 = vector.broadcast %mul3A_53 : i32 to vector<16xi32>
    %mul3A_55 = arith.muli %add3A_9, %mul3A_54 : vector<16xi32>
    %add3A_56 = arith.constant 1 : i32
    %add3A_57 = vector.broadcast %add3A_56 : i32 to vector<16xi32>
    %add3A_58 = arith.addi %mul3A_55, %add3A_57 : vector<16xi32>
    tpu.vector_store_idx %arg9[%add3A_58], %select_n3A_52 : memref<512xf32, #tpu.memory_space<vmem>>[vector<16xi32>], vector<16xf32>,
    %mul3A_59 = arith.constant 0 : i32
    %mul3A_60 = vector.broadcast %mul3A_59 : i32 to vector<16xi32>
    %mul3A_61 = arith.muli %iota3A, %mul3A_60 : vector<16xi32>
    %add3A_62 = arith.constant 2 : i32
    %add3A_63 = vector.broadcast %add3A_62 : i32 to vector<16xi32>
    %add3A_64 = arith.addi %mul3A_61, %add3A_63 : vector<16xi32>
    %gather3A_65 = tpu.vector_load_idx %arg8[%add3A_9, %add3A_64] : memref<128x128xf32, #tpu.memory_space<vmem>>[vector<16xi32>, vector<16xi32>], vector<16xf32>,
    %exp3A_66 = math.exp %gather3A_65 : vector<16xf32>
    %mul3A_67 = arith.mulf %exp3A_66, %gather3A : vector<16xf32>
    %eq3A_68 = arith.constant 0.000000e+00 : f32
    %eq3A_69 = vector.broadcast %eq3A_68 : f32 to vector<16xf32>
    %eq3A_70 = arith.cmpf oeq, %mul3A_67, %eq3A_69 : vector<16xf32>
    %add3A_71 = arith.addf %gather3A_65, %gather3A_19 : vector<16xf32>
    %jit3A_72 = arith.constant -15.9423847 : f32
    %broadcast_in_dim3A_73 = vector.broadcast %jit3A_72 : f32 to vector<16xf32>
    %select_n3A_74 = arith.select %eq3A_70, %broadcast_in_dim3A_73, %add3A_71 : vector<16xi1>, vector<16xf32>
    %mul3A_75 = arith.constant 4 : i32
    %mul3A_76 = vector.broadcast %mul3A_75 : i32 to vector<16xi32>
    %mul3A_77 = arith.muli %add3A_9, %mul3A_76 : vector<16xi32>
    %add3A_78 = arith.constant 2 : i32
    %add3A_79 = vector.broadcast %add3A_78 : i32 to vector<16xi32>
    %add3A_80 = arith.addi %mul3A_77, %add3A_79 : vector<16xi32>
    tpu.vector_store_idx %arg9[%add3A_80], %select_n3A_74 : memref<512xf32, #tpu.memory_space<vmem>>[vector<16xi32>], vector<16xf32>,
    %mul3A_81 = arith.constant 0 : i32
    %mul3A_82 = vector.broadcast %mul3A_81 : i32 to vector<16xi32>
    %mul3A_83 = arith.muli %iota3A, %mul3A_82 : vector<16xi32>
    %add3A_84 = arith.constant 3 : i32
    %add3A_85 = vector.broadcast %add3A_84 : i32 to vector<16xi32>
    %add3A_86 = arith.addi %mul3A_83, %add3A_85 : vector<16xi32>
    %gather3A_87 = tpu.vector_load_idx %arg8[%add3A_9, %add3A_86] : memref<128x128xf32, #tpu.memory_space<vmem>>[vector<16xi32>, vector<16xi32>], vector<16xf32>,
    %exp3A_88 = math.exp %gather3A_87 : vector<16xf32>
    %mul3A_89 = arith.mulf %exp3A_88, %gather3A : vector<16xf32>
    %eq3A_90 = arith.constant 0.000000e+00 : f32
    %eq3A_91 = vector.broadcast %eq3A_90 : f32 to vector<16xf32>
    %eq3A_92 = arith.cmpf oeq, %mul3A_89, %eq3A_91 : vector<16xf32>
    %add3A_93 = arith.addf %gather3A_87, %gather3A_19 : vector<16xf32>
    %jit3A_94 = arith.constant -15.9423847 : f32
    %broadcast_in_dim3A_95 = vector.broadcast %jit3A_94 : f32 to vector<16xf32>
    %select_n3A_96 = arith.select %eq3A_92, %broadcast_in_dim3A_95, %add3A_93 : vector<16xi1>, vector<16xf32>
    %mul3A_97 = arith.constant 4 : i32
    %mul3A_98 = vector.broadcast %mul3A_97 : i32 to vector<16xi32>
    %mul3A_99 = arith.muli %add3A_9, %mul3A_98 : vector<16xi32>
    %add3A_100 = arith.constant 3 : i32
    %add3A_101 = vector.broadcast %add3A_100 : i32 to vector<16xi32>
    %add3A_102 = arith.addi %mul3A_99, %add3A_101 : vector<16xi32>
    tpu.vector_store_idx %arg9[%add3A_102], %select_n3A_96 : memref<512xf32, #tpu.memory_space<vmem>>[vector<16xi32>], vector<16xf32>,
    %add3A_103 = arith.constant 16 : i32
    %add3A_104 = vector.broadcast %add3A_103 : i32 to vector<16xi32>
    %add3A_105 = arith.addi %add3A_104, %iota3A : vector<16xi32>
    %mul3A_106 = arith.constant 0 : i32
    %mul3A_107 = vector.broadcast %mul3A_106 : i32 to vector<16xi32>
    %mul3A_108 = arith.muli %iota3A, %mul3A_107 : vector<16xi32>
    %gather3A_109 = tpu.vector_load_idx %arg7[%add3A_105, %mul3A_108] : memref<128x2xf32, #tpu.memory_space<vmem>>[vector<16xi32>, vector<16xi32>], vector<16xf32>,
    %mul3A_110 = arith.constant 0 : i32
    %mul3A_111 = vector.broadcast %mul3A_110 : i32 to vector<16xi32>
    %mul3A_112 = arith.muli %iota3A, %mul3A_111 : vector<16xi32>
    %add3A_113 = arith.constant 1 : i32
    %add3A_114 = vector.broadcast %add3A_113 : i32 to vector<16xi32>
    %add3A_115 = arith.addi %mul3A_112, %add3A_114 : vector<16xi32>
    %gather3A_116 = tpu.vector_load_idx %arg7[%add3A_105, %add3A_115] : memref<128x2xf32, #tpu.memory_space<vmem>>[vector<16xi32>, vector<16xi32>], vector<16xf32>,
    %mul3A_117 = arith.constant 0 : i32
    %mul3A_118 = vector.broadcast %mul3A_117 : i32 to vector<16xi32>
    %mul3A_119 = arith.muli %iota3A, %mul3A_118 : vector<16xi32>
    %add3A_120 = arith.constant 0 : i32
    %add3A_121 = vector.broadcast %add3A_120 : i32 to vector<16xi32>
    %add3A_122 = arith.addi %mul3A_119, %add3A_121 : vector<16xi32>
    %gather3A_123 = tpu.vector_load_idx %arg8[%add3A_105, %add3A_122] : memref<128x128xf32, #tpu.memory_space<vmem>>[vector<16xi32>, vector<16xi32>], vector<16xf32>,
    %exp3A_124 = math.exp %gather3A_123 : vector<16xf32>
    %mul3A_125 = arith.mulf %exp3A_124, %gather3A_109 : vector<16xf32>
    %eq3A_126 = arith.constant 0.000000e+00 : f32
    %eq3A_127 = vector.broadcast %eq3A_126 : f32 to vector<16xf32>
    %eq3A_128 = arith.cmpf oeq, %mul3A_125, %eq3A_127 : vector<16xf32>
    %add3A_129 = arith.addf %gather3A_123, %gather3A_116 : vector<16xf32>
    %jit3A_130 = arith.constant -15.9423847 : f32
    %broadcast_in_dim3A_131 = vector.broadcast %jit3A_130 : f32 to vector<16xf32>
    %select_n3A_132 = arith.select %eq3A_128, %broadcast_in_dim3A_131, %add3A_129 : vector<16xi1>, vector<16xf32>
    %mul3A_133 = arith.constant 4 : i32
    %mul3A_134 = vector.broadcast %mul3A_133 : i32 to vector<16xi32>
    %mul3A_135 = arith.muli %add3A_105, %mul3A_134 : vector<16xi32>
    %add3A_136 = arith.constant 0 : i32
    %add3A_137 = vector.broadcast %add3A_136 : i32 to vector<16xi32>
    %add3A_138 = arith.addi %mul3A_135, %add3A_137 : vector<16xi32>
    tpu.vector_store_idx %arg9[%add3A_138], %select_n3A_132 : memref<512xf32, #tpu.memory_space<vmem>>[vector<16xi32>], vector<16xf32>,
    %mul3A_139 = arith.constant 0 : i32
    %mul3A_140 = vector.broadcast %mul3A_139 : i32 to vector<16xi32>
    %mul3A_141 = arith.muli %iota3A, %mul3A_140 : vector<16xi32>
    %add3A_142 = arith.constant 1 : i32
    %add3A_143 = vector.broadcast %add3A_142 : i32 to vector<16xi32>
    %add3A_144 = arith.addi %mul3A_141, %add3A_143 : vector<16xi32>
    %gather3A_145 = tpu.vector_load_idx %arg8[%add3A_105, %add3A_144] : memref<128x128xf32, #tpu.memory_space<vmem>>[vector<16xi32>, vector<16xi32>], vector<16xf32>,
    %exp3A_146 = math.exp %gather3A_145 : vector<16xf32>
    %mul3A_147 = arith.mulf %exp3A_146, %gather3A_109 : vector<16xf32>
    %eq3A_148 = arith.constant 0.000000e+00 : f32
    %eq3A_149 = vector.broadcast %eq3A_148 : f32 to vector<16xf32>
    %eq3A_150 = arith.cmpf oeq, %mul3A_147, %eq3A_149 : vector<16xf32>
    %add3A_151 = arith.addf %gather3A_145, %gather3A_116 : vector<16xf32>
    %jit3A_152 = arith.constant -15.9423847 : f32
    %broadcast_in_dim3A_153 = vector.broadcast %jit3A_152 : f32 to vector<16xf32>
    %select_n3A_154 = arith.select %eq3A_150, %broadcast_in_dim3A_153, %add3A_151 : vector<16xi1>, vector<16xf32>
    %mul3A_155 = arith.constant 4 : i32
    %mul3A_156 = vector.broadcast %mul3A_155 : i32 to vector<16xi32>
    %mul3A_157 = arith.muli %add3A_105, %mul3A_156 : vector<16xi32>
    %add3A_158 = arith.constant 1 : i32
    %add3A_159 = vector.broadcast %add3A_158 : i32 to vector<16xi32>
    %add3A_160 = arith.addi %mul3A_157, %add3A_159 : vector<16xi32>
    tpu.vector_store_idx %arg9[%add3A_160], %select_n3A_154 : memref<512xf32, #tpu.memory_space<vmem>>[vector<16xi32>], vector<16xf32>,
    %mul3A_161 = arith.constant 0 : i32
    %mul3A_162 = vector.broadcast %mul3A_161 : i32 to vector<16xi32>
    %mul3A_163 = arith.muli %iota3A, %mul3A_162 : vector<16xi32>
    %add3A_164 = arith.constant 2 : i32
    %add3A_165 = vector.broadcast %add3A_164 : i32 to vector<16xi32>
    %add3A_166 = arith.addi %mul3A_163, %add3A_165 : vector<16xi32>
    %gather3A_167 = tpu.vector_load_idx %arg8[%add3A_105, %add3A_166] : memref<128x128xf32, #tpu.memory_space<vmem>>[vector<16xi32>, vector<16xi32>], vector<16xf32>,
    %exp3A_168 = math.exp %gather3A_167 : vector<16xf32>
    %mul3A_169 = arith.mulf %exp3A_168, %gather3A_109 : vector<16xf32>
    %eq3A_170 = arith.constant 0.000000e+00 : f32
    %eq3A_171 = vector.broadcast %eq3A_170 : f32 to vector<16xf32>
    %eq3A_172 = arith.cmpf oeq, %mul3A_169, %eq3A_171 : vector<16xf32>
    %add3A_173 = arith.addf %gather3A_167, %gather3A_116 : vector<16xf32>
    %jit3A_174 = arith.constant -15.9423847 : f32
    %broadcast_in_dim3A_175 = vector.broadcast %jit3A_174 : f32 to vector<16xf32>
    %select_n3A_176 = arith.select %eq3A_172, %broadcast_in_dim3A_175, %add3A_173 : vector<16xi1>, vector<16xf32>
    %mul3A_177 = arith.constant 4 : i32
    %mul3A_178 = vector.broadcast %mul3A_177 : i32 to vector<16xi32>
    %mul3A_179 = arith.muli %add3A_105, %mul3A_178 : vector<16xi32>
    %add3A_180 = arith.constant 2 : i32
    %add3A_181 = vector.broadcast %add3A_180 : i32 to vector<16xi32>
    %add3A_182 = arith.addi %mul3A_179, %add3A_181 : vector<16xi32>
    tpu.vector_store_idx %arg9[%add3A_182], %select_n3A_176 : memref<512xf32, #tpu.memory_space<vmem>>[vector<16xi32>], vector<16xf32>,
    %mul3A_183 = arith.constant 0 : i32
    %mul3A_184 = vector.broadcast %mul3A_183 : i32 to vector<16xi32>
    %mul3A_185 = arith.muli %iota3A, %mul3A_184 : vector<16xi32>
    %add3A_186 = arith.constant 3 : i32
    %add3A_187 = vector.broadcast %add3A_186 : i32 to vector<16xi32>
    %add3A_188 = arith.addi %mul3A_185, %add3A_187 : vector<16xi32>
    %gather3A_189 = tpu.vector_load_idx %arg8[%add3A_105, %add3A_188] : memref<128x128xf32, #tpu.memory_space<vmem>>[vector<16xi32>, vector<16xi32>], vector<16xf32>,
    %exp3A_190 = math.exp %gather3A_189 : vector<16xf32>
    %mul3A_191 = arith.mulf %exp3A_190, %gather3A_109 : vector<16xf32>
    %eq3A_192 = arith.constant 0.000000e+00 : f32
    %eq3A_193 = vector.broadcast %eq3A_192 : f32 to vector<16xf32>
    %eq3A_194 = arith.cmpf oeq, %mul3A_191, %eq3A_193 : vector<16xf32>
    %add3A_195 = arith.addf %gather3A_189, %gather3A_116 : vector<16xf32>
    %jit3A_196 = arith.constant -15.9423847 : f32
    %broadcast_in_dim3A_197 = vector.broadcast %jit3A_196 : f32 to vector<16xf32>
    %select_n3A_198 = arith.select %eq3A_194, %broadcast_in_dim3A_197, %add3A_195 : vector<16xi1>, vector<16xf32>
    %mul3A_199 = arith.constant 4 : i32
    %mul3A_200 = vector.broadcast %mul3A_199 : i32 to vector<16xi32>
    %mul3A_201 = arith.muli %add3A_105, %mul3A_200 : vector<16xi32>
    %add3A_202 = arith.constant 3 : i32
    %add3A_203 = vector.broadcast %add3A_202 : i32 to vector<16xi32>
    %add3A_204 = arith.addi %mul3A_201, %add3A_203 : vector<16xi32>
    tpu.vector_store_idx %arg9[%add3A_204], %select_n3A_198 : memref<512xf32, #tpu.memory_space<vmem>>[vector<16xi32>], vector<16xf32>,
    %add3A_205 = arith.constant 32 : i32
    %add3A_206 = vector.broadcast %add3A_205 : i32 to vector<16xi32>
    %add3A_207 = arith.addi %add3A_206, %iota3A : vector<16xi32>
    %mul3A_208 = arith.constant 0 : i32
    %mul3A_209 = vector.broadcast %mul3A_208 : i32 to vector<16xi32>
    %mul3A_210 = arith.muli %iota3A, %mul3A_209 : vector<16xi32>
    %gather3A_211 = tpu.vector_load_idx %arg7[%add3A_207, %mul3A_210] : memref<128x2xf32, #tpu.memory_space<vmem>>[vector<16xi32>, vector<16xi32>], vector<16xf32>,
    %mul3A_212 = arith.constant 0 : i32
    %mul3A_213 = vector.broadcast %mul3A_212 : i32 to vector<16xi32>
    %mul3A_214 = arith.muli %iota3A, %mul3A_213 : vector<16xi32>
    %add3A_215 = arith.constant 1 : i32
    %add3A_216 = vector.broadcast %add3A_215 : i32 to vector<16xi32>
    %add3A_217 = arith.addi %mul3A_214, %add3A_216 : vector<16xi32>
    %gather3A_218 = tpu.vector_load_idx %arg7[%add3A_207, %add3A_217] : memref<128x2xf32, #tpu.memory_space<vmem>>[vector<16xi32>, vector<16xi32>], vector<16xf32>,
    %mul3A_219 = arith.constant 0 : i32
    %mul3A_220 = vector.broadcast %mul3A_219 : i32 to vector<16xi32>
    %mul3A_221 = arith.muli %iota3A, %mul3A_220 : vector<16xi32>
    %add3A_222 = arith.constant 0 : i32
    %add3A_223 = vector.broadcast %add3A_222 : i32 to vector<16xi32>
    %add3A_224 = arith.addi %mul3A_221, %add3A_223 : vector<16xi32>
    %gather3A_225 = tpu.vector_load_idx %arg8[%add3A_207, %add3A_224] : memref<128x128xf32, #tpu.memory_space<vmem>>[vector<16xi32>, vector<16xi32>], vector<16xf32>,
    %exp3A_226 = math.exp %gather3A_225 : vector<16xf32>
    %mul3A_227 = arith.mulf %exp3A_226, %gather3A_211 : vector<16xf32>
    %eq3A_228 = arith.constant 0.000000e+00 : f32
    %eq3A_229 = vector.broadcast %eq3A_228 : f32 to vector<16xf32>
    %eq3A_230 = arith.cmpf oeq, %mul3A_227, %eq3A_229 : vector<16xf32>
    %add3A_231 = arith.addf %gather3A_225, %gather3A_218 : vector<16xf32>
    %jit3A_232 = arith.constant -15.9423847 : f32
    %broadcast_in_dim3A_233 = vector.broadcast %jit3A_232 : f32 to vector<16xf32>
    %select_n3A_234 = arith.select %eq3A_230, %broadcast_in_dim3A_233, %add3A_231 : vector<16xi1>, vector<16xf32>
    %mul3A_235 = arith.constant 4 : i32
    %mul3A_236 = vector.broadcast %mul3A_235 : i32 to vector<16xi32>
    %mul3A_237 = arith.muli %add3A_207, %mul3A_236 : vector<16xi32>
    %add3A_238 = arith.constant 0 : i32
    %add3A_239 = vector.broadcast %add3A_238 : i32 to vector<16xi32>
    %add3A_240 = arith.addi %mul3A_237, %add3A_239 : vector<16xi32>
    tpu.vector_store_idx %arg9[%add3A_240], %select_n3A_234 : memref<512xf32, #tpu.memory_space<vmem>>[vector<16xi32>], vector<16xf32>,
    %mul3A_241 = arith.constant 0 : i32
    %mul3A_242 = vector.broadcast %mul3A_241 : i32 to vector<16xi32>
    %mul3A_243 = arith.muli %iota3A, %mul3A_242 : vector<16xi32>
    %add3A_244 = arith.constant 1 : i32
    %add3A_245 = vector.broadcast %add3A_244 : i32 to vector<16xi32>
    %add3A_246 = arith.addi %mul3A_243, %add3A_245 : vector<16xi32>
    %gather3A_247 = tpu.vector_load_idx %arg8[%add3A_207, %add3A_246] : memref<128x128xf32, #tpu.memory_space<vmem>>[vector<16xi32>, vector<16xi32>], vector<16xf32>,
    %exp3A_248 = math.exp %gather3A_247 : vector<16xf32>
    %mul3A_249 = arith.mulf %exp3A_248, %gather3A_211 : vector<16xf32>
    %eq3A_250 = arith.constant 0.000000e+00 : f32
    %eq3A_251 = vector.broadcast %eq3A_250 : f32 to vector<16xf32>
    %eq3A_252 = arith.cmpf oeq, %mul3A_249, %eq3A_251 : vector<16xf32>
    %add3A_253 = arith.addf %gather3A_247, %gather3A_218 : vector<16xf32>
    %jit3A_254 = arith.constant -15.9423847 : f32
    %broadcast_in_dim3A_255 = vector.broadcast %jit3A_254 : f32 to vector<16xf32>
    %select_n3A_256 = arith.select %eq3A_252, %broadcast_in_dim3A_255, %add3A_253 : vector<16xi1>, vector<16xf32>
    %mul3A_257 = arith.constant 4 : i32
    %mul3A_258 = vector.broadcast %mul3A_257 : i32 to vector<16xi32>
    %mul3A_259 = arith.muli %add3A_207, %mul3A_258 : vector<16xi32>
    %add3A_260 = arith.constant 1 : i32
    %add3A_261 = vector.broadcast %add3A_260 : i32 to vector<16xi32>
    %add3A_262 = arith.addi %mul3A_259, %add3A_261 : vector<16xi32>
    tpu.vector_store_idx %arg9[%add3A_262], %select_n3A_256 : memref<512xf32, #tpu.memory_space<vmem>>[vector<16xi32>], vector<16xf32>,
    %mul3A_263 = arith.constant 0 : i32
    %mul3A_264 = vector.broadcast %mul3A_263 : i32 to vector<16xi32>
    %mul3A_265 = arith.muli %iota3A, %mul3A_264 : vector<16xi32>
    %add3A_266 = arith.constant 2 : i32
    %add3A_267 = vector.broadcast %add3A_266 : i32 to vector<16xi32>
    %add3A_268 = arith.addi %mul3A_265, %add3A_267 : vector<16xi32>
    %gather3A_269 = tpu.vector_load_idx %arg8[%add3A_207, %add3A_268] : memref<128x128xf32, #tpu.memory_space<vmem>>[vector<16xi32>, vector<16xi32>], vector<16xf32>,
    %exp3A_270 = math.exp %gather3A_269 : vector<16xf32>
    %mul3A_271 = arith.mulf %exp3A_270, %gather3A_211 : vector<16xf32>
    %eq3A_272 = arith.constant 0.000000e+00 : f32
    %eq3A_273 = vector.broadcast %eq3A_272 : f32 to vector<16xf32>
    %eq3A_274 = arith.cmpf oeq, %mul3A_271, %eq3A_273 : vector<16xf32>
    %add3A_275 = arith.addf %gather3A_269, %gather3A_218 : vector<16xf32>
    %jit3A_276 = arith.constant -15.9423847 : f32
    %broadcast_in_dim3A_277 = vector.broadcast %jit3A_276 : f32 to vector<16xf32>
    %select_n3A_278 = arith.select %eq3A_274, %broadcast_in_dim3A_277, %add3A_275 : vector<16xi1>, vector<16xf32>
    %mul3A_279 = arith.constant 4 : i32
    %mul3A_280 = vector.broadcast %mul3A_279 : i32 to vector<16xi32>
    %mul3A_281 = arith.muli %add3A_207, %mul3A_280 : vector<16xi32>
    %add3A_282 = arith.constant 2 : i32
    %add3A_283 = vector.broadcast %add3A_282 : i32 to vector<16xi32>
    %add3A_284 = arith.addi %mul3A_281, %add3A_283 : vector<16xi32>
    tpu.vector_store_idx %arg9[%add3A_284], %select_n3A_278 : memref<512xf32, #tpu.memory_space<vmem>>[vector<16xi32>], vector<16xf32>,
    %mul3A_285 = arith.constant 0 : i32
    %mul3A_286 = vector.broadcast %mul3A_285 : i32 to vector<16xi32>
    %mul3A_287 = arith.muli %iota3A, %mul3A_286 : vector<16xi32>
    %add3A_288 = arith.constant 3 : i32
    %add3A_289 = vector.broadcast %add3A_288 : i32 to vector<16xi32>
    %add3A_290 = arith.addi %mul3A_287, %add3A_289 : vector<16xi32>
    %gather3A_291 = tpu.vector_load_idx %arg8[%add3A_207, %add3A_290] : memref<128x128xf32, #tpu.memory_space<vmem>>[vector<16xi32>, vector<16xi32>], vector<16xf32>,
    %exp3A_292 = math.exp %gather3A_291 : vector<16xf32>
    %mul3A_293 = arith.mulf %exp3A_292, %gather3A_211 : vector<16xf32>
    %eq3A_294 = arith.constant 0.000000e+00 : f32
    %eq3A_295 = vector.broadcast %eq3A_294 : f32 to vector<16xf32>
    %eq3A_296 = arith.cmpf oeq, %mul3A_293, %eq3A_295 : vector<16xf32>
    %add3A_297 = arith.addf %gather3A_291, %gather3A_218 : vector<16xf32>
    %jit3A_298 = arith.constant -15.9423847 : f32
    %broadcast_in_dim3A_299 = vector.broadcast %jit3A_298 : f32 to vector<16xf32>
    %select_n3A_300 = arith.select %eq3A_296, %broadcast_in_dim3A_299, %add3A_297 : vector<16xi1>, vector<16xf32>
    %mul3A_301 = arith.constant 4 : i32
    %mul3A_302 = vector.broadcast %mul3A_301 : i32 to vector<16xi32>
    %mul3A_303 = arith.muli %add3A_207, %mul3A_302 : vector<16xi32>
    %add3A_304 = arith.constant 3 : i32
    %add3A_305 = vector.broadcast %add3A_304 : i32 to vector<16xi32>
    %add3A_306 = arith.addi %mul3A_303, %add3A_305 : vector<16xi32>
    tpu.vector_store_idx %arg9[%add3A_306], %select_n3A_300 : memref<512xf32, #tpu.memory_space<vmem>>[vector<16xi32>], vector<16xf32>,
    %add3A_307 = arith.constant 48 : i32
    %add3A_308 = vector.broadcast %add3A_307 : i32 to vector<16xi32>
    %add3A_309 = arith.addi %add3A_308, %iota3A : vector<16xi32>
    %mul3A_310 = arith.constant 0 : i32
    %mul3A_311 = vector.broadcast %mul3A_310 : i32 to vector<16xi32>
    %mul3A_312 = arith.muli %iota3A, %mul3A_311 : vector<16xi32>
    %gather3A_313 = tpu.vector_load_idx %arg7[%add3A_309, %mul3A_312] : memref<128x2xf32, #tpu.memory_space<vmem>>[vector<16xi32>, vector<16xi32>], vector<16xf32>,
    %mul3A_314 = arith.constant 0 : i32
    %mul3A_315 = vector.broadcast %mul3A_314 : i32 to vector<16xi32>
    %mul3A_316 = arith.muli %iota3A, %mul3A_315 : vector<16xi32>
    %add3A_317 = arith.constant 1 : i32
    %add3A_318 = vector.broadcast %add3A_317 : i32 to vector<16xi32>
    %add3A_319 = arith.addi %mul3A_316, %add3A_318 : vector<16xi32>
    %gather3A_320 = tpu.vector_load_idx %arg7[%add3A_309, %add3A_319] : memref<128x2xf32, #tpu.memory_space<vmem>>[vector<16xi32>, vector<16xi32>], vector<16xf32>,
    %mul3A_321 = arith.constant 0 : i32
    %mul3A_322 = vector.broadcast %mul3A_321 : i32 to vector<16xi32>
    %mul3A_323 = arith.muli %iota3A, %mul3A_322 : vector<16xi32>
    %add3A_324 = arith.constant 0 : i32
    %add3A_325 = vector.broadcast %add3A_324 : i32 to vector<16xi32>
    %add3A_326 = arith.addi %mul3A_323, %add3A_325 : vector<16xi32>
    %gather3A_327 = tpu.vector_load_idx %arg8[%add3A_309, %add3A_326] : memref<128x128xf32, #tpu.memory_space<vmem>>[vector<16xi32>, vector<16xi32>], vector<16xf32>,
    %exp3A_328 = math.exp %gather3A_327 : vector<16xf32>
    %mul3A_329 = arith.mulf %exp3A_328, %gather3A_313 : vector<16xf32>
    %eq3A_330 = arith.constant 0.000000e+00 : f32
    %eq3A_331 = vector.broadcast %eq3A_330 : f32 to vector<16xf32>
    %eq3A_332 = arith.cmpf oeq, %mul3A_329, %eq3A_331 : vector<16xf32>
    %add3A_333 = arith.addf %gather3A_327, %gather3A_320 : vector<16xf32>
    %jit3A_334 = arith.constant -15.9423847 : f32
    %broadcast_in_dim3A_335 = vector.broadcast %jit3A_334 : f32 to vector<16xf32>
    %select_n3A_336 = arith.select %eq3A_332, %broadcast_in_dim3A_335, %add3A_333 : vector<16xi1>, vector<16xf32>
    %mul3A_337 = arith.constant 4 : i32
    %mul3A_338 = vector.broadcast %mul3A_337 : i32 to vector<16xi32>
    %mul3A_339 = arith.muli %add3A_309, %mul3A_338 : vector<16xi32>
    %add3A_340 = arith.constant 0 : i32
    %add3A_341 = vector.broadcast %add3A_340 : i32 to vector<16xi32>
    %add3A_342 = arith.addi %mul3A_339, %add3A_341 : vector<16xi32>
    tpu.vector_store_idx %arg9[%add3A_342], %select_n3A_336 : memref<512xf32, #tpu.memory_space<vmem>>[vector<16xi32>], vector<16xf32>,
    %mul3A_343 = arith.constant 0 : i32
    %mul3A_344 = vector.broadcast %mul3A_343 : i32 to vector<16xi32>
    %mul3A_345 = arith.muli %iota3A, %mul3A_344 : vector<16xi32>
    %add3A_346 = arith.constant 1 : i32
    %add3A_347 = vector.broadcast %add3A_346 : i32 to vector<16xi32>
    %add3A_348 = arith.addi %mul3A_345, %add3A_347 : vector<16xi32>
    %gather3A_349 = tpu.vector_load_idx %arg8[%add3A_309, %add3A_348] : memref<128x128xf32, #tpu.memory_space<vmem>>[vector<16xi32>, vector<16xi32>], vector<16xf32>,
    %exp3A_350 = math.exp %gather3A_349 : vector<16xf32>
    %mul3A_351 = arith.mulf %exp3A_350, %gather3A_313 : vector<16xf32>
    %eq3A_352 = arith.constant 0.000000e+00 : f32
    %eq3A_353 = vector.broadcast %eq3A_352 : f32 to vector<16xf32>
    %eq3A_354 = arith.cmpf oeq, %mul3A_351, %eq3A_353 : vector<16xf32>
    %add3A_355 = arith.addf %gather3A_349, %gather3A_320 : vector<16xf32>
    %jit3A_356 = arith.constant -15.9423847 : f32
    %broadcast_in_dim3A_357 = vector.broadcast %jit3A_356 : f32 to vector<16xf32>
    %select_n3A_358 = arith.select %eq3A_354, %broadcast_in_dim3A_357, %add3A_355 : vector<16xi1>, vector<16xf32>
    %mul3A_359 = arith.constant 4 : i32
    %mul3A_360 = vector.broadcast %mul3A_359 : i32 to vector<16xi32>
    %mul3A_361 = arith.muli %add3A_309, %mul3A_360 : vector<16xi32>
    %add3A_362 = arith.constant 1 : i32
    %add3A_363 = vector.broadcast %add3A_362 : i32 to vector<16xi32>
    %add3A_364 = arith.addi %mul3A_361, %add3A_363 : vector<16xi32>
    tpu.vector_store_idx %arg9[%add3A_364], %select_n3A_358 : memref<512xf32, #tpu.memory_space<vmem>>[vector<16xi32>], vector<16xf32>,
    %mul3A_365 = arith.constant 0 : i32
    %mul3A_366 = vector.broadcast %mul3A_365 : i32 to vector<16xi32>
    %mul3A_367 = arith.muli %iota3A, %mul3A_366 : vector<16xi32>
    %add3A_368 = arith.constant 2 : i32
    %add3A_369 = vector.broadcast %add3A_368 : i32 to vector<16xi32>
    %add3A_370 = arith.addi %mul3A_367, %add3A_369 : vector<16xi32>
    %gather3A_371 = tpu.vector_load_idx %arg8[%add3A_309, %add3A_370] : memref<128x128xf32, #tpu.memory_space<vmem>>[vector<16xi32>, vector<16xi32>], vector<16xf32>,
    %exp3A_372 = math.exp %gather3A_371 : vector<16xf32>
    %mul3A_373 = arith.mulf %exp3A_372, %gather3A_313 : vector<16xf32>
    %eq3A_374 = arith.constant 0.000000e+00 : f32
    %eq3A_375 = vector.broadcast %eq3A_374 : f32 to vector<16xf32>
    %eq3A_376 = arith.cmpf oeq, %mul3A_373, %eq3A_375 : vector<16xf32>
    %add3A_377 = arith.addf %gather3A_371, %gather3A_320 : vector<16xf32>
    %jit3A_378 = arith.constant -15.9423847 : f32
    %broadcast_in_dim3A_379 = vector.broadcast %jit3A_378 : f32 to vector<16xf32>
    %select_n3A_380 = arith.select %eq3A_376, %broadcast_in_dim3A_379, %add3A_377 : vector<16xi1>, vector<16xf32>
    %mul3A_381 = arith.constant 4 : i32
    %mul3A_382 = vector.broadcast %mul3A_381 : i32 to vector<16xi32>
    %mul3A_383 = arith.muli %add3A_309, %mul3A_382 : vector<16xi32>
    %add3A_384 = arith.constant 2 : i32
    %add3A_385 = vector.broadcast %add3A_384 : i32 to vector<16xi32>
    %add3A_386 = arith.addi %mul3A_383, %add3A_385 : vector<16xi32>
    tpu.vector_store_idx %arg9[%add3A_386], %select_n3A_380 : memref<512xf32, #tpu.memory_space<vmem>>[vector<16xi32>], vector<16xf32>,
    %mul3A_387 = arith.constant 0 : i32
    %mul3A_388 = vector.broadcast %mul3A_387 : i32 to vector<16xi32>
    %mul3A_389 = arith.muli %iota3A, %mul3A_388 : vector<16xi32>
    %add3A_390 = arith.constant 3 : i32
    %add3A_391 = vector.broadcast %add3A_390 : i32 to vector<16xi32>
    %add3A_392 = arith.addi %mul3A_389, %add3A_391 : vector<16xi32>
    %gather3A_393 = tpu.vector_load_idx %arg8[%add3A_309, %add3A_392] : memref<128x128xf32, #tpu.memory_space<vmem>>[vector<16xi32>, vector<16xi32>], vector<16xf32>,
    %exp3A_394 = math.exp %gather3A_393 : vector<16xf32>
    %mul3A_395 = arith.mulf %exp3A_394, %gather3A_313 : vector<16xf32>
    %eq3A_396 = arith.constant 0.000000e+00 : f32
    %eq3A_397 = vector.broadcast %eq3A_396 : f32 to vector<16xf32>
    %eq3A_398 = arith.cmpf oeq, %mul3A_395, %eq3A_397 : vector<16xf32>
    %add3A_399 = arith.addf %gather3A_393, %gather3A_320 : vector<16xf32>
    %jit3A_400 = arith.constant -15.9423847 : f32
    %broadcast_in_dim3A_401 = vector.broadcast %jit3A_400 : f32 to vector<16xf32>
    %select_n3A_402 = arith.select %eq3A_398, %broadcast_in_dim3A_401, %add3A_399 : vector<16xi1>, vector<16xf32>
    %mul3A_403 = arith.constant 4 : i32
    %mul3A_404 = vector.broadcast %mul3A_403 : i32 to vector<16xi32>
    %mul3A_405 = arith.muli %add3A_309, %mul3A_404 : vector<16xi32>
    %add3A_406 = arith.constant 3 : i32
    %add3A_407 = vector.broadcast %add3A_406 : i32 to vector<16xi32>
    %add3A_408 = arith.addi %mul3A_405, %add3A_407 : vector<16xi32>
    tpu.vector_store_idx %arg9[%add3A_408], %select_n3A_402 : memref<512xf32, #tpu.memory_space<vmem>>[vector<16xi32>], vector<16xf32>,
    %add3A_409 = arith.constant 64 : i32
    %add3A_410 = vector.broadcast %add3A_409 : i32 to vector<16xi32>
    %add3A_411 = arith.addi %add3A_410, %iota3A : vector<16xi32>
    %mul3A_412 = arith.constant 0 : i32
    %mul3A_413 = vector.broadcast %mul3A_412 : i32 to vector<16xi32>
    %mul3A_414 = arith.muli %iota3A, %mul3A_413 : vector<16xi32>
    %gather3A_415 = tpu.vector_load_idx %arg7[%add3A_411, %mul3A_414] : memref<128x2xf32, #tpu.memory_space<vmem>>[vector<16xi32>, vector<16xi32>], vector<16xf32>,
    %mul3A_416 = arith.constant 0 : i32
    %mul3A_417 = vector.broadcast %mul3A_416 : i32 to vector<16xi32>
    %mul3A_418 = arith.muli %iota3A, %mul3A_417 : vector<16xi32>
    %add3A_419 = arith.constant 1 : i32
    %add3A_420 = vector.broadcast %add3A_419 : i32 to vector<16xi32>
    %add3A_421 = arith.addi %mul3A_418, %add3A_420 : vector<16xi32>
    %gather3A_422 = tpu.vector_load_idx %arg7[%add3A_411, %add3A_421] : memref<128x2xf32, #tpu.memory_space<vmem>>[vector<16xi32>, vector<16xi32>], vector<16xf32>,
    %mul3A_423 = arith.constant 0 : i32
    %mul3A_424 = vector.broadcast %mul3A_423 : i32 to vector<16xi32>
    %mul3A_425 = arith.muli %iota3A, %mul3A_424 : vector<16xi32>
    %add3A_426 = arith.constant 0 : i32
    %add3A_427 = vector.broadcast %add3A_426 : i32 to vector<16xi32>
    %add3A_428 = arith.addi %mul3A_425, %add3A_427 : vector<16xi32>
    %gather3A_429 = tpu.vector_load_idx %arg8[%add3A_411, %add3A_428] : memref<128x128xf32, #tpu.memory_space<vmem>>[vector<16xi32>, vector<16xi32>], vector<16xf32>,
    %exp3A_430 = math.exp %gather3A_429 : vector<16xf32>
    %mul3A_431 = arith.mulf %exp3A_430, %gather3A_415 : vector<16xf32>
    %eq3A_432 = arith.constant 0.000000e+00 : f32
    %eq3A_433 = vector.broadcast %eq3A_432 : f32 to vector<16xf32>
    %eq3A_434 = arith.cmpf oeq, %mul3A_431, %eq3A_433 : vector<16xf32>
    %add3A_435 = arith.addf %gather3A_429, %gather3A_422 : vector<16xf32>
    %jit3A_436 = arith.constant -15.9423847 : f32
    %broadcast_in_dim3A_437 = vector.broadcast %jit3A_436 : f32 to vector<16xf32>
    %select_n3A_438 = arith.select %eq3A_434, %broadcast_in_dim3A_437, %add3A_435 : vector<16xi1>, vector<16xf32>
    %mul3A_439 = arith.constant 4 : i32
    %mul3A_440 = vector.broadcast %mul3A_439 : i32 to vector<16xi32>
    %mul3A_441 = arith.muli %add3A_411, %mul3A_440 : vector<16xi32>
    %add3A_442 = arith.constant 0 : i32
    %add3A_443 = vector.broadcast %add3A_442 : i32 to vector<16xi32>
    %add3A_444 = arith.addi %mul3A_441, %add3A_443 : vector<16xi32>
    tpu.vector_store_idx %arg9[%add3A_444], %select_n3A_438 : memref<512xf32, #tpu.memory_space<vmem>>[vector<16xi32>], vector<16xf32>,
    %mul3A_445 = arith.constant 0 : i32
    %mul3A_446 = vector.broadcast %mul3A_445 : i32 to vector<16xi32>
    %mul3A_447 = arith.muli %iota3A, %mul3A_446 : vector<16xi32>
    %add3A_448 = arith.constant 1 : i32
    %add3A_449 = vector.broadcast %add3A_448 : i32 to vector<16xi32>
    %add3A_450 = arith.addi %mul3A_447, %add3A_449 : vector<16xi32>
    %gather3A_451 = tpu.vector_load_idx %arg8[%add3A_411, %add3A_450] : memref<128x128xf32, #tpu.memory_space<vmem>>[vector<16xi32>, vector<16xi32>], vector<16xf32>,
    %exp3A_452 = math.exp %gather3A_451 : vector<16xf32>
    %mul3A_453 = arith.mulf %exp3A_452, %gather3A_415 : vector<16xf32>
    %eq3A_454 = arith.constant 0.000000e+00 : f32
    %eq3A_455 = vector.broadcast %eq3A_454 : f32 to vector<16xf32>
    %eq3A_456 = arith.cmpf oeq, %mul3A_453, %eq3A_455 : vector<16xf32>
    %add3A_457 = arith.addf %gather3A_451, %gather3A_422 : vector<16xf32>
    %jit3A_458 = arith.constant -15.9423847 : f32
    %broadcast_in_dim3A_459 = vector.broadcast %jit3A_458 : f32 to vector<16xf32>
    %select_n3A_460 = arith.select %eq3A_456, %broadcast_in_dim3A_459, %add3A_457 : vector<16xi1>, vector<16xf32>
    %mul3A_461 = arith.constant 4 : i32
    %mul3A_462 = vector.broadcast %mul3A_461 : i32 to vector<16xi32>
    %mul3A_463 = arith.muli %add3A_411, %mul3A_462 : vector<16xi32>
    %add3A_464 = arith.constant 1 : i32
    %add3A_465 = vector.broadcast %add3A_464 : i32 to vector<16xi32>
    %add3A_466 = arith.addi %mul3A_463, %add3A_465 : vector<16xi32>
    tpu.vector_store_idx %arg9[%add3A_466], %select_n3A_460 : memref<512xf32, #tpu.memory_space<vmem>>[vector<16xi32>], vector<16xf32>,
    %mul3A_467 = arith.constant 0 : i32
    %mul3A_468 = vector.broadcast %mul3A_467 : i32 to vector<16xi32>
    %mul3A_469 = arith.muli %iota3A, %mul3A_468 : vector<16xi32>
    %add3A_470 = arith.constant 2 : i32
    %add3A_471 = vector.broadcast %add3A_470 : i32 to vector<16xi32>
    %add3A_472 = arith.addi %mul3A_469, %add3A_471 : vector<16xi32>
    %gather3A_473 = tpu.vector_load_idx %arg8[%add3A_411, %add3A_472] : memref<128x128xf32, #tpu.memory_space<vmem>>[vector<16xi32>, vector<16xi32>], vector<16xf32>,
    %exp3A_474 = math.exp %gather3A_473 : vector<16xf32>
    %mul3A_475 = arith.mulf %exp3A_474, %gather3A_415 : vector<16xf32>
    %eq3A_476 = arith.constant 0.000000e+00 : f32
    %eq3A_477 = vector.broadcast %eq3A_476 : f32 to vector<16xf32>
    %eq3A_478 = arith.cmpf oeq, %mul3A_475, %eq3A_477 : vector<16xf32>
    %add3A_479 = arith.addf %gather3A_473, %gather3A_422 : vector<16xf32>
    %jit3A_480 = arith.constant -15.9423847 : f32
    %broadcast_in_dim3A_481 = vector.broadcast %jit3A_480 : f32 to vector<16xf32>
    %select_n3A_482 = arith.select %eq3A_478, %broadcast_in_dim3A_481, %add3A_479 : vector<16xi1>, vector<16xf32>
    %mul3A_483 = arith.constant 4 : i32
    %mul3A_484 = vector.broadcast %mul3A_483 : i32 to vector<16xi32>
    %mul3A_485 = arith.muli %add3A_411, %mul3A_484 : vector<16xi32>
    %add3A_486 = arith.constant 2 : i32
    %add3A_487 = vector.broadcast %add3A_486 : i32 to vector<16xi32>
    %add3A_488 = arith.addi %mul3A_485, %add3A_487 : vector<16xi32>
    tpu.vector_store_idx %arg9[%add3A_488], %select_n3A_482 : memref<512xf32, #tpu.memory_space<vmem>>[vector<16xi32>], vector<16xf32>,
    %mul3A_489 = arith.constant 0 : i32
    %mul3A_490 = vector.broadcast %mul3A_489 : i32 to vector<16xi32>
    %mul3A_491 = arith.muli %iota3A, %mul3A_490 : vector<16xi32>
    %add3A_492 = arith.constant 3 : i32
    %add3A_493 = vector.broadcast %add3A_492 : i32 to vector<16xi32>
    %add3A_494 = arith.addi %mul3A_491, %add3A_493 : vector<16xi32>
    %gather3A_495 = tpu.vector_load_idx %arg8[%add3A_411, %add3A_494] : memref<128x128xf32, #tpu.memory_space<vmem>>[vector<16xi32>, vector<16xi32>], vector<16xf32>,
    %exp3A_496 = math.exp %gather3A_495 : vector<16xf32>
    %mul3A_497 = arith.mulf %exp3A_496, %gather3A_415 : vector<16xf32>
    %eq3A_498 = arith.constant 0.000000e+00 : f32
    %eq3A_499 = vector.broadcast %eq3A_498 : f32 to vector<16xf32>
    %eq3A_500 = arith.cmpf oeq, %mul3A_497, %eq3A_499 : vector<16xf32>
    %add3A_501 = arith.addf %gather3A_495, %gather3A_422 : vector<16xf32>
    %jit3A_502 = arith.constant -15.9423847 : f32
    %broadcast_in_dim3A_503 = vector.broadcast %jit3A_502 : f32 to vector<16xf32>
    %select_n3A_504 = arith.select %eq3A_500, %broadcast_in_dim3A_503, %add3A_501 : vector<16xi1>, vector<16xf32>
    %mul3A_505 = arith.constant 4 : i32
    %mul3A_506 = vector.broadcast %mul3A_505 : i32 to vector<16xi32>
    %mul3A_507 = arith.muli %add3A_411, %mul3A_506 : vector<16xi32>
    %add3A_508 = arith.constant 3 : i32
    %add3A_509 = vector.broadcast %add3A_508 : i32 to vector<16xi32>
    %add3A_510 = arith.addi %mul3A_507, %add3A_509 : vector<16xi32>
    tpu.vector_store_idx %arg9[%add3A_510], %select_n3A_504 : memref<512xf32, #tpu.memory_space<vmem>>[vector<16xi32>], vector<16xf32>,
    %add3A_511 = arith.constant 80 : i32
    %add3A_512 = vector.broadcast %add3A_511 : i32 to vector<16xi32>
    %add3A_513 = arith.addi %add3A_512, %iota3A : vector<16xi32>
    %mul3A_514 = arith.constant 0 : i32
    %mul3A_515 = vector.broadcast %mul3A_514 : i32 to vector<16xi32>
    %mul3A_516 = arith.muli %iota3A, %mul3A_515 : vector<16xi32>
    %gather3A_517 = tpu.vector_load_idx %arg7[%add3A_513, %mul3A_516] : memref<128x2xf32, #tpu.memory_space<vmem>>[vector<16xi32>, vector<16xi32>], vector<16xf32>,
    %mul3A_518 = arith.constant 0 : i32
    %mul3A_519 = vector.broadcast %mul3A_518 : i32 to vector<16xi32>
    %mul3A_520 = arith.muli %iota3A, %mul3A_519 : vector<16xi32>
    %add3A_521 = arith.constant 1 : i32
    %add3A_522 = vector.broadcast %add3A_521 : i32 to vector<16xi32>
    %add3A_523 = arith.addi %mul3A_520, %add3A_522 : vector<16xi32>
    %gather3A_524 = tpu.vector_load_idx %arg7[%add3A_513, %add3A_523] : memref<128x2xf32, #tpu.memory_space<vmem>>[vector<16xi32>, vector<16xi32>], vector<16xf32>,
    %mul3A_525 = arith.constant 0 : i32
    %mul3A_526 = vector.broadcast %mul3A_525 : i32 to vector<16xi32>
    %mul3A_527 = arith.muli %iota3A, %mul3A_526 : vector<16xi32>
    %add3A_528 = arith.constant 0 : i32
    %add3A_529 = vector.broadcast %add3A_528 : i32 to vector<16xi32>
    %add3A_530 = arith.addi %mul3A_527, %add3A_529 : vector<16xi32>
    %gather3A_531 = tpu.vector_load_idx %arg8[%add3A_513, %add3A_530] : memref<128x128xf32, #tpu.memory_space<vmem>>[vector<16xi32>, vector<16xi32>], vector<16xf32>,
    %exp3A_532 = math.exp %gather3A_531 : vector<16xf32>
    %mul3A_533 = arith.mulf %exp3A_532, %gather3A_517 : vector<16xf32>
    %eq3A_534 = arith.constant 0.000000e+00 : f32
    %eq3A_535 = vector.broadcast %eq3A_534 : f32 to vector<16xf32>
    %eq3A_536 = arith.cmpf oeq, %mul3A_533, %eq3A_535 : vector<16xf32>
    %add3A_537 = arith.addf %gather3A_531, %gather3A_524 : vector<16xf32>
    %jit3A_538 = arith.constant -15.9423847 : f32
    %broadcast_in_dim3A_539 = vector.broadcast %jit3A_538 : f32 to vector<16xf32>
    %select_n3A_540 = arith.select %eq3A_536, %broadcast_in_dim3A_539, %add3A_537 : vector<16xi1>, vector<16xf32>
    %mul3A_541 = arith.constant 4 : i32
    %mul3A_542 = vector.broadcast %mul3A_541 : i32 to vector<16xi32>
    %mul3A_543 = arith.muli %add3A_513, %mul3A_542 : vector<16xi32>
    %add3A_544 = arith.constant 0 : i32
    %add3A_545 = vector.broadcast %add3A_544 : i32 to vector<16xi32>
    %add3A_546 = arith.addi %mul3A_543, %add3A_545 : vector<16xi32>
    tpu.vector_store_idx %arg9[%add3A_546], %select_n3A_540 : memref<512xf32, #tpu.memory_space<vmem>>[vector<16xi32>], vector<16xf32>,
    %mul3A_547 = arith.constant 0 : i32
    %mul3A_548 = vector.broadcast %mul3A_547 : i32 to vector<16xi32>
    %mul3A_549 = arith.muli %iota3A, %mul3A_548 : vector<16xi32>
    %add3A_550 = arith.constant 1 : i32
    %add3A_551 = vector.broadcast %add3A_550 : i32 to vector<16xi32>
    %add3A_552 = arith.addi %mul3A_549, %add3A_551 : vector<16xi32>
    %gather3A_553 = tpu.vector_load_idx %arg8[%add3A_513, %add3A_552] : memref<128x128xf32, #tpu.memory_space<vmem>>[vector<16xi32>, vector<16xi32>], vector<16xf32>,
    %exp3A_554 = math.exp %gather3A_553 : vector<16xf32>
    %mul3A_555 = arith.mulf %exp3A_554, %gather3A_517 : vector<16xf32>
    %eq3A_556 = arith.constant 0.000000e+00 : f32
    %eq3A_557 = vector.broadcast %eq3A_556 : f32 to vector<16xf32>
    %eq3A_558 = arith.cmpf oeq, %mul3A_555, %eq3A_557 : vector<16xf32>
    %add3A_559 = arith.addf %gather3A_553, %gather3A_524 : vector<16xf32>
    %jit3A_560 = arith.constant -15.9423847 : f32
    %broadcast_in_dim3A_561 = vector.broadcast %jit3A_560 : f32 to vector<16xf32>
    %select_n3A_562 = arith.select %eq3A_558, %broadcast_in_dim3A_561, %add3A_559 : vector<16xi1>, vector<16xf32>
    %mul3A_563 = arith.constant 4 : i32
    %mul3A_564 = vector.broadcast %mul3A_563 : i32 to vector<16xi32>
    %mul3A_565 = arith.muli %add3A_513, %mul3A_564 : vector<16xi32>
    %add3A_566 = arith.constant 1 : i32
    %add3A_567 = vector.broadcast %add3A_566 : i32 to vector<16xi32>
    %add3A_568 = arith.addi %mul3A_565, %add3A_567 : vector<16xi32>
    tpu.vector_store_idx %arg9[%add3A_568], %select_n3A_562 : memref<512xf32, #tpu.memory_space<vmem>>[vector<16xi32>], vector<16xf32>,
    %mul3A_569 = arith.constant 0 : i32
    %mul3A_570 = vector.broadcast %mul3A_569 : i32 to vector<16xi32>
    %mul3A_571 = arith.muli %iota3A, %mul3A_570 : vector<16xi32>
    %add3A_572 = arith.constant 2 : i32
    %add3A_573 = vector.broadcast %add3A_572 : i32 to vector<16xi32>
    %add3A_574 = arith.addi %mul3A_571, %add3A_573 : vector<16xi32>
    %gather3A_575 = tpu.vector_load_idx %arg8[%add3A_513, %add3A_574] : memref<128x128xf32, #tpu.memory_space<vmem>>[vector<16xi32>, vector<16xi32>], vector<16xf32>,
    %exp3A_576 = math.exp %gather3A_575 : vector<16xf32>
    %mul3A_577 = arith.mulf %exp3A_576, %gather3A_517 : vector<16xf32>
    %eq3A_578 = arith.constant 0.000000e+00 : f32
    %eq3A_579 = vector.broadcast %eq3A_578 : f32 to vector<16xf32>
    %eq3A_580 = arith.cmpf oeq, %mul3A_577, %eq3A_579 : vector<16xf32>
    %add3A_581 = arith.addf %gather3A_575, %gather3A_524 : vector<16xf32>
    %jit3A_582 = arith.constant -15.9423847 : f32
    %broadcast_in_dim3A_583 = vector.broadcast %jit3A_582 : f32 to vector<16xf32>
    %select_n3A_584 = arith.select %eq3A_580, %broadcast_in_dim3A_583, %add3A_581 : vector<16xi1>, vector<16xf32>
    %mul3A_585 = arith.constant 4 : i32
    %mul3A_586 = vector.broadcast %mul3A_585 : i32 to vector<16xi32>
    %mul3A_587 = arith.muli %add3A_513, %mul3A_586 : vector<16xi32>
    %add3A_588 = arith.constant 2 : i32
    %add3A_589 = vector.broadcast %add3A_588 : i32 to vector<16xi32>
    %add3A_590 = arith.addi %mul3A_587, %add3A_589 : vector<16xi32>
    tpu.vector_store_idx %arg9[%add3A_590], %select_n3A_584 : memref<512xf32, #tpu.memory_space<vmem>>[vector<16xi32>], vector<16xf32>,
    %mul3A_591 = arith.constant 0 : i32
    %mul3A_592 = vector.broadcast %mul3A_591 : i32 to vector<16xi32>
    %mul3A_593 = arith.muli %iota3A, %mul3A_592 : vector<16xi32>
    %add3A_594 = arith.constant 3 : i32
    %add3A_595 = vector.broadcast %add3A_594 : i32 to vector<16xi32>
    %add3A_596 = arith.addi %mul3A_593, %add3A_595 : vector<16xi32>
    %gather3A_597 = tpu.vector_load_idx %arg8[%add3A_513, %add3A_596] : memref<128x128xf32, #tpu.memory_space<vmem>>[vector<16xi32>, vector<16xi32>], vector<16xf32>,
    %exp3A_598 = math.exp %gather3A_597 : vector<16xf32>
    %mul3A_599 = arith.mulf %exp3A_598, %gather3A_517 : vector<16xf32>
    %eq3A_600 = arith.constant 0.000000e+00 : f32
    %eq3A_601 = vector.broadcast %eq3A_600 : f32 to vector<16xf32>
    %eq3A_602 = arith.cmpf oeq, %mul3A_599, %eq3A_601 : vector<16xf32>
    %add3A_603 = arith.addf %gather3A_597, %gather3A_524 : vector<16xf32>
    %jit3A_604 = arith.constant -15.9423847 : f32
    %broadcast_in_dim3A_605 = vector.broadcast %jit3A_604 : f32 to vector<16xf32>
    %select_n3A_606 = arith.select %eq3A_602, %broadcast_in_dim3A_605, %add3A_603 : vector<16xi1>, vector<16xf32>
    %mul3A_607 = arith.constant 4 : i32
    %mul3A_608 = vector.broadcast %mul3A_607 : i32 to vector<16xi32>
    %mul3A_609 = arith.muli %add3A_513, %mul3A_608 : vector<16xi32>
    %add3A_610 = arith.constant 3 : i32
    %add3A_611 = vector.broadcast %add3A_610 : i32 to vector<16xi32>
    %add3A_612 = arith.addi %mul3A_609, %add3A_611 : vector<16xi32>
    tpu.vector_store_idx %arg9[%add3A_612], %select_n3A_606 : memref<512xf32, #tpu.memory_space<vmem>>[vector<16xi32>], vector<16xf32>,
    %add3A_613 = arith.constant 96 : i32
    %add3A_614 = vector.broadcast %add3A_613 : i32 to vector<16xi32>
    %add3A_615 = arith.addi %add3A_614, %iota3A : vector<16xi32>
    %mul3A_616 = arith.constant 0 : i32
    %mul3A_617 = vector.broadcast %mul3A_616 : i32 to vector<16xi32>
    %mul3A_618 = arith.muli %iota3A, %mul3A_617 : vector<16xi32>
    %gather3A_619 = tpu.vector_load_idx %arg7[%add3A_615, %mul3A_618] : memref<128x2xf32, #tpu.memory_space<vmem>>[vector<16xi32>, vector<16xi32>], vector<16xf32>,
    %mul3A_620 = arith.constant 0 : i32
    %mul3A_621 = vector.broadcast %mul3A_620 : i32 to vector<16xi32>
    %mul3A_622 = arith.muli %iota3A, %mul3A_621 : vector<16xi32>
    %add3A_623 = arith.constant 1 : i32
    %add3A_624 = vector.broadcast %add3A_623 : i32 to vector<16xi32>
    %add3A_625 = arith.addi %mul3A_622, %add3A_624 : vector<16xi32>
    %gather3A_626 = tpu.vector_load_idx %arg7[%add3A_615, %add3A_625] : memref<128x2xf32, #tpu.memory_space<vmem>>[vector<16xi32>, vector<16xi32>], vector<16xf32>,
    %mul3A_627 = arith.constant 0 : i32
    %mul3A_628 = vector.broadcast %mul3A_627 : i32 to vector<16xi32>
    %mul3A_629 = arith.muli %iota3A, %mul3A_628 : vector<16xi32>
    %add3A_630 = arith.constant 0 : i32
    %add3A_631 = vector.broadcast %add3A_630 : i32 to vector<16xi32>
    %add3A_632 = arith.addi %mul3A_629, %add3A_631 : vector<16xi32>
    %gather3A_633 = tpu.vector_load_idx %arg8[%add3A_615, %add3A_632] : memref<128x128xf32, #tpu.memory_space<vmem>>[vector<16xi32>, vector<16xi32>], vector<16xf32>,
    %exp3A_634 = math.exp %gather3A_633 : vector<16xf32>
    %mul3A_635 = arith.mulf %exp3A_634, %gather3A_619 : vector<16xf32>
    %eq3A_636 = arith.constant 0.000000e+00 : f32
    %eq3A_637 = vector.broadcast %eq3A_636 : f32 to vector<16xf32>
    %eq3A_638 = arith.cmpf oeq, %mul3A_635, %eq3A_637 : vector<16xf32>
    %add3A_639 = arith.addf %gather3A_633, %gather3A_626 : vector<16xf32>
    %jit3A_640 = arith.constant -15.9423847 : f32
    %broadcast_in_dim3A_641 = vector.broadcast %jit3A_640 : f32 to vector<16xf32>
    %select_n3A_642 = arith.select %eq3A_638, %broadcast_in_dim3A_641, %add3A_639 : vector<16xi1>, vector<16xf32>
    %mul3A_643 = arith.constant 4 : i32
    %mul3A_644 = vector.broadcast %mul3A_643 : i32 to vector<16xi32>
    %mul3A_645 = arith.muli %add3A_615, %mul3A_644 : vector<16xi32>
    %add3A_646 = arith.constant 0 : i32
    %add3A_647 = vector.broadcast %add3A_646 : i32 to vector<16xi32>
    %add3A_648 = arith.addi %mul3A_645, %add3A_647 : vector<16xi32>
    tpu.vector_store_idx %arg9[%add3A_648], %select_n3A_642 : memref<512xf32, #tpu.memory_space<vmem>>[vector<16xi32>], vector<16xf32>,
    %mul3A_649 = arith.constant 0 : i32
    %mul3A_650 = vector.broadcast %mul3A_649 : i32 to vector<16xi32>
    %mul3A_651 = arith.muli %iota3A, %mul3A_650 : vector<16xi32>
    %add3A_652 = arith.constant 1 : i32
    %add3A_653 = vector.broadcast %add3A_652 : i32 to vector<16xi32>
    %add3A_654 = arith.addi %mul3A_651, %add3A_653 : vector<16xi32>
    %gather3A_655 = tpu.vector_load_idx %arg8[%add3A_615, %add3A_654] : memref<128x128xf32, #tpu.memory_space<vmem>>[vector<16xi32>, vector<16xi32>], vector<16xf32>,
    %exp3A_656 = math.exp %gather3A_655 : vector<16xf32>
    %mul3A_657 = arith.mulf %exp3A_656, %gather3A_619 : vector<16xf32>
    %eq3A_658 = arith.constant 0.000000e+00 : f32
    %eq3A_659 = vector.broadcast %eq3A_658 : f32 to vector<16xf32>
    %eq3A_660 = arith.cmpf oeq, %mul3A_657, %eq3A_659 : vector<16xf32>
    %add3A_661 = arith.addf %gather3A_655, %gather3A_626 : vector<16xf32>
    %jit3A_662 = arith.constant -15.9423847 : f32
    %broadcast_in_dim3A_663 = vector.broadcast %jit3A_662 : f32 to vector<16xf32>
    %select_n3A_664 = arith.select %eq3A_660, %broadcast_in_dim3A_663, %add3A_661 : vector<16xi1>, vector<16xf32>
    %mul3A_665 = arith.constant 4 : i32
    %mul3A_666 = vector.broadcast %mul3A_665 : i32 to vector<16xi32>
    %mul3A_667 = arith.muli %add3A_615, %mul3A_666 : vector<16xi32>
    %add3A_668 = arith.constant 1 : i32
    %add3A_669 = vector.broadcast %add3A_668 : i32 to vector<16xi32>
    %add3A_670 = arith.addi %mul3A_667, %add3A_669 : vector<16xi32>
    tpu.vector_store_idx %arg9[%add3A_670], %select_n3A_664 : memref<512xf32, #tpu.memory_space<vmem>>[vector<16xi32>], vector<16xf32>,
    %mul3A_671 = arith.constant 0 : i32
    %mul3A_672 = vector.broadcast %mul3A_671 : i32 to vector<16xi32>
    %mul3A_673 = arith.muli %iota3A, %mul3A_672 : vector<16xi32>
    %add3A_674 = arith.constant 2 : i32
    %add3A_675 = vector.broadcast %add3A_674 : i32 to vector<16xi32>
    %add3A_676 = arith.addi %mul3A_673, %add3A_675 : vector<16xi32>
    %gather3A_677 = tpu.vector_load_idx %arg8[%add3A_615, %add3A_676] : memref<128x128xf32, #tpu.memory_space<vmem>>[vector<16xi32>, vector<16xi32>], vector<16xf32>,
    %exp3A_678 = math.exp %gather3A_677 : vector<16xf32>
    %mul3A_679 = arith.mulf %exp3A_678, %gather3A_619 : vector<16xf32>
    %eq3A_680 = arith.constant 0.000000e+00 : f32
    %eq3A_681 = vector.broadcast %eq3A_680 : f32 to vector<16xf32>
    %eq3A_682 = arith.cmpf oeq, %mul3A_679, %eq3A_681 : vector<16xf32>
    %add3A_683 = arith.addf %gather3A_677, %gather3A_626 : vector<16xf32>
    %jit3A_684 = arith.constant -15.9423847 : f32
    %broadcast_in_dim3A_685 = vector.broadcast %jit3A_684 : f32 to vector<16xf32>
    %select_n3A_686 = arith.select %eq3A_682, %broadcast_in_dim3A_685, %add3A_683 : vector<16xi1>, vector<16xf32>
    %mul3A_687 = arith.constant 4 : i32
    %mul3A_688 = vector.broadcast %mul3A_687 : i32 to vector<16xi32>
    %mul3A_689 = arith.muli %add3A_615, %mul3A_688 : vector<16xi32>
    %add3A_690 = arith.constant 2 : i32
    %add3A_691 = vector.broadcast %add3A_690 : i32 to vector<16xi32>
    %add3A_692 = arith.addi %mul3A_689, %add3A_691 : vector<16xi32>
    tpu.vector_store_idx %arg9[%add3A_692], %select_n3A_686 : memref<512xf32, #tpu.memory_space<vmem>>[vector<16xi32>], vector<16xf32>,
    %mul3A_693 = arith.constant 0 : i32
    %mul3A_694 = vector.broadcast %mul3A_693 : i32 to vector<16xi32>
    %mul3A_695 = arith.muli %iota3A, %mul3A_694 : vector<16xi32>
    %add3A_696 = arith.constant 3 : i32
    %add3A_697 = vector.broadcast %add3A_696 : i32 to vector<16xi32>
    %add3A_698 = arith.addi %mul3A_695, %add3A_697 : vector<16xi32>
    %gather3A_699 = tpu.vector_load_idx %arg8[%add3A_615, %add3A_698] : memref<128x128xf32, #tpu.memory_space<vmem>>[vector<16xi32>, vector<16xi32>], vector<16xf32>,
    %exp3A_700 = math.exp %gather3A_699 : vector<16xf32>
    %mul3A_701 = arith.mulf %exp3A_700, %gather3A_619 : vector<16xf32>
    %eq3A_702 = arith.constant 0.000000e+00 : f32
    %eq3A_703 = vector.broadcast %eq3A_702 : f32 to vector<16xf32>
    %eq3A_704 = arith.cmpf oeq, %mul3A_701, %eq3A_703 : vector<16xf32>
    %add3A_705 = arith.addf %gather3A_699, %gather3A_626 : vector<16xf32>
    %jit3A_706 = arith.constant -15.9423847 : f32
    %broadcast_in_dim3A_707 = vector.broadcast %jit3A_706 : f32 to vector<16xf32>
    %select_n3A_708 = arith.select %eq3A_704, %broadcast_in_dim3A_707, %add3A_705 : vector<16xi1>, vector<16xf32>
    %mul3A_709 = arith.constant 4 : i32
    %mul3A_710 = vector.broadcast %mul3A_709 : i32 to vector<16xi32>
    %mul3A_711 = arith.muli %add3A_615, %mul3A_710 : vector<16xi32>
    %add3A_712 = arith.constant 3 : i32
    %add3A_713 = vector.broadcast %add3A_712 : i32 to vector<16xi32>
    %add3A_714 = arith.addi %mul3A_711, %add3A_713 : vector<16xi32>
    tpu.vector_store_idx %arg9[%add3A_714], %select_n3A_708 : memref<512xf32, #tpu.memory_space<vmem>>[vector<16xi32>], vector<16xf32>,
    %add3A_715 = arith.constant 112 : i32
    %add3A_716 = vector.broadcast %add3A_715 : i32 to vector<16xi32>
    %add3A_717 = arith.addi %add3A_716, %iota3A : vector<16xi32>
    %mul3A_718 = arith.constant 0 : i32
    %mul3A_719 = vector.broadcast %mul3A_718 : i32 to vector<16xi32>
    %mul3A_720 = arith.muli %iota3A, %mul3A_719 : vector<16xi32>
    %gather3A_721 = tpu.vector_load_idx %arg7[%add3A_717, %mul3A_720] : memref<128x2xf32, #tpu.memory_space<vmem>>[vector<16xi32>, vector<16xi32>], vector<16xf32>,
    %mul3A_722 = arith.constant 0 : i32
    %mul3A_723 = vector.broadcast %mul3A_722 : i32 to vector<16xi32>
    %mul3A_724 = arith.muli %iota3A, %mul3A_723 : vector<16xi32>
    %add3A_725 = arith.constant 1 : i32
    %add3A_726 = vector.broadcast %add3A_725 : i32 to vector<16xi32>
    %add3A_727 = arith.addi %mul3A_724, %add3A_726 : vector<16xi32>
    %gather3A_728 = tpu.vector_load_idx %arg7[%add3A_717, %add3A_727] : memref<128x2xf32, #tpu.memory_space<vmem>>[vector<16xi32>, vector<16xi32>], vector<16xf32>,
    %mul3A_729 = arith.constant 0 : i32
    %mul3A_730 = vector.broadcast %mul3A_729 : i32 to vector<16xi32>
    %mul3A_731 = arith.muli %iota3A, %mul3A_730 : vector<16xi32>
    %add3A_732 = arith.constant 0 : i32
    %add3A_733 = vector.broadcast %add3A_732 : i32 to vector<16xi32>
    %add3A_734 = arith.addi %mul3A_731, %add3A_733 : vector<16xi32>
    %gather3A_735 = tpu.vector_load_idx %arg8[%add3A_717, %add3A_734] : memref<128x128xf32, #tpu.memory_space<vmem>>[vector<16xi32>, vector<16xi32>], vector<16xf32>,
    %exp3A_736 = math.exp %gather3A_735 : vector<16xf32>
    %mul3A_737 = arith.mulf %exp3A_736, %gather3A_721 : vector<16xf32>
    %eq3A_738 = arith.constant 0.000000e+00 : f32
    %eq3A_739 = vector.broadcast %eq3A_738 : f32 to vector<16xf32>
    %eq3A_740 = arith.cmpf oeq, %mul3A_737, %eq3A_739 : vector<16xf32>
    %add3A_741 = arith.addf %gather3A_735, %gather3A_728 : vector<16xf32>
    %jit3A_742 = arith.constant -15.9423847 : f32
    %broadcast_in_dim3A_743 = vector.broadcast %jit3A_742 : f32 to vector<16xf32>
    %select_n3A_744 = arith.select %eq3A_740, %broadcast_in_dim3A_743, %add3A_741 : vector<16xi1>, vector<16xf32>
    %mul3A_745 = arith.constant 4 : i32
    %mul3A_746 = vector.broadcast %mul3A_745 : i32 to vector<16xi32>
    %mul3A_747 = arith.muli %add3A_717, %mul3A_746 : vector<16xi32>
    %add3A_748 = arith.constant 0 : i32
    %add3A_749 = vector.broadcast %add3A_748 : i32 to vector<16xi32>
    %add3A_750 = arith.addi %mul3A_747, %add3A_749 : vector<16xi32>
    tpu.vector_store_idx %arg9[%add3A_750], %select_n3A_744 : memref<512xf32, #tpu.memory_space<vmem>>[vector<16xi32>], vector<16xf32>,
    %mul3A_751 = arith.constant 0 : i32
    %mul3A_752 = vector.broadcast %mul3A_751 : i32 to vector<16xi32>
    %mul3A_753 = arith.muli %iota3A, %mul3A_752 : vector<16xi32>
    %add3A_754 = arith.constant 1 : i32
    %add3A_755 = vector.broadcast %add3A_754 : i32 to vector<16xi32>
    %add3A_756 = arith.addi %mul3A_753, %add3A_755 : vector<16xi32>
    %gather3A_757 = tpu.vector_load_idx %arg8[%add3A_717, %add3A_756] : memref<128x128xf32, #tpu.memory_space<vmem>>[vector<16xi32>, vector<16xi32>], vector<16xf32>,
    %exp3A_758 = math.exp %gather3A_757 : vector<16xf32>
    %mul3A_759 = arith.mulf %exp3A_758, %gather3A_721 : vector<16xf32>
    %eq3A_760 = arith.constant 0.000000e+00 : f32
    %eq3A_761 = vector.broadcast %eq3A_760 : f32 to vector<16xf32>
    %eq3A_762 = arith.cmpf oeq, %mul3A_759, %eq3A_761 : vector<16xf32>
    %add3A_763 = arith.addf %gather3A_757, %gather3A_728 : vector<16xf32>
    %jit3A_764 = arith.constant -15.9423847 : f32
    %broadcast_in_dim3A_765 = vector.broadcast %jit3A_764 : f32 to vector<16xf32>
    %select_n3A_766 = arith.select %eq3A_762, %broadcast_in_dim3A_765, %add3A_763 : vector<16xi1>, vector<16xf32>
    %mul3A_767 = arith.constant 4 : i32
    %mul3A_768 = vector.broadcast %mul3A_767 : i32 to vector<16xi32>
    %mul3A_769 = arith.muli %add3A_717, %mul3A_768 : vector<16xi32>
    %add3A_770 = arith.constant 1 : i32
    %add3A_771 = vector.broadcast %add3A_770 : i32 to vector<16xi32>
    %add3A_772 = arith.addi %mul3A_769, %add3A_771 : vector<16xi32>
    tpu.vector_store_idx %arg9[%add3A_772], %select_n3A_766 : memref<512xf32, #tpu.memory_space<vmem>>[vector<16xi32>], vector<16xf32>,
    %mul3A_773 = arith.constant 0 : i32
    %mul3A_774 = vector.broadcast %mul3A_773 : i32 to vector<16xi32>
    %mul3A_775 = arith.muli %iota3A, %mul3A_774 : vector<16xi32>
    %add3A_776 = arith.constant 2 : i32
    %add3A_777 = vector.broadcast %add3A_776 : i32 to vector<16xi32>
    %add3A_778 = arith.addi %mul3A_775, %add3A_777 : vector<16xi32>
    %gather3A_779 = tpu.vector_load_idx %arg8[%add3A_717, %add3A_778] : memref<128x128xf32, #tpu.memory_space<vmem>>[vector<16xi32>, vector<16xi32>], vector<16xf32>,
    %exp3A_780 = math.exp %gather3A_779 : vector<16xf32>
    %mul3A_781 = arith.mulf %exp3A_780, %gather3A_721 : vector<16xf32>
    %eq3A_782 = arith.constant 0.000000e+00 : f32
    %eq3A_783 = vector.broadcast %eq3A_782 : f32 to vector<16xf32>
    %eq3A_784 = arith.cmpf oeq, %mul3A_781, %eq3A_783 : vector<16xf32>
    %add3A_785 = arith.addf %gather3A_779, %gather3A_728 : vector<16xf32>
    %jit3A_786 = arith.constant -15.9423847 : f32
    %broadcast_in_dim3A_787 = vector.broadcast %jit3A_786 : f32 to vector<16xf32>
    %select_n3A_788 = arith.select %eq3A_784, %broadcast_in_dim3A_787, %add3A_785 : vector<16xi1>, vector<16xf32>
    %mul3A_789 = arith.constant 4 : i32
    %mul3A_790 = vector.broadcast %mul3A_789 : i32 to vector<16xi32>
    %mul3A_791 = arith.muli %add3A_717, %mul3A_790 : vector<16xi32>
    %add3A_792 = arith.constant 2 : i32
    %add3A_793 = vector.broadcast %add3A_792 : i32 to vector<16xi32>
    %add3A_794 = arith.addi %mul3A_791, %add3A_793 : vector<16xi32>
    tpu.vector_store_idx %arg9[%add3A_794], %select_n3A_788 : memref<512xf32, #tpu.memory_space<vmem>>[vector<16xi32>], vector<16xf32>,
    %mul3A_795 = arith.constant 0 : i32
    %mul3A_796 = vector.broadcast %mul3A_795 : i32 to vector<16xi32>
    %mul3A_797 = arith.muli %iota3A, %mul3A_796 : vector<16xi32>
    %add3A_798 = arith.constant 3 : i32
    %add3A_799 = vector.broadcast %add3A_798 : i32 to vector<16xi32>
    %add3A_800 = arith.addi %mul3A_797, %add3A_799 : vector<16xi32>
    %gather3A_801 = tpu.vector_load_idx %arg8[%add3A_717, %add3A_800] : memref<128x128xf32, #tpu.memory_space<vmem>>[vector<16xi32>, vector<16xi32>], vector<16xf32>,
    %exp3A_802 = math.exp %gather3A_801 : vector<16xf32>
    %mul3A_803 = arith.mulf %exp3A_802, %gather3A_721 : vector<16xf32>
    %eq3A_804 = arith.constant 0.000000e+00 : f32
    %eq3A_805 = vector.broadcast %eq3A_804 : f32 to vector<16xf32>
    %eq3A_806 = arith.cmpf oeq, %mul3A_803, %eq3A_805 : vector<16xf32>
    %add3A_807 = arith.addf %gather3A_801, %gather3A_728 : vector<16xf32>
    %jit3A_808 = arith.constant -15.9423847 : f32
    %broadcast_in_dim3A_809 = vector.broadcast %jit3A_808 : f32 to vector<16xf32>
    %select_n3A_810 = arith.select %eq3A_806, %broadcast_in_dim3A_809, %add3A_807 : vector<16xi1>, vector<16xf32>
    %mul3A_811 = arith.constant 4 : i32
    %mul3A_812 = vector.broadcast %mul3A_811 : i32 to vector<16xi32>
    %mul3A_813 = arith.muli %add3A_717, %mul3A_812 : vector<16xi32>
    %add3A_814 = arith.constant 3 : i32
    %add3A_815 = vector.broadcast %add3A_814 : i32 to vector<16xi32>
    %add3A_816 = arith.addi %mul3A_813, %add3A_815 : vector<16xi32>
    tpu.vector_store_idx %arg9[%add3A_816], %select_n3A_810 : memref<512xf32, #tpu.memory_space<vmem>>[vector<16xi32>], vector<16xf32>,
    %mul3A_817 = arith.constant 4 : i32
    %mul3A_818 = arith.muli %mul3A_2, %mul3A_817 : i32
    "tpu.region"() ({
      %run_scoped3A = tpu.sem_alloc : memref<!tpu.dma_semaphore, #tpu.memory_space<semaphore_mem>>
      %dma_start3A_819 = tpu.memref_slice %arg5[%mul3A_818] : memref<16384xf32, #tpu.memory_space<hbm>> -> memref<512xf32, #tpu.memory_space<hbm>>
      %dma_start3A_820 = tpu.memref_slice %arg5[%mul3A_818] : memref<16384xf32, #tpu.memory_space<hbm>> -> memref<512xf32, #tpu.memory_space<hbm>>
      tpu.enqueue_dma source(%arg9 : memref<512xf32, #tpu.memory_space<vmem>>) target(%dma_start3A_820 : memref<512xf32, #tpu.memory_space<hbm>>) target_semaphore(%run_scoped3A : memref<!tpu.dma_semaphore, #tpu.memory_space<semaphore_mem>>)
      %dma_wait3A_821 = tpu.memref_slice %arg5[%mul3A_818] : memref<16384xf32, #tpu.memory_space<hbm>> -> memref<512xf32, #tpu.memory_space<hbm>>
      %dma_wait3A_822 = tpu.memref_slice %arg5[%mul3A_818] : memref<16384xf32, #tpu.memory_space<hbm>> -> memref<512xf32, #tpu.memory_space<hbm>>
      tpu.wait_dma2 semaphore(%run_scoped3A : memref<!tpu.dma_semaphore, #tpu.memory_space<semaphore_mem>>) src(%arg9 : memref<512xf32, #tpu.memory_space<vmem>>) dst(%dma_wait3A_822 : memref<512xf32, #tpu.memory_space<hbm>>)
      tpu.yield
    }) : () -> ()
    return
  }
}

#map = affine_map<(d0, d1) -> (0)>
#map1 = affine_map<(d0, d1) -> (0, 0)>
#map2 = affine_map<(d0, d1) -> (0, 0, 0)>
module attributes {stable_mosaic.version = 14 : i64} {
  func.func @_dispatch_body(%arg0: i32, %arg1: i32, %arg2: memref<4096xi32, #tpu.memory_space<hbm>>, %arg3: memref<32xi32, #tpu.memory_space<hbm>>, %arg4: memref<4096x256xf32, #tpu.memory_space<hbm>>, %arg5: memref<4096x256xf32, #tpu.memory_space<hbm>>, %arg6: memref<6144x1x512xf32, #tpu.memory_space<hbm>>, %arg7: memref<4096xi32, #tpu.memory_space<hbm>>, %arg8: memref<128xi32, #tpu.memory_space<vmem>>, %arg9: memref<16xi32, #tpu.memory_space<vmem>>, %arg10: memref<128xi32, #tpu.memory_space<vmem>>, %arg11: memref<128x1x512xf32, #tpu.memory_space<vmem>>, %arg12: memref<!tpu.dma_semaphore, #tpu.memory_space<semaphore_mem>>, %arg13: memref<!tpu.dma_semaphore, #tpu.memory_space<semaphore_mem>>) attributes {dimension_semantics = [#tpu.dimension_semantics<core_parallel>, #tpu.dimension_semantics<subcore_parallel>], iteration_bounds = array<i64: 2, 16>, scalar_prefetch = 0 : i64, scratch_operands = 6 : i64, tpu.core_type = #tpu.core_type<sc_vector_subcore>, window_params = [{transform_indices = #map}, {transform_indices = #map}, {transform_indices = #map1}, {transform_indices = #map1}, {transform_indices = #map2}, {transform_indices = #map}]} {
    %mul3A = arith.constant 2 : i32
    %mul3A_0 = arith.muli %arg1, %mul3A : i32
    %add3A = arith.addi %mul3A_0, %arg0 : i32
    %mul3A_1 = arith.constant 128 : i32
    %mul3A_2 = arith.muli %add3A, %mul3A_1 : i32
    %dma_start3A = arith.constant 0 : i32
    %dma_start3A_3 = arith.constant 0 : i32
    %dma_start3A_4 = arith.constant 0 : i32
    %dma_start3A_5 = tpu.memref_slice %arg11[%dma_start3A_3, %dma_start3A, %dma_start3A_4] : memref<128x1x512xf32, #tpu.memory_space<vmem>> -> memref<128x1x256xf32, #tpu.memory_space<vmem>>
    %dma_start3A_6 = tpu.memref_squeeze %dma_start3A_5 : memref<128x1x256xf32, #tpu.memory_space<vmem>> -> memref<128x256xf32, #tpu.memory_space<vmem>>
    %dma_start3A_7 = arith.constant 0 : i32
    %dma_start3A_8 = tpu.memref_slice %arg4[%mul3A_2, %dma_start3A_7] : memref<4096x256xf32, #tpu.memory_space<hbm>> -> memref<128x256xf32, #tpu.memory_space<hbm>>
    %dma_start3A_9 = arith.constant 0 : i32
    %dma_start3A_10 = arith.constant 0 : i32
    %dma_start3A_11 = tpu.memref_slice %arg11[%dma_start3A_9, %dma_start3A, %dma_start3A_10] : memref<128x1x512xf32, #tpu.memory_space<vmem>> -> memref<128x1x256xf32, #tpu.memory_space<vmem>>
    %dma_start3A_12 = tpu.memref_squeeze %dma_start3A_11 : memref<128x1x256xf32, #tpu.memory_space<vmem>> -> memref<128x256xf32, #tpu.memory_space<vmem>>
    %dma_start3A_13 = arith.constant 0 : i32
    %dma_start3A_14 = tpu.memref_slice %arg4[%mul3A_2, %dma_start3A_13] : memref<4096x256xf32, #tpu.memory_space<hbm>> -> memref<128x256xf32, #tpu.memory_space<hbm>>
    tpu.enqueue_dma source(%dma_start3A_14 : memref<128x256xf32, #tpu.memory_space<hbm>>) target(%dma_start3A_12 : memref<128x256xf32, #tpu.memory_space<vmem>>) target_semaphore(%arg12 : memref<!tpu.dma_semaphore, #tpu.memory_space<semaphore_mem>>)
    %dma_start3A_15 = arith.constant 0 : i32
    %dma_start3A_16 = arith.constant 0 : i32
    %dma_start3A_17 = arith.constant 256 : i32
    %dma_start3A_18 = tpu.memref_slice %arg11[%dma_start3A_16, %dma_start3A_15, %dma_start3A_17] : memref<128x1x512xf32, #tpu.memory_space<vmem>> -> memref<128x1x256xf32, #tpu.memory_space<vmem>>
    %dma_start3A_19 = tpu.memref_squeeze %dma_start3A_18 : memref<128x1x256xf32, #tpu.memory_space<vmem>> -> memref<128x256xf32, #tpu.memory_space<vmem>>
    %dma_start3A_20 = arith.constant 0 : i32
    %dma_start3A_21 = tpu.memref_slice %arg5[%mul3A_2, %dma_start3A_20] : memref<4096x256xf32, #tpu.memory_space<hbm>> -> memref<128x256xf32, #tpu.memory_space<hbm>>
    %dma_start3A_22 = arith.constant 0 : i32
    %dma_start3A_23 = arith.constant 256 : i32
    %dma_start3A_24 = tpu.memref_slice %arg11[%dma_start3A_22, %dma_start3A_15, %dma_start3A_23] : memref<128x1x512xf32, #tpu.memory_space<vmem>> -> memref<128x1x256xf32, #tpu.memory_space<vmem>>
    %dma_start3A_25 = tpu.memref_squeeze %dma_start3A_24 : memref<128x1x256xf32, #tpu.memory_space<vmem>> -> memref<128x256xf32, #tpu.memory_space<vmem>>
    %dma_start3A_26 = arith.constant 0 : i32
    %dma_start3A_27 = tpu.memref_slice %arg5[%mul3A_2, %dma_start3A_26] : memref<4096x256xf32, #tpu.memory_space<hbm>> -> memref<128x256xf32, #tpu.memory_space<hbm>>
    tpu.enqueue_dma source(%dma_start3A_27 : memref<128x256xf32, #tpu.memory_space<hbm>>) target(%dma_start3A_25 : memref<128x256xf32, #tpu.memory_space<vmem>>) target_semaphore(%arg13 : memref<!tpu.dma_semaphore, #tpu.memory_space<semaphore_mem>>)
    "tpu.region"() ({
      %run_scoped3A = tpu.sem_alloc : memref<!tpu.dma_semaphore, #tpu.memory_space<semaphore_mem>>
      %dma_start3A_169 = tpu.memref_slice %arg2[%mul3A_2] : memref<4096xi32, #tpu.memory_space<hbm>> -> memref<128xi32, #tpu.memory_space<hbm>>
      %dma_start3A_170 = tpu.memref_slice %arg2[%mul3A_2] : memref<4096xi32, #tpu.memory_space<hbm>> -> memref<128xi32, #tpu.memory_space<hbm>>
      tpu.enqueue_dma source(%dma_start3A_170 : memref<128xi32, #tpu.memory_space<hbm>>) target(%arg8 : memref<128xi32, #tpu.memory_space<vmem>>) target_semaphore(%run_scoped3A : memref<!tpu.dma_semaphore, #tpu.memory_space<semaphore_mem>>)
      %dma_wait3A_171 = tpu.memref_slice %arg2[%mul3A_2] : memref<4096xi32, #tpu.memory_space<hbm>> -> memref<128xi32, #tpu.memory_space<hbm>>
      %dma_wait3A_172 = tpu.memref_slice %arg2[%mul3A_2] : memref<4096xi32, #tpu.memory_space<hbm>> -> memref<128xi32, #tpu.memory_space<hbm>>
      tpu.wait_dma2 semaphore(%run_scoped3A : memref<!tpu.dma_semaphore, #tpu.memory_space<semaphore_mem>>) src(%dma_wait3A_172 : memref<128xi32, #tpu.memory_space<hbm>>) dst(%arg8 : memref<128xi32, #tpu.memory_space<vmem>>)
      tpu.yield
    }) : () -> ()
    "tpu.region"() ({
      %run_scoped3A = tpu.sem_alloc : memref<!tpu.dma_semaphore, #tpu.memory_space<semaphore_mem>>
      %dma_start3A_169 = arith.constant 0 : i32
      %dma_start3A_170 = tpu.memref_slice %arg3[%dma_start3A_169] : memref<32xi32, #tpu.memory_space<hbm>> -> memref<16xi32, #tpu.memory_space<hbm>>
      %dma_start3A_171 = arith.constant 0 : i32
      %dma_start3A_172 = tpu.memref_slice %arg3[%dma_start3A_171] : memref<32xi32, #tpu.memory_space<hbm>> -> memref<16xi32, #tpu.memory_space<hbm>>
      tpu.enqueue_dma source(%dma_start3A_172 : memref<16xi32, #tpu.memory_space<hbm>>) target(%arg9 : memref<16xi32, #tpu.memory_space<vmem>>) target_semaphore(%run_scoped3A : memref<!tpu.dma_semaphore, #tpu.memory_space<semaphore_mem>>)
      %dma_wait3A_173 = arith.constant 0 : i32
      %dma_wait3A_174 = tpu.memref_slice %arg3[%dma_wait3A_173] : memref<32xi32, #tpu.memory_space<hbm>> -> memref<16xi32, #tpu.memory_space<hbm>>
      %dma_wait3A_175 = arith.constant 0 : i32
      %dma_wait3A_176 = tpu.memref_slice %arg3[%dma_wait3A_175] : memref<32xi32, #tpu.memory_space<hbm>> -> memref<16xi32, #tpu.memory_space<hbm>>
      tpu.wait_dma2 semaphore(%run_scoped3A : memref<!tpu.dma_semaphore, #tpu.memory_space<semaphore_mem>>) src(%dma_wait3A_176 : memref<16xi32, #tpu.memory_space<hbm>>) dst(%arg9 : memref<16xi32, #tpu.memory_space<vmem>>)
      tpu.yield
    }) : () -> ()
    %get3A = arith.constant 0 : index
    %get3A_28 = tpu.vector_load %arg9[%get3A] {strides = array<i32>} : memref<16xi32, #tpu.memory_space<vmem>>, vector<16xi32>,
    %get3A_29 = arith.constant 0 : index
    %get3A_30 = tpu.vector_load %arg8[%get3A_29] {strides = array<i32>} : memref<128xi32, #tpu.memory_space<vmem>>, vector<16xi32>,
    %shift_right_arithmetic3A = arith.constant 12 : i32
    %shift_right_arithmetic3A_31 = vector.broadcast %shift_right_arithmetic3A : i32 to vector<16xi32>
    %shift_right_arithmetic3A_32 = arith.shrsi %get3A_30, %shift_right_arithmetic3A_31 : vector<16xi32>
    %broadcast_in_dim3A = vector.shape_cast %shift_right_arithmetic3A_32 : vector<16xi32> to vector<16x1xi32>
    %gather3A = vector.shape_cast %broadcast_in_dim3A : vector<16x1xi32> to vector<16xi32>
    %gather3A_33 = tpu.dynamic_gather %get3A_28[%gather3A] in [0] : vector<16xi32>, vector<16xi32> -> vector<16xi32>
    %and3A = arith.constant 4095 : i32
    %and3A_34 = vector.broadcast %and3A : i32 to vector<16xi32>
    %and3A_35 = arith.andi %get3A_30, %and3A_34 : vector<16xi32>
    %add3A_36 = arith.addi %gather3A_33, %and3A_35 : vector<16xi32>
    %swap3A = arith.constant 0 : index
    %swap3A_37 = tpu.vector_load %arg10[%swap3A] {strides = array<i32>} : memref<128xi32, #tpu.memory_space<vmem>>, vector<16xi32>,
    tpu.vector_store %arg10[%swap3A], %add3A_36 {strides = array<i32>} : memref<128xi32, #tpu.memory_space<vmem>>, vector<16xi32>,
    %get3A_38 = arith.constant 16 : index
    %get3A_39 = tpu.vector_load %arg8[%get3A_38] {strides = array<i32>} : memref<128xi32, #tpu.memory_space<vmem>>, vector<16xi32>,
    %shift_right_arithmetic3A_40 = arith.constant 12 : i32
    %shift_right_arithmetic3A_41 = vector.broadcast %shift_right_arithmetic3A_40 : i32 to vector<16xi32>
    %shift_right_arithmetic3A_42 = arith.shrsi %get3A_39, %shift_right_arithmetic3A_41 : vector<16xi32>
    %broadcast_in_dim3A_43 = vector.shape_cast %shift_right_arithmetic3A_42 : vector<16xi32> to vector<16x1xi32>
    %gather3A_44 = vector.shape_cast %broadcast_in_dim3A_43 : vector<16x1xi32> to vector<16xi32>
    %gather3A_45 = tpu.dynamic_gather %get3A_28[%gather3A_44] in [0] : vector<16xi32>, vector<16xi32> -> vector<16xi32>
    %and3A_46 = arith.constant 4095 : i32
    %and3A_47 = vector.broadcast %and3A_46 : i32 to vector<16xi32>
    %and3A_48 = arith.andi %get3A_39, %and3A_47 : vector<16xi32>
    %add3A_49 = arith.addi %gather3A_45, %and3A_48 : vector<16xi32>
    %swap3A_50 = arith.constant 16 : index
    %swap3A_51 = tpu.vector_load %arg10[%swap3A_50] {strides = array<i32>} : memref<128xi32, #tpu.memory_space<vmem>>, vector<16xi32>,
    tpu.vector_store %arg10[%swap3A_50], %add3A_49 {strides = array<i32>} : memref<128xi32, #tpu.memory_space<vmem>>, vector<16xi32>,
    %get3A_52 = arith.constant 32 : index
    %get3A_53 = tpu.vector_load %arg8[%get3A_52] {strides = array<i32>} : memref<128xi32, #tpu.memory_space<vmem>>, vector<16xi32>,
    %shift_right_arithmetic3A_54 = arith.constant 12 : i32
    %shift_right_arithmetic3A_55 = vector.broadcast %shift_right_arithmetic3A_54 : i32 to vector<16xi32>
    %shift_right_arithmetic3A_56 = arith.shrsi %get3A_53, %shift_right_arithmetic3A_55 : vector<16xi32>
    %broadcast_in_dim3A_57 = vector.shape_cast %shift_right_arithmetic3A_56 : vector<16xi32> to vector<16x1xi32>
    %gather3A_58 = vector.shape_cast %broadcast_in_dim3A_57 : vector<16x1xi32> to vector<16xi32>
    %gather3A_59 = tpu.dynamic_gather %get3A_28[%gather3A_58] in [0] : vector<16xi32>, vector<16xi32> -> vector<16xi32>
    %and3A_60 = arith.constant 4095 : i32
    %and3A_61 = vector.broadcast %and3A_60 : i32 to vector<16xi32>
    %and3A_62 = arith.andi %get3A_53, %and3A_61 : vector<16xi32>
    %add3A_63 = arith.addi %gather3A_59, %and3A_62 : vector<16xi32>
    %swap3A_64 = arith.constant 32 : index
    %swap3A_65 = tpu.vector_load %arg10[%swap3A_64] {strides = array<i32>} : memref<128xi32, #tpu.memory_space<vmem>>, vector<16xi32>,
    tpu.vector_store %arg10[%swap3A_64], %add3A_63 {strides = array<i32>} : memref<128xi32, #tpu.memory_space<vmem>>, vector<16xi32>,
    %get3A_66 = arith.constant 48 : index
    %get3A_67 = tpu.vector_load %arg8[%get3A_66] {strides = array<i32>} : memref<128xi32, #tpu.memory_space<vmem>>, vector<16xi32>,
    %shift_right_arithmetic3A_68 = arith.constant 12 : i32
    %shift_right_arithmetic3A_69 = vector.broadcast %shift_right_arithmetic3A_68 : i32 to vector<16xi32>
    %shift_right_arithmetic3A_70 = arith.shrsi %get3A_67, %shift_right_arithmetic3A_69 : vector<16xi32>
    %broadcast_in_dim3A_71 = vector.shape_cast %shift_right_arithmetic3A_70 : vector<16xi32> to vector<16x1xi32>
    %gather3A_72 = vector.shape_cast %broadcast_in_dim3A_71 : vector<16x1xi32> to vector<16xi32>
    %gather3A_73 = tpu.dynamic_gather %get3A_28[%gather3A_72] in [0] : vector<16xi32>, vector<16xi32> -> vector<16xi32>
    %and3A_74 = arith.constant 4095 : i32
    %and3A_75 = vector.broadcast %and3A_74 : i32 to vector<16xi32>
    %and3A_76 = arith.andi %get3A_67, %and3A_75 : vector<16xi32>
    %add3A_77 = arith.addi %gather3A_73, %and3A_76 : vector<16xi32>
    %swap3A_78 = arith.constant 48 : index
    %swap3A_79 = tpu.vector_load %arg10[%swap3A_78] {strides = array<i32>} : memref<128xi32, #tpu.memory_space<vmem>>, vector<16xi32>,
    tpu.vector_store %arg10[%swap3A_78], %add3A_77 {strides = array<i32>} : memref<128xi32, #tpu.memory_space<vmem>>, vector<16xi32>,
    %get3A_80 = arith.constant 64 : index
    %get3A_81 = tpu.vector_load %arg8[%get3A_80] {strides = array<i32>} : memref<128xi32, #tpu.memory_space<vmem>>, vector<16xi32>,
    %shift_right_arithmetic3A_82 = arith.constant 12 : i32
    %shift_right_arithmetic3A_83 = vector.broadcast %shift_right_arithmetic3A_82 : i32 to vector<16xi32>
    %shift_right_arithmetic3A_84 = arith.shrsi %get3A_81, %shift_right_arithmetic3A_83 : vector<16xi32>
    %broadcast_in_dim3A_85 = vector.shape_cast %shift_right_arithmetic3A_84 : vector<16xi32> to vector<16x1xi32>
    %gather3A_86 = vector.shape_cast %broadcast_in_dim3A_85 : vector<16x1xi32> to vector<16xi32>
    %gather3A_87 = tpu.dynamic_gather %get3A_28[%gather3A_86] in [0] : vector<16xi32>, vector<16xi32> -> vector<16xi32>
    %and3A_88 = arith.constant 4095 : i32
    %and3A_89 = vector.broadcast %and3A_88 : i32 to vector<16xi32>
    %and3A_90 = arith.andi %get3A_81, %and3A_89 : vector<16xi32>
    %add3A_91 = arith.addi %gather3A_87, %and3A_90 : vector<16xi32>
    %swap3A_92 = arith.constant 64 : index
    %swap3A_93 = tpu.vector_load %arg10[%swap3A_92] {strides = array<i32>} : memref<128xi32, #tpu.memory_space<vmem>>, vector<16xi32>,
    tpu.vector_store %arg10[%swap3A_92], %add3A_91 {strides = array<i32>} : memref<128xi32, #tpu.memory_space<vmem>>, vector<16xi32>,
    %get3A_94 = arith.constant 80 : index
    %get3A_95 = tpu.vector_load %arg8[%get3A_94] {strides = array<i32>} : memref<128xi32, #tpu.memory_space<vmem>>, vector<16xi32>,
    %shift_right_arithmetic3A_96 = arith.constant 12 : i32
    %shift_right_arithmetic3A_97 = vector.broadcast %shift_right_arithmetic3A_96 : i32 to vector<16xi32>
    %shift_right_arithmetic3A_98 = arith.shrsi %get3A_95, %shift_right_arithmetic3A_97 : vector<16xi32>
    %broadcast_in_dim3A_99 = vector.shape_cast %shift_right_arithmetic3A_98 : vector<16xi32> to vector<16x1xi32>
    %gather3A_100 = vector.shape_cast %broadcast_in_dim3A_99 : vector<16x1xi32> to vector<16xi32>
    %gather3A_101 = tpu.dynamic_gather %get3A_28[%gather3A_100] in [0] : vector<16xi32>, vector<16xi32> -> vector<16xi32>
    %and3A_102 = arith.constant 4095 : i32
    %and3A_103 = vector.broadcast %and3A_102 : i32 to vector<16xi32>
    %and3A_104 = arith.andi %get3A_95, %and3A_103 : vector<16xi32>
    %add3A_105 = arith.addi %gather3A_101, %and3A_104 : vector<16xi32>
    %swap3A_106 = arith.constant 80 : index
    %swap3A_107 = tpu.vector_load %arg10[%swap3A_106] {strides = array<i32>} : memref<128xi32, #tpu.memory_space<vmem>>, vector<16xi32>,
    tpu.vector_store %arg10[%swap3A_106], %add3A_105 {strides = array<i32>} : memref<128xi32, #tpu.memory_space<vmem>>, vector<16xi32>,
    %get3A_108 = arith.constant 96 : index
    %get3A_109 = tpu.vector_load %arg8[%get3A_108] {strides = array<i32>} : memref<128xi32, #tpu.memory_space<vmem>>, vector<16xi32>,
    %shift_right_arithmetic3A_110 = arith.constant 12 : i32
    %shift_right_arithmetic3A_111 = vector.broadcast %shift_right_arithmetic3A_110 : i32 to vector<16xi32>
    %shift_right_arithmetic3A_112 = arith.shrsi %get3A_109, %shift_right_arithmetic3A_111 : vector<16xi32>
    %broadcast_in_dim3A_113 = vector.shape_cast %shift_right_arithmetic3A_112 : vector<16xi32> to vector<16x1xi32>
    %gather3A_114 = vector.shape_cast %broadcast_in_dim3A_113 : vector<16x1xi32> to vector<16xi32>
    %gather3A_115 = tpu.dynamic_gather %get3A_28[%gather3A_114] in [0] : vector<16xi32>, vector<16xi32> -> vector<16xi32>
    %and3A_116 = arith.constant 4095 : i32
    %and3A_117 = vector.broadcast %and3A_116 : i32 to vector<16xi32>
    %and3A_118 = arith.andi %get3A_109, %and3A_117 : vector<16xi32>
    %add3A_119 = arith.addi %gather3A_115, %and3A_118 : vector<16xi32>
    %swap3A_120 = arith.constant 96 : index
    %swap3A_121 = tpu.vector_load %arg10[%swap3A_120] {strides = array<i32>} : memref<128xi32, #tpu.memory_space<vmem>>, vector<16xi32>,
    tpu.vector_store %arg10[%swap3A_120], %add3A_119 {strides = array<i32>} : memref<128xi32, #tpu.memory_space<vmem>>, vector<16xi32>,
    %get3A_122 = arith.constant 112 : index
    %get3A_123 = tpu.vector_load %arg8[%get3A_122] {strides = array<i32>} : memref<128xi32, #tpu.memory_space<vmem>>, vector<16xi32>,
    %shift_right_arithmetic3A_124 = arith.constant 12 : i32
    %shift_right_arithmetic3A_125 = vector.broadcast %shift_right_arithmetic3A_124 : i32 to vector<16xi32>
    %shift_right_arithmetic3A_126 = arith.shrsi %get3A_123, %shift_right_arithmetic3A_125 : vector<16xi32>
    %broadcast_in_dim3A_127 = vector.shape_cast %shift_right_arithmetic3A_126 : vector<16xi32> to vector<16x1xi32>
    %gather3A_128 = vector.shape_cast %broadcast_in_dim3A_127 : vector<16x1xi32> to vector<16xi32>
    %gather3A_129 = tpu.dynamic_gather %get3A_28[%gather3A_128] in [0] : vector<16xi32>, vector<16xi32> -> vector<16xi32>
    %and3A_130 = arith.constant 4095 : i32
    %and3A_131 = vector.broadcast %and3A_130 : i32 to vector<16xi32>
    %and3A_132 = arith.andi %get3A_123, %and3A_131 : vector<16xi32>
    %add3A_133 = arith.addi %gather3A_129, %and3A_132 : vector<16xi32>
    %swap3A_134 = arith.constant 112 : index
    %swap3A_135 = tpu.vector_load %arg10[%swap3A_134] {strides = array<i32>} : memref<128xi32, #tpu.memory_space<vmem>>, vector<16xi32>,
    tpu.vector_store %arg10[%swap3A_134], %add3A_133 {strides = array<i32>} : memref<128xi32, #tpu.memory_space<vmem>>, vector<16xi32>,
    "tpu.region"() ({
      %run_scoped3A = tpu.sem_alloc : memref<!tpu.dma_semaphore, #tpu.memory_space<semaphore_mem>>
      %dma_start3A_169 = tpu.memref_slice %arg7[%mul3A_2] : memref<4096xi32, #tpu.memory_space<hbm>> -> memref<128xi32, #tpu.memory_space<hbm>>
      %dma_start3A_170 = tpu.memref_slice %arg7[%mul3A_2] : memref<4096xi32, #tpu.memory_space<hbm>> -> memref<128xi32, #tpu.memory_space<hbm>>
      tpu.enqueue_dma source(%arg10 : memref<128xi32, #tpu.memory_space<vmem>>) target(%dma_start3A_170 : memref<128xi32, #tpu.memory_space<hbm>>) target_semaphore(%run_scoped3A : memref<!tpu.dma_semaphore, #tpu.memory_space<semaphore_mem>>)
      %dma_wait3A_171 = tpu.memref_slice %arg7[%mul3A_2] : memref<4096xi32, #tpu.memory_space<hbm>> -> memref<128xi32, #tpu.memory_space<hbm>>
      %dma_wait3A_172 = tpu.memref_slice %arg7[%mul3A_2] : memref<4096xi32, #tpu.memory_space<hbm>> -> memref<128xi32, #tpu.memory_space<hbm>>
      tpu.wait_dma2 semaphore(%run_scoped3A : memref<!tpu.dma_semaphore, #tpu.memory_space<semaphore_mem>>) src(%arg10 : memref<128xi32, #tpu.memory_space<vmem>>) dst(%dma_wait3A_172 : memref<128xi32, #tpu.memory_space<hbm>>)
      tpu.yield
    }) : () -> ()
    %dma_wait3A = arith.constant 0 : i32
    %dma_wait3A_136 = arith.constant 0 : i32
    %dma_wait3A_137 = arith.constant 0 : i32
    %dma_wait3A_138 = tpu.memref_slice %arg11[%dma_wait3A_136, %dma_wait3A, %dma_wait3A_137] : memref<128x1x512xf32, #tpu.memory_space<vmem>> -> memref<128x1x256xf32, #tpu.memory_space<vmem>>
    %dma_wait3A_139 = tpu.memref_squeeze %dma_wait3A_138 : memref<128x1x256xf32, #tpu.memory_space<vmem>> -> memref<128x256xf32, #tpu.memory_space<vmem>>
    %dma_wait3A_140 = arith.constant 0 : i32
    %dma_wait3A_141 = tpu.memref_slice %arg4[%mul3A_2, %dma_wait3A_140] : memref<4096x256xf32, #tpu.memory_space<hbm>> -> memref<128x256xf32, #tpu.memory_space<hbm>>
    %dma_wait3A_142 = arith.constant 0 : i32
    %dma_wait3A_143 = arith.constant 0 : i32
    %dma_wait3A_144 = tpu.memref_slice %arg11[%dma_wait3A_142, %dma_wait3A, %dma_wait3A_143] : memref<128x1x512xf32, #tpu.memory_space<vmem>> -> memref<128x1x256xf32, #tpu.memory_space<vmem>>
    %dma_wait3A_145 = tpu.memref_squeeze %dma_wait3A_144 : memref<128x1x256xf32, #tpu.memory_space<vmem>> -> memref<128x256xf32, #tpu.memory_space<vmem>>
    %dma_wait3A_146 = arith.constant 0 : i32
    %dma_wait3A_147 = tpu.memref_slice %arg4[%mul3A_2, %dma_wait3A_146] : memref<4096x256xf32, #tpu.memory_space<hbm>> -> memref<128x256xf32, #tpu.memory_space<hbm>>
    tpu.wait_dma2 semaphore(%arg12 : memref<!tpu.dma_semaphore, #tpu.memory_space<semaphore_mem>>) src(%dma_wait3A_147 : memref<128x256xf32, #tpu.memory_space<hbm>>) dst(%dma_wait3A_145 : memref<128x256xf32, #tpu.memory_space<vmem>>)
    %dma_wait3A_148 = arith.constant 0 : i32
    %dma_wait3A_149 = arith.constant 0 : i32
    %dma_wait3A_150 = arith.constant 256 : i32
    %dma_wait3A_151 = tpu.memref_slice %arg11[%dma_wait3A_149, %dma_wait3A_148, %dma_wait3A_150] : memref<128x1x512xf32, #tpu.memory_space<vmem>> -> memref<128x1x256xf32, #tpu.memory_space<vmem>>
    %dma_wait3A_152 = tpu.memref_squeeze %dma_wait3A_151 : memref<128x1x256xf32, #tpu.memory_space<vmem>> -> memref<128x256xf32, #tpu.memory_space<vmem>>
    %dma_wait3A_153 = arith.constant 0 : i32
    %dma_wait3A_154 = tpu.memref_slice %arg5[%mul3A_2, %dma_wait3A_153] : memref<4096x256xf32, #tpu.memory_space<hbm>> -> memref<128x256xf32, #tpu.memory_space<hbm>>
    %dma_wait3A_155 = arith.constant 0 : i32
    %dma_wait3A_156 = arith.constant 256 : i32
    %dma_wait3A_157 = tpu.memref_slice %arg11[%dma_wait3A_155, %dma_wait3A_148, %dma_wait3A_156] : memref<128x1x512xf32, #tpu.memory_space<vmem>> -> memref<128x1x256xf32, #tpu.memory_space<vmem>>
    %dma_wait3A_158 = tpu.memref_squeeze %dma_wait3A_157 : memref<128x1x256xf32, #tpu.memory_space<vmem>> -> memref<128x256xf32, #tpu.memory_space<vmem>>
    %dma_wait3A_159 = arith.constant 0 : i32
    %dma_wait3A_160 = tpu.memref_slice %arg5[%mul3A_2, %dma_wait3A_159] : memref<4096x256xf32, #tpu.memory_space<hbm>> -> memref<128x256xf32, #tpu.memory_space<hbm>>
    tpu.wait_dma2 semaphore(%arg13 : memref<!tpu.dma_semaphore, #tpu.memory_space<semaphore_mem>>) src(%dma_wait3A_160 : memref<128x256xf32, #tpu.memory_space<hbm>>) dst(%dma_wait3A_158 : memref<128x256xf32, #tpu.memory_space<vmem>>)
    %dma_start3A_161 = arith.constant 0 : i32
    %dma_start3A_162 = arith.constant 0 : i32
    %dma_start3A_163 = arith.constant 0 : i32
    %dma_start3A_164 = tpu.memref_slice %arg6[%dma_start3A_161, %dma_start3A_162, %dma_start3A_163] : memref<6144x1x512xf32, #tpu.memory_space<hbm>> -> memref<6144x1x512xf32, #tpu.memory_space<hbm>>
    tpu.enqueue_indirect_dma source(%arg11 : memref<128x1x512xf32, #tpu.memory_space<vmem>>) target(%dma_start3A_164 : memref<6144x1x512xf32, #tpu.memory_space<hbm>>) offsets(%arg10 : memref<128xi32, #tpu.memory_space<vmem>>) semaphore(%arg12 : memref<!tpu.dma_semaphore, #tpu.memory_space<semaphore_mem>>)
    %dma_wait3A_165 = arith.constant 0 : i32
    %dma_wait3A_166 = arith.constant 0 : i32
    %dma_wait3A_167 = arith.constant 0 : i32
    %dma_wait3A_168 = tpu.memref_slice %arg6[%dma_wait3A_165, %dma_wait3A_166, %dma_wait3A_167] : memref<6144x1x512xf32, #tpu.memory_space<hbm>> -> memref<6144x1x512xf32, #tpu.memory_space<hbm>>
    tpu.wait_indirect_dma semaphore(%arg12 : memref<!tpu.dma_semaphore, #tpu.memory_space<semaphore_mem>>) src(%arg11 : memref<128x1x512xf32, #tpu.memory_space<vmem>>) dst(%dma_wait3A_168 : memref<6144x1x512xf32, #tpu.memory_space<hbm>>)
    return
  }
}

module attributes {stable_mosaic.version = 14 : i64} {
  func.func @_gate_body(%arg0: i32, %arg1: memref<512x256xf32, #tpu.memory_space<vmem>>, %arg2: memref<512x256xf32, #tpu.memory_space<vmem>>, %arg3: memref<512x256xf32, #tpu.memory_space<vmem>>, %arg4: memref<256xf32, #tpu.memory_space<vmem>>, %arg5: memref<256x256xf32, #tpu.memory_space<vmem>>, %arg6: memref<256xf32, #tpu.memory_space<vmem>>, %arg7: memref<256xf32, #tpu.memory_space<vmem>>, %arg8: memref<256xf32, #tpu.memory_space<vmem>>, %arg9: memref<256x8xf32, #tpu.memory_space<vmem>>, %arg10: memref<8xf32, #tpu.memory_space<vmem>>, %arg11: memref<512x512xf32, #tpu.memory_space<vmem>>, %arg12: memref<1x512x1xi32, #tpu.memory_space<vmem>>, %arg13: memref<1x512x2xf32, #tpu.memory_space<vmem>>, %arg14: memref<1x32xi32, #tpu.memory_space<vmem>>, %arg15: memref<1x32xi32, #tpu.memory_space<vmem>>, %arg16: memref<1x8xf32, #tpu.memory_space<vmem>>) attributes {dimension_semantics = [#tpu.dimension_semantics<arbitrary>], iteration_bounds = array<i64: 8>, scalar_prefetch = 0 : i64, scratch_operands = 1 : i64, tpu.core_type = #tpu.core_type<tc>, window_params = [{transform_indices = @transform_0, window_bounds = array<i64: 512, 256>}, {transform_indices = @transform_1, window_bounds = array<i64: 512, 256>}, {pipeline_mode = #tpu.pipeline_mode<synchronous>, transform_indices = @transform_2, window_bounds = array<i64: 512, 256>}, {pipeline_mode = #tpu.pipeline_mode<synchronous>, transform_indices = @transform_3, window_bounds = array<i64: 256>}, {pipeline_mode = #tpu.pipeline_mode<synchronous>, transform_indices = @transform_4, window_bounds = array<i64: 256, 256>}, {pipeline_mode = #tpu.pipeline_mode<synchronous>, transform_indices = @transform_5, window_bounds = array<i64: 256>}, {pipeline_mode = #tpu.pipeline_mode<synchronous>, transform_indices = @transform_6, window_bounds = array<i64: 256>}, {pipeline_mode = #tpu.pipeline_mode<synchronous>, transform_indices = @transform_7, window_bounds = array<i64: 256>}, {pipeline_mode = #tpu.pipeline_mode<synchronous>, transform_indices = @transform_8, window_bounds = array<i64: 256, 8>}, {pipeline_mode = #tpu.pipeline_mode<synchronous>, transform_indices = @transform_9, window_bounds = array<i64: 8>}, {pipeline_mode = #tpu.pipeline_mode<synchronous>, transform_indices = @transform_10, window_bounds = array<i64: 512, 512>}, {transform_indices = @transform_11, window_bounds = array<i64: 1, 512, 1>}, {transform_indices = @transform_12, window_bounds = array<i64: 1, 512, 2>}, {pipeline_mode = #tpu.pipeline_mode<synchronous>, transform_indices = @transform_13, window_bounds = array<i64: 1, 32>}, {pipeline_mode = #tpu.pipeline_mode<synchronous>, transform_indices = @transform_14, window_bounds = array<i64: 1, 32>}]} {
    %eq3A = arith.constant 0 : i32
    %eq3A_0 = arith.cmpi eq, %arg0, %eq3A : i32
    %convert_element_type3A = arith.extui %eq3A_0 : i1 to i32
    %cond3A = arith.constant 0 : i32
    %cond3A_1 = arith.cmpi ne, %convert_element_type3A, %cond3A : i32
    scf.if %cond3A_1 {
      %broadcast_in_dim3A_161 = arith.constant 0.000000e+00 : f32
      %broadcast_in_dim3A_162 = vector.broadcast %broadcast_in_dim3A_161 : f32 to vector<1x8xf32>
      %swap3A_163 = arith.constant 0 : index
      %swap3A_164 = arith.constant 0 : index
      %swap3A_165 = vector.load %arg16[%swap3A_163, %swap3A_164] : memref<1x8xf32, #tpu.memory_space<vmem>>, vector<1x8xf32>
      tpu.vector_store %arg16[%swap3A_163, %swap3A_164], %broadcast_in_dim3A_162 {strides = array<i32>} : memref<1x8xf32, #tpu.memory_space<vmem>>, vector<1x8xf32>,
    } else {
    }
    %get3A = arith.constant 0 : index
    %get3A_2 = arith.constant 0 : index
    %get3A_3 = vector.load %arg1[%get3A, %get3A_2] : memref<512x256xf32, #tpu.memory_space<vmem>>, vector<512x256xf32>
    %get3A_4 = arith.constant 0 : index
    %get3A_5 = arith.constant 0 : index
    %get3A_6 = vector.load %arg2[%get3A_4, %get3A_5] : memref<512x256xf32, #tpu.memory_space<vmem>>, vector<512x256xf32>
    %get3A_7 = arith.constant 0 : index
    %get3A_8 = arith.constant 0 : index
    %get3A_9 = vector.load %arg3[%get3A_7, %get3A_8] : memref<512x256xf32, #tpu.memory_space<vmem>>, vector<256x256xf32>
    %dot_general3A = arith.constant dense<0.000000e+00> : vector<512x256xf32>
    %dot_general3A_10 = tpu.matmul %get3A_3, %get3A_9, %dot_general3A {dimension_numbers = #tpu.dot_dimension_numbers<[1], [0], [0], [1], [0, 0, 1, 1], [], []>, transpose_lhs_hint = false} : vector<512x256xf32>, vector<256x256xf32>, vector<512x256xf32> -> vector<512x256xf32>
    %get3A_11 = arith.constant 256 : index
    %get3A_12 = arith.constant 0 : index
    %get3A_13 = vector.load %arg3[%get3A_11, %get3A_12] : memref<512x256xf32, #tpu.memory_space<vmem>>, vector<256x256xf32>
    %dot_general3A_14 = arith.constant dense<0.000000e+00> : vector<512x256xf32>
    %dot_general3A_15 = tpu.matmul %get3A_6, %get3A_13, %dot_general3A_14 {dimension_numbers = #tpu.dot_dimension_numbers<[1], [0], [0], [1], [0, 0, 1, 1], [], []>, transpose_lhs_hint = false} : vector<512x256xf32>, vector<256x256xf32>, vector<512x256xf32> -> vector<512x256xf32>
    %add3A = arith.addf %dot_general3A_10, %dot_general3A_15 : vector<512x256xf32>
    %get3A_16 = arith.constant 0 : index
    %get3A_17 = vector.load %arg4[%get3A_16] : memref<256xf32, #tpu.memory_space<vmem>>, vector<256xf32>
    %broadcast_in_dim3A = vector.shape_cast %get3A_17 : vector<256xf32> to vector<1x256xf32>
    %add3A_18 = vector.broadcast %broadcast_in_dim3A : vector<1x256xf32> to vector<512x256xf32>
    %add3A_19 = arith.addf %add3A, %add3A_18 : vector<512x256xf32>
    %max3A = arith.constant 0.000000e+00 : f32
    %max3A_20 = vector.broadcast %max3A : f32 to vector<512x256xf32>
    %max3A_21 = arith.maximumf %add3A_19, %max3A_20 : vector<512x256xf32>
    %get3A_22 = arith.constant 0 : index
    %get3A_23 = arith.constant 0 : index
    %get3A_24 = vector.load %arg5[%get3A_22, %get3A_23] : memref<256x256xf32, #tpu.memory_space<vmem>>, vector<256x256xf32>
    %dot_general3A_25 = arith.constant dense<0.000000e+00> : vector<512x256xf32>
    %dot_general3A_26 = tpu.matmul %max3A_21, %get3A_24, %dot_general3A_25 {dimension_numbers = #tpu.dot_dimension_numbers<[1], [0], [0], [1], [0, 0, 1, 1], [], []>, transpose_lhs_hint = false} : vector<512x256xf32>, vector<256x256xf32>, vector<512x256xf32> -> vector<512x256xf32>
    %get3A_27 = arith.constant 0 : index
    %get3A_28 = vector.load %arg6[%get3A_27] : memref<256xf32, #tpu.memory_space<vmem>>, vector<256xf32>
    %broadcast_in_dim3A_29 = vector.shape_cast %get3A_28 : vector<256xf32> to vector<1x256xf32>
    %add3A_30 = vector.broadcast %broadcast_in_dim3A_29 : vector<1x256xf32> to vector<512x256xf32>
    %add3A_31 = arith.addf %dot_general3A_26, %add3A_30 : vector<512x256xf32>
    %reduce_sum3A = arith.constant dense<0.000000e+00> : vector<512xf32>
    %reduce_sum3A_32 = vector.multi_reduction <add>, %add3A_31, %reduce_sum3A [1] : vector<512x256xf32> to vector<512xf32>
    %broadcast_in_dim3A_33 = vector.shape_cast %reduce_sum3A_32 : vector<512xf32> to vector<512x1xf32>
    %div3A = arith.constant 2.560000e+02 : f32
    %div3A_34 = vector.broadcast %div3A : f32 to vector<512x1xf32>
    %div3A_35 = arith.divf %broadcast_in_dim3A_33, %div3A_34 : vector<512x1xf32>
    %mul3A = arith.mulf %add3A_31, %add3A_31 : vector<512x256xf32>
    %reduce_sum3A_36 = arith.constant dense<0.000000e+00> : vector<512xf32>
    %reduce_sum3A_37 = vector.multi_reduction <add>, %mul3A, %reduce_sum3A_36 [1] : vector<512x256xf32> to vector<512xf32>
    %broadcast_in_dim3A_38 = vector.shape_cast %reduce_sum3A_37 : vector<512xf32> to vector<512x1xf32>
    %div3A_39 = arith.constant 2.560000e+02 : f32
    %div3A_40 = vector.broadcast %div3A_39 : f32 to vector<512x1xf32>
    %div3A_41 = arith.divf %broadcast_in_dim3A_38, %div3A_40 : vector<512x1xf32>
    %mul3A_42 = arith.mulf %div3A_35, %div3A_35 : vector<512x1xf32>
    %sub3A = arith.subf %div3A_41, %mul3A_42 : vector<512x1xf32>
    %sub3A_43 = vector.broadcast %div3A_35 : vector<512x1xf32> to vector<512x256xf32>
    %sub3A_44 = arith.subf %add3A_31, %sub3A_43 : vector<512x256xf32>
    %add3A_45 = arith.constant 9.99999974E-6 : f32
    %add3A_46 = vector.broadcast %add3A_45 : f32 to vector<512x1xf32>
    %add3A_47 = arith.addf %sub3A, %add3A_46 : vector<512x1xf32>
    %sqrt3A = math.sqrt %add3A_47 : vector<512x1xf32>
    %div3A_48 = vector.broadcast %sqrt3A : vector<512x1xf32> to vector<512x256xf32>
    %div3A_49 = arith.divf %sub3A_44, %div3A_48 : vector<512x256xf32>
    %get3A_50 = arith.constant 0 : index
    %get3A_51 = vector.load %arg7[%get3A_50] : memref<256xf32, #tpu.memory_space<vmem>>, vector<256xf32>
    %broadcast_in_dim3A_52 = vector.shape_cast %get3A_51 : vector<256xf32> to vector<1x256xf32>
    %mul3A_53 = vector.broadcast %broadcast_in_dim3A_52 : vector<1x256xf32> to vector<512x256xf32>
    %mul3A_54 = arith.mulf %div3A_49, %mul3A_53 : vector<512x256xf32>
    %get3A_55 = arith.constant 0 : index
    %get3A_56 = vector.load %arg8[%get3A_55] : memref<256xf32, #tpu.memory_space<vmem>>, vector<256xf32>
    %broadcast_in_dim3A_57 = vector.shape_cast %get3A_56 : vector<256xf32> to vector<1x256xf32>
    %add3A_58 = vector.broadcast %broadcast_in_dim3A_57 : vector<1x256xf32> to vector<512x256xf32>
    %add3A_59 = arith.addf %mul3A_54, %add3A_58 : vector<512x256xf32>
    %get3A_60 = arith.constant 0 : index
    %get3A_61 = arith.constant 0 : index
    %get3A_62 = vector.load %arg9[%get3A_60, %get3A_61] : memref<256x8xf32, #tpu.memory_space<vmem>>, vector<256x8xf32>
    %dot_general3A_63 = arith.constant dense<0.000000e+00> : vector<512x8xf32>
    %dot_general3A_64 = tpu.matmul %add3A_59, %get3A_62, %dot_general3A_63 {dimension_numbers = #tpu.dot_dimension_numbers<[1], [0], [0], [1], [0, 0, 1, 1], [], []>, transpose_lhs_hint = false} : vector<512x256xf32>, vector<256x8xf32>, vector<512x8xf32> -> vector<512x8xf32>
    %get3A_65 = arith.constant 0 : index
    %get3A_66 = vector.load %arg10[%get3A_65] : memref<8xf32, #tpu.memory_space<vmem>>, vector<8xf32>
    %broadcast_in_dim3A_67 = vector.shape_cast %get3A_66 : vector<8xf32> to vector<1x8xf32>
    %add3A_68 = vector.broadcast %broadcast_in_dim3A_67 : vector<1x8xf32> to vector<512x8xf32>
    %add3A_69 = arith.addf %dot_general3A_64, %add3A_68 : vector<512x8xf32>
    %reduce_max3A = arith.constant dense<0xFF800000> : vector<512xf32>
    %reduce_max3A_70 = vector.multi_reduction <maximumf>, %add3A_69, %reduce_max3A [1] : vector<512x8xf32> to vector<512xf32>
    %broadcast_in_dim3A_71 = vector.shape_cast %reduce_max3A_70 : vector<512xf32> to vector<512x1xf32>
    %sub3A_72 = vector.broadcast %broadcast_in_dim3A_71 : vector<512x1xf32> to vector<512x8xf32>
    %sub3A_73 = arith.subf %add3A_69, %sub3A_72 : vector<512x8xf32>
    %exp3A = math.exp %sub3A_73 : vector<512x8xf32>
    %reduce_sum3A_74 = arith.constant dense<0.000000e+00> : vector<512xf32>
    %reduce_sum3A_75 = vector.multi_reduction <add>, %exp3A, %reduce_sum3A_74 [1] : vector<512x8xf32> to vector<512xf32>
    %broadcast_in_dim3A_76 = vector.shape_cast %reduce_sum3A_75 : vector<512xf32> to vector<512x1xf32>
    %div3A_77 = vector.broadcast %broadcast_in_dim3A_76 : vector<512x1xf32> to vector<512x8xf32>
    %div3A_78 = arith.divf %exp3A, %div3A_77 : vector<512x8xf32>
    %iota3A = tpu.iota {dimensions = array<i32: 1>} : vector<512x8xi32>
    %convert_element_type3A_79 = arith.sitofp %iota3A : vector<512x8xi32> to vector<512x8xf32>
    %broadcast_in_dim3A_80 = arith.constant 0.000000e+00 : f32
    %broadcast_in_dim3A_81 = vector.broadcast %broadcast_in_dim3A_80 : f32 to vector<512x1xf32>
    %reduce_max3A_82 = arith.constant dense<0xFF800000> : vector<512xf32>
    %reduce_max3A_83 = vector.multi_reduction <maximumf>, %div3A_78, %reduce_max3A_82 [1] : vector<512x8xf32> to vector<512xf32>
    %broadcast_in_dim3A_84 = vector.shape_cast %reduce_max3A_83 : vector<512xf32> to vector<512x1xf32>
    %add3A_85 = arith.addf %broadcast_in_dim3A_81, %broadcast_in_dim3A_84 : vector<512x1xf32>
    %eq3A_86 = vector.broadcast %broadcast_in_dim3A_84 : vector<512x1xf32> to vector<512x8xf32>
    %eq3A_87 = arith.cmpf oeq, %div3A_78, %eq3A_86 : vector<512x8xf32>
    %convert_element_type3A_88 = arith.extui %eq3A_87 : vector<512x8xi1> to vector<512x8xi32>
    %convert_element_type3A_89 = arith.sitofp %convert_element_type3A_88 : vector<512x8xi32> to vector<512x8xf32>
    %mul3A_90 = arith.mulf %convert_element_type3A_89, %convert_element_type3A_79 : vector<512x8xf32>
    %reduce_sum3A_91 = arith.constant dense<0.000000e+00> : vector<512xf32>
    %reduce_sum3A_92 = vector.multi_reduction <add>, %mul3A_90, %reduce_sum3A_91 [1] : vector<512x8xf32> to vector<512xf32>
    %broadcast_in_dim3A_93 = vector.shape_cast %reduce_sum3A_92 : vector<512xf32> to vector<512x1xf32>
    %convert_element_type3A_94 = arith.fptosi %broadcast_in_dim3A_93 : vector<512x1xf32> to vector<512x1xi32>
    %eq3A_95 = vector.broadcast %broadcast_in_dim3A_84 : vector<512x1xf32> to vector<512x8xf32>
    %eq3A_96 = arith.cmpf oeq, %div3A_78, %eq3A_95 : vector<512x8xf32>
    %jit3A = arith.constant 0xFF800000 : f32
    %broadcast_in_dim3A_97 = vector.broadcast %jit3A : f32 to vector<512x8xf32>
    %select_n3A = arith.select %eq3A_96, %broadcast_in_dim3A_97, %div3A_78 : vector<512x8xi1>, vector<512x8xf32>
    %reduce_max3A_98 = arith.constant dense<0xFF800000> : vector<512xf32>
    %reduce_max3A_99 = vector.multi_reduction <maximumf>, %select_n3A, %reduce_max3A_98 [1] : vector<512x8xf32> to vector<512xf32>
    %broadcast_in_dim3A_100 = vector.shape_cast %reduce_max3A_99 : vector<512xf32> to vector<512x1xf32>
    %add3A_101 = arith.addf %add3A_85, %broadcast_in_dim3A_100 : vector<512x1xf32>
    %eq3A_102 = vector.broadcast %broadcast_in_dim3A_100 : vector<512x1xf32> to vector<512x8xf32>
    %eq3A_103 = arith.cmpf oeq, %select_n3A, %eq3A_102 : vector<512x8xf32>
    %jit3A_104 = arith.constant 0xFF800000 : f32
    %broadcast_in_dim3A_105 = vector.broadcast %jit3A_104 : f32 to vector<512x8xf32>
    %select_n3A_106 = arith.select %eq3A_103, %broadcast_in_dim3A_105, %select_n3A : vector<512x8xi1>, vector<512x8xf32>
    %reduce_max3A_107 = arith.constant dense<0xFF800000> : vector<512xf32>
    %reduce_max3A_108 = vector.multi_reduction <maximumf>, %select_n3A_106, %reduce_max3A_107 [1] : vector<512x8xf32> to vector<512xf32>
    %broadcast_in_dim3A_109 = vector.shape_cast %reduce_max3A_108 : vector<512xf32> to vector<512x1xf32>
    %add3A_110 = arith.addf %add3A_101, %broadcast_in_dim3A_109 : vector<512x1xf32>
    %eq3A_111 = vector.broadcast %broadcast_in_dim3A_109 : vector<512x1xf32> to vector<512x8xf32>
    %eq3A_112 = arith.cmpf oeq, %select_n3A_106, %eq3A_111 : vector<512x8xf32>
    %jit3A_113 = arith.constant 0xFF800000 : f32
    %broadcast_in_dim3A_114 = vector.broadcast %jit3A_113 : f32 to vector<512x8xf32>
    %select_n3A_115 = arith.select %eq3A_112, %broadcast_in_dim3A_114, %select_n3A_106 : vector<512x8xi1>, vector<512x8xf32>
    %reduce_max3A_116 = arith.constant dense<0xFF800000> : vector<512xf32>
    %reduce_max3A_117 = vector.multi_reduction <maximumf>, %select_n3A_115, %reduce_max3A_116 [1] : vector<512x8xf32> to vector<512xf32>
    %broadcast_in_dim3A_118 = vector.shape_cast %reduce_max3A_117 : vector<512xf32> to vector<512x1xf32>
    %add3A_119 = arith.addf %add3A_110, %broadcast_in_dim3A_118 : vector<512x1xf32>
    %add3A_120 = arith.constant 9.99999971E-10 : f32
    %add3A_121 = vector.broadcast %add3A_120 : f32 to vector<512x1xf32>
    %add3A_122 = arith.addf %add3A_119, %add3A_121 : vector<512x1xf32>
    %div3A_123 = arith.divf %broadcast_in_dim3A_84, %add3A_122 : vector<512x1xf32>
    %get3A_124 = arith.constant 0 : index
    %get3A_125 = arith.constant 0 : index
    %get3A_126 = vector.load %arg11[%get3A_124, %get3A_125] : memref<512x512xf32, #tpu.memory_space<vmem>>, vector<512x512xf32>
    %dot_general3A_127 = arith.constant dense<0.000000e+00> : vector<512x8xf32>
    %dot_general3A_128 = tpu.matmul %get3A_126, %convert_element_type3A_89, %dot_general3A_127 {dimension_numbers = #tpu.dot_dimension_numbers<[1], [0], [0], [1], [0, 0, 1, 1], [], []>, transpose_lhs_hint = false} : vector<512x512xf32>, vector<512x8xf32>, vector<512x8xf32> -> vector<512x8xf32>
    %get3A_129 = arith.constant 0 : index
    %get3A_130 = arith.constant 0 : index
    %get3A_131 = vector.load %arg16[%get3A_129, %get3A_130] : memref<1x8xf32, #tpu.memory_space<vmem>>, vector<1x8xf32>
    %add3A_132 = vector.broadcast %get3A_131 : vector<1x8xf32> to vector<512x8xf32>
    %add3A_133 = arith.addf %dot_general3A_128, %add3A_132 : vector<512x8xf32>
    %mul3A_134 = arith.mulf %add3A_133, %convert_element_type3A_89 : vector<512x8xf32>
    %reduce_sum3A_135 = arith.constant dense<0.000000e+00> : vector<512xf32>
    %reduce_sum3A_136 = vector.multi_reduction <add>, %mul3A_134, %reduce_sum3A_135 [1] : vector<512x8xf32> to vector<512xf32>
    %broadcast_in_dim3A_137 = vector.shape_cast %reduce_sum3A_136 : vector<512xf32> to vector<512x1xf32>
    %reduce_sum3A_138 = arith.constant dense<0.000000e+00> : vector<8xf32>
    %reduce_sum3A_139 = vector.multi_reduction <add>, %convert_element_type3A_89, %reduce_sum3A_138 [0] : vector<512x8xf32> to vector<8xf32>
    %broadcast_in_dim3A_140 = vector.shape_cast %reduce_sum3A_139 : vector<8xf32> to vector<1x8xf32>
    %add3A_141 = arith.addf %get3A_131, %broadcast_in_dim3A_140 : vector<1x8xf32>
    %swap3A = arith.constant 0 : index
    %swap3A_142 = arith.constant 0 : index
    %swap3A_143 = vector.load %arg16[%swap3A, %swap3A_142] : memref<1x8xf32, #tpu.memory_space<vmem>>, vector<1x8xf32>
    tpu.vector_store %arg16[%swap3A, %swap3A_142], %add3A_141 {strides = array<i32>} : memref<1x8xf32, #tpu.memory_space<vmem>>, vector<1x8xf32>,
    %shift_left3A = arith.constant 12 : i32
    %shift_left3A_144 = vector.broadcast %shift_left3A : i32 to vector<512x1xi32>
    %shift_left3A_145 = arith.shli %convert_element_type3A_94, %shift_left3A_144 : vector<512x1xi32>
    %convert_element_type3A_146 = arith.fptosi %broadcast_in_dim3A_137 : vector<512x1xf32> to vector<512x1xi32>
    %or3A = arith.ori %shift_left3A_145, %convert_element_type3A_146 : vector<512x1xi32>
    %reshape3A = vector.shape_cast %or3A : vector<512x1xi32> to vector<1x512x1xi32>
    %swap3A_147 = arith.constant 0 : index
    %swap3A_148 = arith.constant 0 : index
    %swap3A_149 = arith.constant 0 : index
    %swap3A_150 = vector.load %arg12[%swap3A_147, %swap3A_148, %swap3A_149] : memref<1x512x1xi32, #tpu.memory_space<vmem>>, vector<1x512x1xi32>
    tpu.vector_store %arg12[%swap3A_147, %swap3A_148, %swap3A_149], %reshape3A {strides = array<i32>} : memref<1x512x1xi32, #tpu.memory_space<vmem>>, vector<1x512x1xi32>,
    %log3A = math.log %div3A_123 : vector<512x1xf32>
    %concatenate3A = tpu.concatenate %div3A_123, %log3A in 1 : vector<512x1xf32>, vector<512x1xf32> -> vector<512x2xf32>
    %reshape3A_151 = vector.shape_cast %concatenate3A : vector<512x2xf32> to vector<1x512x2xf32>
    %swap3A_152 = arith.constant 0 : index
    %swap3A_153 = arith.constant 0 : index
    %swap3A_154 = arith.constant 0 : index
    %swap3A_155 = vector.load %arg13[%swap3A_152, %swap3A_153, %swap3A_154] : memref<1x512x2xf32, #tpu.memory_space<vmem>>, vector<1x512x2xf32>
    tpu.vector_store %arg13[%swap3A_152, %swap3A_153, %swap3A_154], %reshape3A_151 {strides = array<i32>} : memref<1x512x2xf32, #tpu.memory_space<vmem>>, vector<1x512x2xf32>,
    %eq3A_156 = arith.constant 7 : i32
    %eq3A_157 = arith.cmpi eq, %arg0, %eq3A_156 : i32
    %convert_element_type3A_158 = arith.extui %eq3A_157 : i1 to i32
    %cond3A_159 = arith.constant 0 : i32
    %cond3A_160 = arith.cmpi ne, %convert_element_type3A_158, %cond3A_159 : i32
    scf.if %cond3A_160 {
      %convert_element_type3A_161 = arith.fptosi %add3A_141 : vector<1x8xf32> to vector<1x8xi32>
      %add3A_162 = arith.constant 255 : i32
      %add3A_163 = vector.broadcast %add3A_162 : i32 to vector<1x8xi32>
      %add3A_164 = arith.addi %convert_element_type3A_161, %add3A_163 : vector<1x8xi32>
      %shift_right_arithmetic3A = arith.constant 8 : i32
      %shift_right_arithmetic3A_165 = vector.broadcast %shift_right_arithmetic3A : i32 to vector<1x8xi32>
      %shift_right_arithmetic3A_166 = arith.shrsi %add3A_164, %shift_right_arithmetic3A_165 : vector<1x8xi32>
      %shift_left3A_167 = arith.constant 8 : i32
      %shift_left3A_168 = vector.broadcast %shift_left3A_167 : i32 to vector<1x8xi32>
      %shift_left3A_169 = arith.shli %shift_right_arithmetic3A_166, %shift_left3A_168 : vector<1x8xi32>
      %broadcast_in_dim3A_170 = arith.constant 0 : i32
      %broadcast_in_dim3A_171 = vector.broadcast %broadcast_in_dim3A_170 : i32 to vector<1x1xi32>
      %slice3A = vector.extract_strided_slice %shift_left3A_169 {offsets = [0, 0], sizes = [1, 7], strides = [1, 1]} : vector<1x8xi32> to vector<1x7xi32>
      %concatenate3A_172 = tpu.concatenate %broadcast_in_dim3A_171, %slice3A in 1 : vector<1x1xi32>, vector<1x7xi32> -> vector<1x8xi32>
      %add3A_173 = arith.addi %shift_left3A_169, %concatenate3A_172 : vector<1x8xi32>
      %broadcast_in_dim3A_174 = arith.constant 0 : i32
      %broadcast_in_dim3A_175 = vector.broadcast %broadcast_in_dim3A_174 : i32 to vector<1x2xi32>
      %slice3A_176 = vector.extract_strided_slice %add3A_173 {offsets = [0, 0], sizes = [1, 6], strides = [1, 1]} : vector<1x8xi32> to vector<1x6xi32>
      %concatenate3A_177 = tpu.concatenate %broadcast_in_dim3A_175, %slice3A_176 in 1 : vector<1x2xi32>, vector<1x6xi32> -> vector<1x8xi32>
      %add3A_178 = arith.addi %add3A_173, %concatenate3A_177 : vector<1x8xi32>
      %broadcast_in_dim3A_179 = arith.constant 0 : i32
      %broadcast_in_dim3A_180 = vector.broadcast %broadcast_in_dim3A_179 : i32 to vector<1x4xi32>
      %slice3A_181 = vector.extract_strided_slice %add3A_178 {offsets = [0, 0], sizes = [1, 4], strides = [1, 1]} : vector<1x8xi32> to vector<1x4xi32>
      %concatenate3A_182 = tpu.concatenate %broadcast_in_dim3A_180, %slice3A_181 in 1 : vector<1x4xi32>, vector<1x4xi32> -> vector<1x8xi32>
      %add3A_183 = arith.addi %add3A_178, %concatenate3A_182 : vector<1x8xi32>
      %sub3A_184 = arith.subi %add3A_183, %shift_left3A_169 : vector<1x8xi32>
      %broadcast_in_dim3A_185 = arith.constant 0 : i32
      %broadcast_in_dim3A_186 = vector.broadcast %broadcast_in_dim3A_185 : i32 to vector<1x24xi32>
      %concatenate3A_187 = tpu.concatenate %sub3A_184, %broadcast_in_dim3A_186 in 1 : vector<1x8xi32>, vector<1x24xi32> -> vector<1x32xi32>
      %swap3A_188 = arith.constant 0 : index
      %swap3A_189 = arith.constant 0 : index
      %swap3A_190 = vector.load %arg14[%swap3A_188, %swap3A_189] : memref<1x32xi32, #tpu.memory_space<vmem>>, vector<1x32xi32>
      tpu.vector_store %arg14[%swap3A_188, %swap3A_189], %concatenate3A_187 {strides = array<i32>} : memref<1x32xi32, #tpu.memory_space<vmem>>, vector<1x32xi32>,
      %iota3A_191 = tpu.iota {dimensions = array<i32: 1>} : vector<1x32xi32>
      %shift_left3A_192 = arith.constant 8 : i32
      %shift_left3A_193 = vector.broadcast %shift_left3A_192 : i32 to vector<1x32xi32>
      %shift_left3A_194 = arith.shli %iota3A_191, %shift_left3A_193 : vector<1x32xi32>
      %broadcast_in_dim3A_195 = arith.constant 0 : i32
      %broadcast_in_dim3A_196 = vector.broadcast %broadcast_in_dim3A_195 : i32 to vector<1x32xi32>
      %slice3A_197 = vector.extract_strided_slice %add3A_183 {offsets = [0, 0], sizes = [1, 1], strides = [1, 1]} : vector<1x8xi32> to vector<1x1xi32>
      %squeeze3A = vector.extract %slice3A_197[0, 0] : i32 from vector<1x1xi32>
      %ge3A = vector.broadcast %squeeze3A : i32 to vector<1x32xi32>
      %ge3A_198 = arith.cmpi sge, %shift_left3A_194, %ge3A : vector<1x32xi32>
      %jit3A_199 = arith.constant 1 : i32
      %jit3A_200 = arith.constant 0 : i32
      %broadcast_in_dim3A_201 = vector.broadcast %jit3A_199 : i32 to vector<1x32xi32>
      %broadcast_in_dim3A_202 = vector.broadcast %jit3A_200 : i32 to vector<1x32xi32>
      %select_n3A_203 = arith.select %ge3A_198, %broadcast_in_dim3A_201, %broadcast_in_dim3A_202 : vector<1x32xi1>, vector<1x32xi32>
      %add3A_204 = arith.addi %broadcast_in_dim3A_196, %select_n3A_203 : vector<1x32xi32>
      %slice3A_205 = vector.extract_strided_slice %add3A_183 {offsets = [0, 1], sizes = [1, 1], strides = [1, 1]} : vector<1x8xi32> to vector<1x1xi32>
      %squeeze3A_206 = vector.extract %slice3A_205[0, 0] : i32 from vector<1x1xi32>
      %ge3A_207 = vector.broadcast %squeeze3A_206 : i32 to vector<1x32xi32>
      %ge3A_208 = arith.cmpi sge, %shift_left3A_194, %ge3A_207 : vector<1x32xi32>
      %jit3A_209 = arith.constant 1 : i32
      %jit3A_210 = arith.constant 0 : i32
      %broadcast_in_dim3A_211 = vector.broadcast %jit3A_209 : i32 to vector<1x32xi32>
      %broadcast_in_dim3A_212 = vector.broadcast %jit3A_210 : i32 to vector<1x32xi32>
      %select_n3A_213 = arith.select %ge3A_208, %broadcast_in_dim3A_211, %broadcast_in_dim3A_212 : vector<1x32xi1>, vector<1x32xi32>
      %add3A_214 = arith.addi %add3A_204, %select_n3A_213 : vector<1x32xi32>
      %slice3A_215 = vector.extract_strided_slice %add3A_183 {offsets = [0, 2], sizes = [1, 1], strides = [1, 1]} : vector<1x8xi32> to vector<1x1xi32>
      %squeeze3A_216 = vector.extract %slice3A_215[0, 0] : i32 from vector<1x1xi32>
      %ge3A_217 = vector.broadcast %squeeze3A_216 : i32 to vector<1x32xi32>
      %ge3A_218 = arith.cmpi sge, %shift_left3A_194, %ge3A_217 : vector<1x32xi32>
      %jit3A_219 = arith.constant 1 : i32
      %jit3A_220 = arith.constant 0 : i32
      %broadcast_in_dim3A_221 = vector.broadcast %jit3A_219 : i32 to vector<1x32xi32>
      %broadcast_in_dim3A_222 = vector.broadcast %jit3A_220 : i32 to vector<1x32xi32>
      %select_n3A_223 = arith.select %ge3A_218, %broadcast_in_dim3A_221, %broadcast_in_dim3A_222 : vector<1x32xi1>, vector<1x32xi32>
      %add3A_224 = arith.addi %add3A_214, %select_n3A_223 : vector<1x32xi32>
      %slice3A_225 = vector.extract_strided_slice %add3A_183 {offsets = [0, 3], sizes = [1, 1], strides = [1, 1]} : vector<1x8xi32> to vector<1x1xi32>
      %squeeze3A_226 = vector.extract %slice3A_225[0, 0] : i32 from vector<1x1xi32>
      %ge3A_227 = vector.broadcast %squeeze3A_226 : i32 to vector<1x32xi32>
      %ge3A_228 = arith.cmpi sge, %shift_left3A_194, %ge3A_227 : vector<1x32xi32>
      %jit3A_229 = arith.constant 1 : i32
      %jit3A_230 = arith.constant 0 : i32
      %broadcast_in_dim3A_231 = vector.broadcast %jit3A_229 : i32 to vector<1x32xi32>
      %broadcast_in_dim3A_232 = vector.broadcast %jit3A_230 : i32 to vector<1x32xi32>
      %select_n3A_233 = arith.select %ge3A_228, %broadcast_in_dim3A_231, %broadcast_in_dim3A_232 : vector<1x32xi1>, vector<1x32xi32>
      %add3A_234 = arith.addi %add3A_224, %select_n3A_233 : vector<1x32xi32>
      %slice3A_235 = vector.extract_strided_slice %add3A_183 {offsets = [0, 4], sizes = [1, 1], strides = [1, 1]} : vector<1x8xi32> to vector<1x1xi32>
      %squeeze3A_236 = vector.extract %slice3A_235[0, 0] : i32 from vector<1x1xi32>
      %ge3A_237 = vector.broadcast %squeeze3A_236 : i32 to vector<1x32xi32>
      %ge3A_238 = arith.cmpi sge, %shift_left3A_194, %ge3A_237 : vector<1x32xi32>
      %jit3A_239 = arith.constant 1 : i32
      %jit3A_240 = arith.constant 0 : i32
      %broadcast_in_dim3A_241 = vector.broadcast %jit3A_239 : i32 to vector<1x32xi32>
      %broadcast_in_dim3A_242 = vector.broadcast %jit3A_240 : i32 to vector<1x32xi32>
      %select_n3A_243 = arith.select %ge3A_238, %broadcast_in_dim3A_241, %broadcast_in_dim3A_242 : vector<1x32xi1>, vector<1x32xi32>
      %add3A_244 = arith.addi %add3A_234, %select_n3A_243 : vector<1x32xi32>
      %slice3A_245 = vector.extract_strided_slice %add3A_183 {offsets = [0, 5], sizes = [1, 1], strides = [1, 1]} : vector<1x8xi32> to vector<1x1xi32>
      %squeeze3A_246 = vector.extract %slice3A_245[0, 0] : i32 from vector<1x1xi32>
      %ge3A_247 = vector.broadcast %squeeze3A_246 : i32 to vector<1x32xi32>
      %ge3A_248 = arith.cmpi sge, %shift_left3A_194, %ge3A_247 : vector<1x32xi32>
      %jit3A_249 = arith.constant 1 : i32
      %jit3A_250 = arith.constant 0 : i32
      %broadcast_in_dim3A_251 = vector.broadcast %jit3A_249 : i32 to vector<1x32xi32>
      %broadcast_in_dim3A_252 = vector.broadcast %jit3A_250 : i32 to vector<1x32xi32>
      %select_n3A_253 = arith.select %ge3A_248, %broadcast_in_dim3A_251, %broadcast_in_dim3A_252 : vector<1x32xi1>, vector<1x32xi32>
      %add3A_254 = arith.addi %add3A_244, %select_n3A_253 : vector<1x32xi32>
      %slice3A_255 = vector.extract_strided_slice %add3A_183 {offsets = [0, 6], sizes = [1, 1], strides = [1, 1]} : vector<1x8xi32> to vector<1x1xi32>
      %squeeze3A_256 = vector.extract %slice3A_255[0, 0] : i32 from vector<1x1xi32>
      %ge3A_257 = vector.broadcast %squeeze3A_256 : i32 to vector<1x32xi32>
      %ge3A_258 = arith.cmpi sge, %shift_left3A_194, %ge3A_257 : vector<1x32xi32>
      %jit3A_259 = arith.constant 1 : i32
      %jit3A_260 = arith.constant 0 : i32
      %broadcast_in_dim3A_261 = vector.broadcast %jit3A_259 : i32 to vector<1x32xi32>
      %broadcast_in_dim3A_262 = vector.broadcast %jit3A_260 : i32 to vector<1x32xi32>
      %select_n3A_263 = arith.select %ge3A_258, %broadcast_in_dim3A_261, %broadcast_in_dim3A_262 : vector<1x32xi1>, vector<1x32xi32>
      %add3A_264 = arith.addi %add3A_254, %select_n3A_263 : vector<1x32xi32>
      %slice3A_265 = vector.extract_strided_slice %add3A_183 {offsets = [0, 7], sizes = [1, 1], strides = [1, 1]} : vector<1x8xi32> to vector<1x1xi32>
      %squeeze3A_266 = vector.extract %slice3A_265[0, 0] : i32 from vector<1x1xi32>
      %ge3A_267 = vector.broadcast %squeeze3A_266 : i32 to vector<1x32xi32>
      %ge3A_268 = arith.cmpi sge, %shift_left3A_194, %ge3A_267 : vector<1x32xi32>
      %jit3A_269 = arith.constant 1 : i32
      %jit3A_270 = arith.constant 0 : i32
      %broadcast_in_dim3A_271 = vector.broadcast %jit3A_269 : i32 to vector<1x32xi32>
      %broadcast_in_dim3A_272 = vector.broadcast %jit3A_270 : i32 to vector<1x32xi32>
      %select_n3A_273 = arith.select %ge3A_268, %broadcast_in_dim3A_271, %broadcast_in_dim3A_272 : vector<1x32xi1>, vector<1x32xi32>
      %add3A_274 = arith.addi %add3A_264, %select_n3A_273 : vector<1x32xi32>
      %slice3A_275 = vector.extract_strided_slice %add3A_183 {offsets = [0, 7], sizes = [1, 1], strides = [1, 1]} : vector<1x8xi32> to vector<1x1xi32>
      %squeeze3A_276 = vector.extract %slice3A_275[0, 0] : i32 from vector<1x1xi32>
      %lt3A = vector.broadcast %squeeze3A_276 : i32 to vector<1x32xi32>
      %lt3A_277 = arith.cmpi slt, %shift_left3A_194, %lt3A : vector<1x32xi32>
      %min3A = arith.constant 7 : i32
      %min3A_278 = vector.broadcast %min3A : i32 to vector<1x32xi32>
      %min3A_279 = arith.minsi %add3A_274, %min3A_278 : vector<1x32xi32>
      %add3A_280 = arith.constant 8 : i32
      %add3A_281 = vector.broadcast %add3A_280 : i32 to vector<1x32xi32>
      %add3A_282 = arith.addi %min3A_279, %add3A_281 : vector<1x32xi32>
      %jit3A_283 = arith.constant 7 : i32
      %broadcast_in_dim3A_284 = vector.broadcast %jit3A_283 : i32 to vector<1x32xi32>
      %select_n3A_285 = arith.select %lt3A_277, %add3A_282, %broadcast_in_dim3A_284 : vector<1x32xi1>, vector<1x32xi32>
      %swap3A_286 = arith.constant 0 : index
      %swap3A_287 = arith.constant 0 : index
      %swap3A_288 = vector.load %arg15[%swap3A_286, %swap3A_287] : memref<1x32xi32, #tpu.memory_space<vmem>>, vector<1x32xi32>
      tpu.vector_store %arg15[%swap3A_286, %swap3A_287], %select_n3A_285 {strides = array<i32>} : memref<1x32xi32, #tpu.memory_space<vmem>>, vector<1x32xi32>,
    } else {
    }
    return
  }
  func.func @transform_0(%arg0: i32) -> (i32, i32) {
    %c0_i32 = arith.constant 0 : i32
    %c0_i32_0 = arith.constant 0 : i32
    return %arg0, %c0_i32 : i32, i32
  }
  func.func @transform_1(%arg0: i32) -> (i32, i32) {
    %c0_i32 = arith.constant 0 : i32
    %c0_i32_0 = arith.constant 0 : i32
    return %arg0, %c0_i32 : i32, i32
  }
  func.func @transform_2(%arg0: i32) -> (i32, i32) {
    %c0_i32 = arith.constant 0 : i32
    %c0_i32_0 = arith.constant 0 : i32
    %c0_i32_1 = arith.constant 0 : i32
    return %c0_i32, %c0_i32_0 : i32, i32
  }
  func.func @transform_3(%arg0: i32) -> i32 {
    %c0_i32 = arith.constant 0 : i32
    %c0_i32_0 = arith.constant 0 : i32
    return %c0_i32 : i32
  }
  func.func @transform_4(%arg0: i32) -> (i32, i32) {
    %c0_i32 = arith.constant 0 : i32
    %c0_i32_0 = arith.constant 0 : i32
    %c0_i32_1 = arith.constant 0 : i32
    return %c0_i32, %c0_i32_0 : i32, i32
  }
  func.func @transform_5(%arg0: i32) -> i32 {
    %c0_i32 = arith.constant 0 : i32
    %c0_i32_0 = arith.constant 0 : i32
    return %c0_i32 : i32
  }
  func.func @transform_6(%arg0: i32) -> i32 {
    %c0_i32 = arith.constant 0 : i32
    %c0_i32_0 = arith.constant 0 : i32
    return %c0_i32 : i32
  }
  func.func @transform_7(%arg0: i32) -> i32 {
    %c0_i32 = arith.constant 0 : i32
    %c0_i32_0 = arith.constant 0 : i32
    return %c0_i32 : i32
  }
  func.func @transform_8(%arg0: i32) -> (i32, i32) {
    %c0_i32 = arith.constant 0 : i32
    %c0_i32_0 = arith.constant 0 : i32
    %c0_i32_1 = arith.constant 0 : i32
    return %c0_i32, %c0_i32_0 : i32, i32
  }
  func.func @transform_9(%arg0: i32) -> i32 {
    %c0_i32 = arith.constant 0 : i32
    %c0_i32_0 = arith.constant 0 : i32
    return %c0_i32 : i32
  }
  func.func @transform_10(%arg0: i32) -> (i32, i32) {
    %c0_i32 = arith.constant 0 : i32
    %c0_i32_0 = arith.constant 0 : i32
    %c0_i32_1 = arith.constant 0 : i32
    return %c0_i32, %c0_i32_0 : i32, i32
  }
  func.func @transform_11(%arg0: i32) -> (i32, i32, i32) {
    %c0_i32 = arith.constant 0 : i32
    %c0_i32_0 = arith.constant 0 : i32
    %c0_i32_1 = arith.constant 0 : i32
    return %arg0, %c0_i32, %c0_i32_0 : i32, i32, i32
  }
  func.func @transform_12(%arg0: i32) -> (i32, i32, i32) {
    %c0_i32 = arith.constant 0 : i32
    %c0_i32_0 = arith.constant 0 : i32
    %c0_i32_1 = arith.constant 0 : i32
    return %arg0, %c0_i32, %c0_i32_0 : i32, i32, i32
  }
  func.func @transform_13(%arg0: i32) -> (i32, i32) {
    %c0_i32 = arith.constant 0 : i32
    %c0_i32_0 = arith.constant 0 : i32
    %c0_i32_1 = arith.constant 0 : i32
    return %c0_i32, %c0_i32_0 : i32, i32
  }
  func.func @transform_14(%arg0: i32) -> (i32, i32) {
    %c0_i32 = arith.constant 0 : i32
    %c0_i32_0 = arith.constant 0 : i32
    %c0_i32_1 = arith.constant 0 : i32
    return %c0_i32, %c0_i32_0 : i32, i32
  }
}

module attributes {stable_mosaic.version = 14 : i64} {
  func.func @_mlp_body(%arg0: i32, %arg1: memref<32xi32, #tpu.memory_space<smem>>, %arg2: memref<256x1x512xf32, #tpu.memory_space<vmem>>, %arg3: memref<1x288x256xf32, #tpu.memory_space<vmem>>, %arg4: memref<1x1x256xf32, #tpu.memory_space<vmem>>, %arg5: memref<1x5x256x256xf32, #tpu.memory_space<vmem>>, %arg6: memref<1x5x256xf32, #tpu.memory_space<vmem>>, %arg7: memref<1x544x256xf32, #tpu.memory_space<vmem>>, %arg8: memref<1x1x256xf32, #tpu.memory_space<vmem>>, %arg9: memref<1x256x4xf32, #tpu.memory_space<vmem>>, %arg10: memref<1x1x4xf32, #tpu.memory_space<vmem>>, %arg11: memref<256x128xf32, #tpu.memory_space<vmem>>) attributes {dimension_semantics = [#tpu.dimension_semantics<arbitrary>], iteration_bounds = array<i64: 24>, scalar_prefetch = 1 : i64, scratch_operands = 0 : i64, tpu.core_type = #tpu.core_type<tc>, window_params = [{transform_indices = @transform_0, window_bounds = array<i64: 256, 1, 512>}, {transform_indices = @transform_1, window_bounds = array<i64: 1, 288, 256>}, {transform_indices = @transform_2, window_bounds = array<i64: 1, 1, 256>}, {transform_indices = @transform_3, window_bounds = array<i64: 1, 5, 256, 256>}, {transform_indices = @transform_4, window_bounds = array<i64: 1, 5, 256>}, {transform_indices = @transform_5, window_bounds = array<i64: 1, 544, 256>}, {transform_indices = @transform_6, window_bounds = array<i64: 1, 1, 256>}, {transform_indices = @transform_7, window_bounds = array<i64: 1, 256, 4>}, {transform_indices = @transform_8, window_bounds = array<i64: 1, 1, 4>}, {transform_indices = @transform_9, window_bounds = array<i64: 256, 128>}]} {
    %get3A = arith.index_cast %arg0 : i32 to index
    %get3A_0 = memref.load %arg1[%get3A] : memref<32xi32, #tpu.memory_space<smem>>
    %ge3A = arith.constant 8 : i32
    %ge3A_1 = arith.cmpi sge, %get3A_0, %ge3A : i32
    %convert_element_type3A = arith.extui %ge3A_1 : i1 to i32
    %cond3A = arith.constant 0 : i32
    %cond3A_2 = arith.cmpi ne, %convert_element_type3A, %cond3A : i32
    scf.if %cond3A_2 {
      %sub3A = arith.constant 8 : i32
      %sub3A_3 = arith.subi %get3A_0, %sub3A : i32
      %get3A_4 = arith.constant 0 : index
      %get3A_5 = arith.constant 0 : index
      %get3A_6 = arith.constant 0 : index
      %get3A_7 = vector.load %arg2[%get3A_4, %get3A_5, %get3A_6] : memref<256x1x512xf32, #tpu.memory_space<vmem>>, vector<256x1x512xf32>
      %get3A_8 = vector.shape_cast %get3A_7 : vector<256x1x512xf32> to vector<256x512xf32>
      %iota3A = tpu.iota {dimensions = array<i32: 0>} : vector<256x32xi32>
      %mul3A = arith.constant 32 : i32
      %mul3A_9 = arith.muli %sub3A_3, %mul3A : i32
      %iota3A_10 = tpu.iota {dimensions = array<i32: 1>} : vector<256x32xi32>
      %add3A = vector.broadcast %mul3A_9 : i32 to vector<256x32xi32>
      %add3A_11 = arith.addi %add3A, %iota3A_10 : vector<256x32xi32>
      %eq3A = arith.cmpi eq, %iota3A, %add3A_11 : vector<256x32xi32>
      %convert_element_type3A_12 = arith.extui %eq3A : vector<256x32xi1> to vector<256x32xi32>
      %convert_element_type3A_13 = arith.sitofp %convert_element_type3A_12 : vector<256x32xi32> to vector<256x32xf32>
      %slice3A = vector.extract_strided_slice %get3A_8 {offsets = [0, 0], sizes = [128, 512], strides = [1, 1]} : vector<256x512xf32> to vector<128x512xf32>
      %slice3A_14 = vector.extract_strided_slice %get3A_8 {offsets = [128, 0], sizes = [128, 512], strides = [1, 1]} : vector<256x512xf32> to vector<128x512xf32>
      %slice3A_15 = vector.extract_strided_slice %slice3A {offsets = [0, 256], sizes = [128, 256], strides = [1, 1]} : vector<128x512xf32> to vector<128x256xf32>
      %dot_general3A = arith.constant dense<0.000000e+00> : vector<128x32xf32>
      %dot_general3A_16 = tpu.matmul %slice3A_15, %convert_element_type3A_13, %dot_general3A {dimension_numbers = #tpu.dot_dimension_numbers<[1], [0], [0], [1], [0, 0, 1, 1], [], []>, transpose_lhs_hint = false} : vector<128x256xf32>, vector<256x32xf32>, vector<128x32xf32> -> vector<128x32xf32>
      %slice3A_17 = vector.extract_strided_slice %slice3A_14 {offsets = [0, 256], sizes = [128, 256], strides = [1, 1]} : vector<128x512xf32> to vector<128x256xf32>
      %dot_general3A_18 = arith.constant dense<0.000000e+00> : vector<128x32xf32>
      %dot_general3A_19 = tpu.matmul %slice3A_17, %convert_element_type3A_13, %dot_general3A_18 {dimension_numbers = #tpu.dot_dimension_numbers<[1], [0], [0], [1], [0, 0, 1, 1], [], []>, transpose_lhs_hint = false} : vector<128x256xf32>, vector<256x32xf32>, vector<128x32xf32> -> vector<128x32xf32>
      %slice3A_20 = vector.extract_strided_slice %slice3A {offsets = [0, 0], sizes = [128, 256], strides = [1, 1]} : vector<128x512xf32> to vector<128x256xf32>
      %concatenate3A = tpu.concatenate %slice3A_20, %dot_general3A_16 in 1 : vector<128x256xf32>, vector<128x32xf32> -> vector<128x288xf32>
      %slice3A_21 = vector.extract_strided_slice %slice3A_14 {offsets = [0, 0], sizes = [128, 256], strides = [1, 1]} : vector<128x512xf32> to vector<128x256xf32>
      %concatenate3A_22 = tpu.concatenate %slice3A_21, %dot_general3A_19 in 1 : vector<128x256xf32>, vector<128x32xf32> -> vector<128x288xf32>
      %get3A_23 = arith.constant 0 : index
      %get3A_24 = arith.constant 0 : index
      %get3A_25 = arith.constant 0 : index
      %get3A_26 = vector.load %arg3[%get3A_23, %get3A_24, %get3A_25] : memref<1x288x256xf32, #tpu.memory_space<vmem>>, vector<1x288x256xf32>
      %get3A_27 = vector.shape_cast %get3A_26 : vector<1x288x256xf32> to vector<288x256xf32>
      %dot_general3A_28 = arith.constant dense<0.000000e+00> : vector<128x256xf32>
      %dot_general3A_29 = tpu.matmul %concatenate3A, %get3A_27, %dot_general3A_28 {dimension_numbers = #tpu.dot_dimension_numbers<[1], [0], [0], [1], [0, 0, 1, 1], [], []>, transpose_lhs_hint = false} : vector<128x288xf32>, vector<288x256xf32>, vector<128x256xf32> -> vector<128x256xf32>
      %get3A_30 = arith.constant 0 : index
      %get3A_31 = arith.constant 0 : index
      %get3A_32 = arith.constant 0 : index
      %get3A_33 = vector.load %arg4[%get3A_30, %get3A_31, %get3A_32] : memref<1x1x256xf32, #tpu.memory_space<vmem>>, vector<1x1x256xf32>
      %get3A_34 = vector.shape_cast %get3A_33 : vector<1x1x256xf32> to vector<1x256xf32>
      %add3A_35 = vector.broadcast %get3A_34 : vector<1x256xf32> to vector<128x256xf32>
      %add3A_36 = arith.addf %dot_general3A_29, %add3A_35 : vector<128x256xf32>
      %max3A = arith.constant 0.000000e+00 : f32
      %max3A_37 = vector.broadcast %max3A : f32 to vector<128x256xf32>
      %max3A_38 = arith.maximumf %add3A_36, %max3A_37 : vector<128x256xf32>
      %get3A_39 = arith.constant 0 : index
      %get3A_40 = arith.constant 0 : index
      %get3A_41 = arith.constant 0 : index
      %get3A_42 = vector.load %arg3[%get3A_39, %get3A_40, %get3A_41] : memref<1x288x256xf32, #tpu.memory_space<vmem>>, vector<1x288x256xf32>
      %get3A_43 = vector.shape_cast %get3A_42 : vector<1x288x256xf32> to vector<288x256xf32>
      %dot_general3A_44 = arith.constant dense<0.000000e+00> : vector<128x256xf32>
      %dot_general3A_45 = tpu.matmul %concatenate3A_22, %get3A_43, %dot_general3A_44 {dimension_numbers = #tpu.dot_dimension_numbers<[1], [0], [0], [1], [0, 0, 1, 1], [], []>, transpose_lhs_hint = false} : vector<128x288xf32>, vector<288x256xf32>, vector<128x256xf32> -> vector<128x256xf32>
      %get3A_46 = arith.constant 0 : index
      %get3A_47 = arith.constant 0 : index
      %get3A_48 = arith.constant 0 : index
      %get3A_49 = vector.load %arg4[%get3A_46, %get3A_47, %get3A_48] : memref<1x1x256xf32, #tpu.memory_space<vmem>>, vector<1x1x256xf32>
      %get3A_50 = vector.shape_cast %get3A_49 : vector<1x1x256xf32> to vector<1x256xf32>
      %add3A_51 = vector.broadcast %get3A_50 : vector<1x256xf32> to vector<128x256xf32>
      %add3A_52 = arith.addf %dot_general3A_45, %add3A_51 : vector<128x256xf32>
      %max3A_53 = arith.constant 0.000000e+00 : f32
      %max3A_54 = vector.broadcast %max3A_53 : f32 to vector<128x256xf32>
      %max3A_55 = arith.maximumf %add3A_52, %max3A_54 : vector<128x256xf32>
      %get3A_56 = arith.constant 0 : index
      %get3A_57 = arith.constant 0 : index
      %get3A_58 = arith.constant 0 : index
      %get3A_59 = arith.constant 0 : index
      %get3A_60 = vector.load %arg5[%get3A_56, %get3A_57, %get3A_58, %get3A_59] : memref<1x5x256x256xf32, #tpu.memory_space<vmem>>, vector<1x1x256x256xf32>
      %get3A_61 = vector.shape_cast %get3A_60 : vector<1x1x256x256xf32> to vector<256x256xf32>
      %dot_general3A_62 = arith.constant dense<0.000000e+00> : vector<128x256xf32>
      %dot_general3A_63 = tpu.matmul %max3A_38, %get3A_61, %dot_general3A_62 {dimension_numbers = #tpu.dot_dimension_numbers<[1], [0], [0], [1], [0, 0, 1, 1], [], []>, transpose_lhs_hint = false} : vector<128x256xf32>, vector<256x256xf32>, vector<128x256xf32> -> vector<128x256xf32>
      %get3A_64 = arith.constant 0 : index
      %get3A_65 = arith.constant 0 : index
      %get3A_66 = arith.constant 0 : index
      %get3A_67 = vector.load %arg6[%get3A_64, %get3A_65, %get3A_66] : memref<1x5x256xf32, #tpu.memory_space<vmem>>, vector<1x1x256xf32>
      %get3A_68 = vector.shape_cast %get3A_67 : vector<1x1x256xf32> to vector<256xf32>
      %broadcast_in_dim3A = vector.shape_cast %get3A_68 : vector<256xf32> to vector<1x256xf32>
      %add3A_69 = vector.broadcast %broadcast_in_dim3A : vector<1x256xf32> to vector<128x256xf32>
      %add3A_70 = arith.addf %dot_general3A_63, %add3A_69 : vector<128x256xf32>
      %max3A_71 = arith.constant 0.000000e+00 : f32
      %max3A_72 = vector.broadcast %max3A_71 : f32 to vector<128x256xf32>
      %max3A_73 = arith.maximumf %add3A_70, %max3A_72 : vector<128x256xf32>
      %get3A_74 = arith.constant 0 : index
      %get3A_75 = arith.constant 0 : index
      %get3A_76 = arith.constant 0 : index
      %get3A_77 = arith.constant 0 : index
      %get3A_78 = vector.load %arg5[%get3A_74, %get3A_75, %get3A_76, %get3A_77] : memref<1x5x256x256xf32, #tpu.memory_space<vmem>>, vector<1x1x256x256xf32>
      %get3A_79 = vector.shape_cast %get3A_78 : vector<1x1x256x256xf32> to vector<256x256xf32>
      %dot_general3A_80 = arith.constant dense<0.000000e+00> : vector<128x256xf32>
      %dot_general3A_81 = tpu.matmul %max3A_55, %get3A_79, %dot_general3A_80 {dimension_numbers = #tpu.dot_dimension_numbers<[1], [0], [0], [1], [0, 0, 1, 1], [], []>, transpose_lhs_hint = false} : vector<128x256xf32>, vector<256x256xf32>, vector<128x256xf32> -> vector<128x256xf32>
      %get3A_82 = arith.constant 0 : index
      %get3A_83 = arith.constant 0 : index
      %get3A_84 = arith.constant 0 : index
      %get3A_85 = vector.load %arg6[%get3A_82, %get3A_83, %get3A_84] : memref<1x5x256xf32, #tpu.memory_space<vmem>>, vector<1x1x256xf32>
      %get3A_86 = vector.shape_cast %get3A_85 : vector<1x1x256xf32> to vector<256xf32>
      %broadcast_in_dim3A_87 = vector.shape_cast %get3A_86 : vector<256xf32> to vector<1x256xf32>
      %add3A_88 = vector.broadcast %broadcast_in_dim3A_87 : vector<1x256xf32> to vector<128x256xf32>
      %add3A_89 = arith.addf %dot_general3A_81, %add3A_88 : vector<128x256xf32>
      %max3A_90 = arith.constant 0.000000e+00 : f32
      %max3A_91 = vector.broadcast %max3A_90 : f32 to vector<128x256xf32>
      %max3A_92 = arith.maximumf %add3A_89, %max3A_91 : vector<128x256xf32>
      %get3A_93 = arith.constant 0 : index
      %get3A_94 = arith.constant 1 : index
      %get3A_95 = arith.constant 0 : index
      %get3A_96 = arith.constant 0 : index
      %get3A_97 = vector.load %arg5[%get3A_93, %get3A_94, %get3A_95, %get3A_96] : memref<1x5x256x256xf32, #tpu.memory_space<vmem>>, vector<1x1x256x256xf32>
      %get3A_98 = vector.shape_cast %get3A_97 : vector<1x1x256x256xf32> to vector<256x256xf32>
      %dot_general3A_99 = arith.constant dense<0.000000e+00> : vector<128x256xf32>
      %dot_general3A_100 = tpu.matmul %max3A_73, %get3A_98, %dot_general3A_99 {dimension_numbers = #tpu.dot_dimension_numbers<[1], [0], [0], [1], [0, 0, 1, 1], [], []>, transpose_lhs_hint = false} : vector<128x256xf32>, vector<256x256xf32>, vector<128x256xf32> -> vector<128x256xf32>
      %get3A_101 = arith.constant 0 : index
      %get3A_102 = arith.constant 1 : index
      %get3A_103 = arith.constant 0 : index
      %get3A_104 = vector.load %arg6[%get3A_101, %get3A_102, %get3A_103] : memref<1x5x256xf32, #tpu.memory_space<vmem>>, vector<1x1x256xf32>
      %get3A_105 = vector.shape_cast %get3A_104 : vector<1x1x256xf32> to vector<256xf32>
      %broadcast_in_dim3A_106 = vector.shape_cast %get3A_105 : vector<256xf32> to vector<1x256xf32>
      %add3A_107 = vector.broadcast %broadcast_in_dim3A_106 : vector<1x256xf32> to vector<128x256xf32>
      %add3A_108 = arith.addf %dot_general3A_100, %add3A_107 : vector<128x256xf32>
      %max3A_109 = arith.constant 0.000000e+00 : f32
      %max3A_110 = vector.broadcast %max3A_109 : f32 to vector<128x256xf32>
      %max3A_111 = arith.maximumf %add3A_108, %max3A_110 : vector<128x256xf32>
      %get3A_112 = arith.constant 0 : index
      %get3A_113 = arith.constant 1 : index
      %get3A_114 = arith.constant 0 : index
      %get3A_115 = arith.constant 0 : index
      %get3A_116 = vector.load %arg5[%get3A_112, %get3A_113, %get3A_114, %get3A_115] : memref<1x5x256x256xf32, #tpu.memory_space<vmem>>, vector<1x1x256x256xf32>
      %get3A_117 = vector.shape_cast %get3A_116 : vector<1x1x256x256xf32> to vector<256x256xf32>
      %dot_general3A_118 = arith.constant dense<0.000000e+00> : vector<128x256xf32>
      %dot_general3A_119 = tpu.matmul %max3A_92, %get3A_117, %dot_general3A_118 {dimension_numbers = #tpu.dot_dimension_numbers<[1], [0], [0], [1], [0, 0, 1, 1], [], []>, transpose_lhs_hint = false} : vector<128x256xf32>, vector<256x256xf32>, vector<128x256xf32> -> vector<128x256xf32>
      %get3A_120 = arith.constant 0 : index
      %get3A_121 = arith.constant 1 : index
      %get3A_122 = arith.constant 0 : index
      %get3A_123 = vector.load %arg6[%get3A_120, %get3A_121, %get3A_122] : memref<1x5x256xf32, #tpu.memory_space<vmem>>, vector<1x1x256xf32>
      %get3A_124 = vector.shape_cast %get3A_123 : vector<1x1x256xf32> to vector<256xf32>
      %broadcast_in_dim3A_125 = vector.shape_cast %get3A_124 : vector<256xf32> to vector<1x256xf32>
      %add3A_126 = vector.broadcast %broadcast_in_dim3A_125 : vector<1x256xf32> to vector<128x256xf32>
      %add3A_127 = arith.addf %dot_general3A_119, %add3A_126 : vector<128x256xf32>
      %max3A_128 = arith.constant 0.000000e+00 : f32
      %max3A_129 = vector.broadcast %max3A_128 : f32 to vector<128x256xf32>
      %max3A_130 = arith.maximumf %add3A_127, %max3A_129 : vector<128x256xf32>
      %get3A_131 = arith.constant 0 : index
      %get3A_132 = arith.constant 2 : index
      %get3A_133 = arith.constant 0 : index
      %get3A_134 = arith.constant 0 : index
      %get3A_135 = vector.load %arg5[%get3A_131, %get3A_132, %get3A_133, %get3A_134] : memref<1x5x256x256xf32, #tpu.memory_space<vmem>>, vector<1x1x256x256xf32>
      %get3A_136 = vector.shape_cast %get3A_135 : vector<1x1x256x256xf32> to vector<256x256xf32>
      %dot_general3A_137 = arith.constant dense<0.000000e+00> : vector<128x256xf32>
      %dot_general3A_138 = tpu.matmul %max3A_111, %get3A_136, %dot_general3A_137 {dimension_numbers = #tpu.dot_dimension_numbers<[1], [0], [0], [1], [0, 0, 1, 1], [], []>, transpose_lhs_hint = false} : vector<128x256xf32>, vector<256x256xf32>, vector<128x256xf32> -> vector<128x256xf32>
      %get3A_139 = arith.constant 0 : index
      %get3A_140 = arith.constant 2 : index
      %get3A_141 = arith.constant 0 : index
      %get3A_142 = vector.load %arg6[%get3A_139, %get3A_140, %get3A_141] : memref<1x5x256xf32, #tpu.memory_space<vmem>>, vector<1x1x256xf32>
      %get3A_143 = vector.shape_cast %get3A_142 : vector<1x1x256xf32> to vector<256xf32>
      %broadcast_in_dim3A_144 = vector.shape_cast %get3A_143 : vector<256xf32> to vector<1x256xf32>
      %add3A_145 = vector.broadcast %broadcast_in_dim3A_144 : vector<1x256xf32> to vector<128x256xf32>
      %add3A_146 = arith.addf %dot_general3A_138, %add3A_145 : vector<128x256xf32>
      %max3A_147 = arith.constant 0.000000e+00 : f32
      %max3A_148 = vector.broadcast %max3A_147 : f32 to vector<128x256xf32>
      %max3A_149 = arith.maximumf %add3A_146, %max3A_148 : vector<128x256xf32>
      %get3A_150 = arith.constant 0 : index
      %get3A_151 = arith.constant 2 : index
      %get3A_152 = arith.constant 0 : index
      %get3A_153 = arith.constant 0 : index
      %get3A_154 = vector.load %arg5[%get3A_150, %get3A_151, %get3A_152, %get3A_153] : memref<1x5x256x256xf32, #tpu.memory_space<vmem>>, vector<1x1x256x256xf32>
      %get3A_155 = vector.shape_cast %get3A_154 : vector<1x1x256x256xf32> to vector<256x256xf32>
      %dot_general3A_156 = arith.constant dense<0.000000e+00> : vector<128x256xf32>
      %dot_general3A_157 = tpu.matmul %max3A_130, %get3A_155, %dot_general3A_156 {dimension_numbers = #tpu.dot_dimension_numbers<[1], [0], [0], [1], [0, 0, 1, 1], [], []>, transpose_lhs_hint = false} : vector<128x256xf32>, vector<256x256xf32>, vector<128x256xf32> -> vector<128x256xf32>
      %get3A_158 = arith.constant 0 : index
      %get3A_159 = arith.constant 2 : index
      %get3A_160 = arith.constant 0 : index
      %get3A_161 = vector.load %arg6[%get3A_158, %get3A_159, %get3A_160] : memref<1x5x256xf32, #tpu.memory_space<vmem>>, vector<1x1x256xf32>
      %get3A_162 = vector.shape_cast %get3A_161 : vector<1x1x256xf32> to vector<256xf32>
      %broadcast_in_dim3A_163 = vector.shape_cast %get3A_162 : vector<256xf32> to vector<1x256xf32>
      %add3A_164 = vector.broadcast %broadcast_in_dim3A_163 : vector<1x256xf32> to vector<128x256xf32>
      %add3A_165 = arith.addf %dot_general3A_157, %add3A_164 : vector<128x256xf32>
      %max3A_166 = arith.constant 0.000000e+00 : f32
      %max3A_167 = vector.broadcast %max3A_166 : f32 to vector<128x256xf32>
      %max3A_168 = arith.maximumf %add3A_165, %max3A_167 : vector<128x256xf32>
      %get3A_169 = arith.constant 0 : index
      %get3A_170 = arith.constant 3 : index
      %get3A_171 = arith.constant 0 : index
      %get3A_172 = arith.constant 0 : index
      %get3A_173 = vector.load %arg5[%get3A_169, %get3A_170, %get3A_171, %get3A_172] : memref<1x5x256x256xf32, #tpu.memory_space<vmem>>, vector<1x1x256x256xf32>
      %get3A_174 = vector.shape_cast %get3A_173 : vector<1x1x256x256xf32> to vector<256x256xf32>
      %dot_general3A_175 = arith.constant dense<0.000000e+00> : vector<128x256xf32>
      %dot_general3A_176 = tpu.matmul %max3A_149, %get3A_174, %dot_general3A_175 {dimension_numbers = #tpu.dot_dimension_numbers<[1], [0], [0], [1], [0, 0, 1, 1], [], []>, transpose_lhs_hint = false} : vector<128x256xf32>, vector<256x256xf32>, vector<128x256xf32> -> vector<128x256xf32>
      %get3A_177 = arith.constant 0 : index
      %get3A_178 = arith.constant 3 : index
      %get3A_179 = arith.constant 0 : index
      %get3A_180 = vector.load %arg6[%get3A_177, %get3A_178, %get3A_179] : memref<1x5x256xf32, #tpu.memory_space<vmem>>, vector<1x1x256xf32>
      %get3A_181 = vector.shape_cast %get3A_180 : vector<1x1x256xf32> to vector<256xf32>
      %broadcast_in_dim3A_182 = vector.shape_cast %get3A_181 : vector<256xf32> to vector<1x256xf32>
      %add3A_183 = vector.broadcast %broadcast_in_dim3A_182 : vector<1x256xf32> to vector<128x256xf32>
      %add3A_184 = arith.addf %dot_general3A_176, %add3A_183 : vector<128x256xf32>
      %max3A_185 = arith.constant 0.000000e+00 : f32
      %max3A_186 = vector.broadcast %max3A_185 : f32 to vector<128x256xf32>
      %max3A_187 = arith.maximumf %add3A_184, %max3A_186 : vector<128x256xf32>
      %get3A_188 = arith.constant 0 : index
      %get3A_189 = arith.constant 3 : index
      %get3A_190 = arith.constant 0 : index
      %get3A_191 = arith.constant 0 : index
      %get3A_192 = vector.load %arg5[%get3A_188, %get3A_189, %get3A_190, %get3A_191] : memref<1x5x256x256xf32, #tpu.memory_space<vmem>>, vector<1x1x256x256xf32>
      %get3A_193 = vector.shape_cast %get3A_192 : vector<1x1x256x256xf32> to vector<256x256xf32>
      %dot_general3A_194 = arith.constant dense<0.000000e+00> : vector<128x256xf32>
      %dot_general3A_195 = tpu.matmul %max3A_168, %get3A_193, %dot_general3A_194 {dimension_numbers = #tpu.dot_dimension_numbers<[1], [0], [0], [1], [0, 0, 1, 1], [], []>, transpose_lhs_hint = false} : vector<128x256xf32>, vector<256x256xf32>, vector<128x256xf32> -> vector<128x256xf32>
      %get3A_196 = arith.constant 0 : index
      %get3A_197 = arith.constant 3 : index
      %get3A_198 = arith.constant 0 : index
      %get3A_199 = vector.load %arg6[%get3A_196, %get3A_197, %get3A_198] : memref<1x5x256xf32, #tpu.memory_space<vmem>>, vector<1x1x256xf32>
      %get3A_200 = vector.shape_cast %get3A_199 : vector<1x1x256xf32> to vector<256xf32>
      %broadcast_in_dim3A_201 = vector.shape_cast %get3A_200 : vector<256xf32> to vector<1x256xf32>
      %add3A_202 = vector.broadcast %broadcast_in_dim3A_201 : vector<1x256xf32> to vector<128x256xf32>
      %add3A_203 = arith.addf %dot_general3A_195, %add3A_202 : vector<128x256xf32>
      %max3A_204 = arith.constant 0.000000e+00 : f32
      %max3A_205 = vector.broadcast %max3A_204 : f32 to vector<128x256xf32>
      %max3A_206 = arith.maximumf %add3A_203, %max3A_205 : vector<128x256xf32>
      %concatenate3A_207 = tpu.concatenate %max3A_187, %concatenate3A in 1 : vector<128x256xf32>, vector<128x288xf32> -> vector<128x544xf32>
      %concatenate3A_208 = tpu.concatenate %max3A_206, %concatenate3A_22 in 1 : vector<128x256xf32>, vector<128x288xf32> -> vector<128x544xf32>
      %get3A_209 = arith.constant 0 : index
      %get3A_210 = arith.constant 0 : index
      %get3A_211 = arith.constant 0 : index
      %get3A_212 = vector.load %arg7[%get3A_209, %get3A_210, %get3A_211] : memref<1x544x256xf32, #tpu.memory_space<vmem>>, vector<1x544x256xf32>
      %get3A_213 = vector.shape_cast %get3A_212 : vector<1x544x256xf32> to vector<544x256xf32>
      %dot_general3A_214 = arith.constant dense<0.000000e+00> : vector<128x256xf32>
      %dot_general3A_215 = tpu.matmul %concatenate3A_207, %get3A_213, %dot_general3A_214 {dimension_numbers = #tpu.dot_dimension_numbers<[1], [0], [0], [1], [0, 0, 1, 1], [], []>, transpose_lhs_hint = false} : vector<128x544xf32>, vector<544x256xf32>, vector<128x256xf32> -> vector<128x256xf32>
      %get3A_216 = arith.constant 0 : index
      %get3A_217 = arith.constant 0 : index
      %get3A_218 = arith.constant 0 : index
      %get3A_219 = vector.load %arg8[%get3A_216, %get3A_217, %get3A_218] : memref<1x1x256xf32, #tpu.memory_space<vmem>>, vector<1x1x256xf32>
      %get3A_220 = vector.shape_cast %get3A_219 : vector<1x1x256xf32> to vector<1x256xf32>
      %add3A_221 = vector.broadcast %get3A_220 : vector<1x256xf32> to vector<128x256xf32>
      %add3A_222 = arith.addf %dot_general3A_215, %add3A_221 : vector<128x256xf32>
      %max3A_223 = arith.constant 0.000000e+00 : f32
      %max3A_224 = vector.broadcast %max3A_223 : f32 to vector<128x256xf32>
      %max3A_225 = arith.maximumf %add3A_222, %max3A_224 : vector<128x256xf32>
      %get3A_226 = arith.constant 0 : index
      %get3A_227 = arith.constant 0 : index
      %get3A_228 = arith.constant 0 : index
      %get3A_229 = vector.load %arg7[%get3A_226, %get3A_227, %get3A_228] : memref<1x544x256xf32, #tpu.memory_space<vmem>>, vector<1x544x256xf32>
      %get3A_230 = vector.shape_cast %get3A_229 : vector<1x544x256xf32> to vector<544x256xf32>
      %dot_general3A_231 = arith.constant dense<0.000000e+00> : vector<128x256xf32>
      %dot_general3A_232 = tpu.matmul %concatenate3A_208, %get3A_230, %dot_general3A_231 {dimension_numbers = #tpu.dot_dimension_numbers<[1], [0], [0], [1], [0, 0, 1, 1], [], []>, transpose_lhs_hint = false} : vector<128x544xf32>, vector<544x256xf32>, vector<128x256xf32> -> vector<128x256xf32>
      %get3A_233 = arith.constant 0 : index
      %get3A_234 = arith.constant 0 : index
      %get3A_235 = arith.constant 0 : index
      %get3A_236 = vector.load %arg8[%get3A_233, %get3A_234, %get3A_235] : memref<1x1x256xf32, #tpu.memory_space<vmem>>, vector<1x1x256xf32>
      %get3A_237 = vector.shape_cast %get3A_236 : vector<1x1x256xf32> to vector<1x256xf32>
      %add3A_238 = vector.broadcast %get3A_237 : vector<1x256xf32> to vector<128x256xf32>
      %add3A_239 = arith.addf %dot_general3A_232, %add3A_238 : vector<128x256xf32>
      %max3A_240 = arith.constant 0.000000e+00 : f32
      %max3A_241 = vector.broadcast %max3A_240 : f32 to vector<128x256xf32>
      %max3A_242 = arith.maximumf %add3A_239, %max3A_241 : vector<128x256xf32>
      %get3A_243 = arith.constant 0 : index
      %get3A_244 = arith.constant 4 : index
      %get3A_245 = arith.constant 0 : index
      %get3A_246 = arith.constant 0 : index
      %get3A_247 = vector.load %arg5[%get3A_243, %get3A_244, %get3A_245, %get3A_246] : memref<1x5x256x256xf32, #tpu.memory_space<vmem>>, vector<1x1x256x256xf32>
      %get3A_248 = vector.shape_cast %get3A_247 : vector<1x1x256x256xf32> to vector<256x256xf32>
      %dot_general3A_249 = arith.constant dense<0.000000e+00> : vector<128x256xf32>
      %dot_general3A_250 = tpu.matmul %max3A_225, %get3A_248, %dot_general3A_249 {dimension_numbers = #tpu.dot_dimension_numbers<[1], [0], [0], [1], [0, 0, 1, 1], [], []>, transpose_lhs_hint = false} : vector<128x256xf32>, vector<256x256xf32>, vector<128x256xf32> -> vector<128x256xf32>
      %get3A_251 = arith.constant 0 : index
      %get3A_252 = arith.constant 4 : index
      %get3A_253 = arith.constant 0 : index
      %get3A_254 = vector.load %arg6[%get3A_251, %get3A_252, %get3A_253] : memref<1x5x256xf32, #tpu.memory_space<vmem>>, vector<1x1x256xf32>
      %get3A_255 = vector.shape_cast %get3A_254 : vector<1x1x256xf32> to vector<256xf32>
      %broadcast_in_dim3A_256 = vector.shape_cast %get3A_255 : vector<256xf32> to vector<1x256xf32>
      %add3A_257 = vector.broadcast %broadcast_in_dim3A_256 : vector<1x256xf32> to vector<128x256xf32>
      %add3A_258 = arith.addf %dot_general3A_250, %add3A_257 : vector<128x256xf32>
      %max3A_259 = arith.constant 0.000000e+00 : f32
      %max3A_260 = vector.broadcast %max3A_259 : f32 to vector<128x256xf32>
      %max3A_261 = arith.maximumf %add3A_258, %max3A_260 : vector<128x256xf32>
      %get3A_262 = arith.constant 0 : index
      %get3A_263 = arith.constant 4 : index
      %get3A_264 = arith.constant 0 : index
      %get3A_265 = arith.constant 0 : index
      %get3A_266 = vector.load %arg5[%get3A_262, %get3A_263, %get3A_264, %get3A_265] : memref<1x5x256x256xf32, #tpu.memory_space<vmem>>, vector<1x1x256x256xf32>
      %get3A_267 = vector.shape_cast %get3A_266 : vector<1x1x256x256xf32> to vector<256x256xf32>
      %dot_general3A_268 = arith.constant dense<0.000000e+00> : vector<128x256xf32>
      %dot_general3A_269 = tpu.matmul %max3A_242, %get3A_267, %dot_general3A_268 {dimension_numbers = #tpu.dot_dimension_numbers<[1], [0], [0], [1], [0, 0, 1, 1], [], []>, transpose_lhs_hint = false} : vector<128x256xf32>, vector<256x256xf32>, vector<128x256xf32> -> vector<128x256xf32>
      %get3A_270 = arith.constant 0 : index
      %get3A_271 = arith.constant 4 : index
      %get3A_272 = arith.constant 0 : index
      %get3A_273 = vector.load %arg6[%get3A_270, %get3A_271, %get3A_272] : memref<1x5x256xf32, #tpu.memory_space<vmem>>, vector<1x1x256xf32>
      %get3A_274 = vector.shape_cast %get3A_273 : vector<1x1x256xf32> to vector<256xf32>
      %broadcast_in_dim3A_275 = vector.shape_cast %get3A_274 : vector<256xf32> to vector<1x256xf32>
      %add3A_276 = vector.broadcast %broadcast_in_dim3A_275 : vector<1x256xf32> to vector<128x256xf32>
      %add3A_277 = arith.addf %dot_general3A_269, %add3A_276 : vector<128x256xf32>
      %max3A_278 = arith.constant 0.000000e+00 : f32
      %max3A_279 = vector.broadcast %max3A_278 : f32 to vector<128x256xf32>
      %max3A_280 = arith.maximumf %add3A_277, %max3A_279 : vector<128x256xf32>
      %get3A_281 = arith.constant 0 : index
      %get3A_282 = arith.constant 0 : index
      %get3A_283 = arith.constant 0 : index
      %get3A_284 = vector.load %arg9[%get3A_281, %get3A_282, %get3A_283] : memref<1x256x4xf32, #tpu.memory_space<vmem>>, vector<1x256x4xf32>
      %get3A_285 = vector.shape_cast %get3A_284 : vector<1x256x4xf32> to vector<256x4xf32>
      %dot_general3A_286 = arith.constant dense<0.000000e+00> : vector<128x4xf32>
      %dot_general3A_287 = tpu.matmul %max3A_261, %get3A_285, %dot_general3A_286 {dimension_numbers = #tpu.dot_dimension_numbers<[1], [0], [0], [1], [0, 0, 1, 1], [], []>, transpose_lhs_hint = false} : vector<128x256xf32>, vector<256x4xf32>, vector<128x4xf32> -> vector<128x4xf32>
      %get3A_288 = arith.constant 0 : index
      %get3A_289 = arith.constant 0 : index
      %get3A_290 = arith.constant 0 : index
      %get3A_291 = vector.load %arg10[%get3A_288, %get3A_289, %get3A_290] : memref<1x1x4xf32, #tpu.memory_space<vmem>>, vector<1x1x4xf32>
      %get3A_292 = vector.shape_cast %get3A_291 : vector<1x1x4xf32> to vector<1x4xf32>
      %add3A_293 = vector.broadcast %get3A_292 : vector<1x4xf32> to vector<128x4xf32>
      %add3A_294 = arith.addf %dot_general3A_287, %add3A_293 : vector<128x4xf32>
      %get3A_295 = arith.constant 0 : index
      %get3A_296 = arith.constant 0 : index
      %get3A_297 = arith.constant 0 : index
      %get3A_298 = vector.load %arg9[%get3A_295, %get3A_296, %get3A_297] : memref<1x256x4xf32, #tpu.memory_space<vmem>>, vector<1x256x4xf32>
      %get3A_299 = vector.shape_cast %get3A_298 : vector<1x256x4xf32> to vector<256x4xf32>
      %dot_general3A_300 = arith.constant dense<0.000000e+00> : vector<128x4xf32>
      %dot_general3A_301 = tpu.matmul %max3A_280, %get3A_299, %dot_general3A_300 {dimension_numbers = #tpu.dot_dimension_numbers<[1], [0], [0], [1], [0, 0, 1, 1], [], []>, transpose_lhs_hint = false} : vector<128x256xf32>, vector<256x4xf32>, vector<128x4xf32> -> vector<128x4xf32>
      %get3A_302 = arith.constant 0 : index
      %get3A_303 = arith.constant 0 : index
      %get3A_304 = arith.constant 0 : index
      %get3A_305 = vector.load %arg10[%get3A_302, %get3A_303, %get3A_304] : memref<1x1x4xf32, #tpu.memory_space<vmem>>, vector<1x1x4xf32>
      %get3A_306 = vector.shape_cast %get3A_305 : vector<1x1x4xf32> to vector<1x4xf32>
      %add3A_307 = vector.broadcast %get3A_306 : vector<1x4xf32> to vector<128x4xf32>
      %add3A_308 = arith.addf %dot_general3A_301, %add3A_307 : vector<128x4xf32>
      %concatenate3A_309 = tpu.concatenate %add3A_294, %add3A_308 in 0 : vector<128x4xf32>, vector<128x4xf32> -> vector<256x4xf32>
      %broadcast_in_dim3A_310 = arith.constant 0.000000e+00 : f32
      %broadcast_in_dim3A_311 = vector.broadcast %broadcast_in_dim3A_310 : f32 to vector<256x124xf32>
      %concatenate3A_312 = tpu.concatenate %concatenate3A_309, %broadcast_in_dim3A_311 in 1 : vector<256x4xf32>, vector<256x124xf32> -> vector<256x128xf32>
      %swap3A = arith.constant 0 : index
      %swap3A_313 = arith.constant 0 : index
      %swap3A_314 = vector.load %arg11[%swap3A, %swap3A_313] : memref<256x128xf32, #tpu.memory_space<vmem>>, vector<256x128xf32>
      tpu.vector_store %arg11[%swap3A, %swap3A_313], %concatenate3A_312 {strides = array<i32>} : memref<256x128xf32, #tpu.memory_space<vmem>>, vector<256x128xf32>,
    } else {
    }
    return
  }
  func.func @transform_0(%arg0: i32, %arg1: memref<32xi32, #tpu.memory_space<smem>>) -> (i32, i32, i32) {
    %c0_i32 = arith.constant 0 : i32
    %c0_i32_0 = arith.constant 0 : i32
    %c0_i32_1 = arith.constant 0 : i32
    return %arg0, %c0_i32, %c0_i32_0 : i32, i32, i32
  }
  func.func @transform_1(%arg0: i32, %arg1: memref<32xi32, #tpu.memory_space<smem>>) -> (i32, i32, i32) {
    %get3A = arith.index_cast %arg0 : i32 to index
    %get3A_0 = memref.load %arg1[%get3A] : memref<32xi32, #tpu.memory_space<smem>>
    %and3A = arith.constant 7 : i32
    %and3A_1 = arith.andi %get3A_0, %and3A : i32
    %c0_i32 = arith.constant 0 : i32
    %c0_i32_2 = arith.constant 0 : i32
    %c0_i32_3 = arith.constant 0 : i32
    return %and3A_1, %c0_i32, %c0_i32_2 : i32, i32, i32
  }
  func.func @transform_2(%arg0: i32, %arg1: memref<32xi32, #tpu.memory_space<smem>>) -> (i32, i32, i32) {
    %get3A = arith.index_cast %arg0 : i32 to index
    %get3A_0 = memref.load %arg1[%get3A] : memref<32xi32, #tpu.memory_space<smem>>
    %and3A = arith.constant 7 : i32
    %and3A_1 = arith.andi %get3A_0, %and3A : i32
    %c0_i32 = arith.constant 0 : i32
    %c0_i32_2 = arith.constant 0 : i32
    %c0_i32_3 = arith.constant 0 : i32
    return %and3A_1, %c0_i32, %c0_i32_2 : i32, i32, i32
  }
  func.func @transform_3(%arg0: i32, %arg1: memref<32xi32, #tpu.memory_space<smem>>) -> (i32, i32, i32, i32) {
    %get3A = arith.index_cast %arg0 : i32 to index
    %get3A_0 = memref.load %arg1[%get3A] : memref<32xi32, #tpu.memory_space<smem>>
    %and3A = arith.constant 7 : i32
    %and3A_1 = arith.andi %get3A_0, %and3A : i32
    %c0_i32 = arith.constant 0 : i32
    %c0_i32_2 = arith.constant 0 : i32
    %c0_i32_3 = arith.constant 0 : i32
    %c0_i32_4 = arith.constant 0 : i32
    return %and3A_1, %c0_i32, %c0_i32_2, %c0_i32_3 : i32, i32, i32, i32
  }
  func.func @transform_4(%arg0: i32, %arg1: memref<32xi32, #tpu.memory_space<smem>>) -> (i32, i32, i32) {
    %get3A = arith.index_cast %arg0 : i32 to index
    %get3A_0 = memref.load %arg1[%get3A] : memref<32xi32, #tpu.memory_space<smem>>
    %and3A = arith.constant 7 : i32
    %and3A_1 = arith.andi %get3A_0, %and3A : i32
    %c0_i32 = arith.constant 0 : i32
    %c0_i32_2 = arith.constant 0 : i32
    %c0_i32_3 = arith.constant 0 : i32
    return %and3A_1, %c0_i32, %c0_i32_2 : i32, i32, i32
  }
  func.func @transform_5(%arg0: i32, %arg1: memref<32xi32, #tpu.memory_space<smem>>) -> (i32, i32, i32) {
    %get3A = arith.index_cast %arg0 : i32 to index
    %get3A_0 = memref.load %arg1[%get3A] : memref<32xi32, #tpu.memory_space<smem>>
    %and3A = arith.constant 7 : i32
    %and3A_1 = arith.andi %get3A_0, %and3A : i32
    %c0_i32 = arith.constant 0 : i32
    %c0_i32_2 = arith.constant 0 : i32
    %c0_i32_3 = arith.constant 0 : i32
    return %and3A_1, %c0_i32, %c0_i32_2 : i32, i32, i32
  }
  func.func @transform_6(%arg0: i32, %arg1: memref<32xi32, #tpu.memory_space<smem>>) -> (i32, i32, i32) {
    %get3A = arith.index_cast %arg0 : i32 to index
    %get3A_0 = memref.load %arg1[%get3A] : memref<32xi32, #tpu.memory_space<smem>>
    %and3A = arith.constant 7 : i32
    %and3A_1 = arith.andi %get3A_0, %and3A : i32
    %c0_i32 = arith.constant 0 : i32
    %c0_i32_2 = arith.constant 0 : i32
    %c0_i32_3 = arith.constant 0 : i32
    return %and3A_1, %c0_i32, %c0_i32_2 : i32, i32, i32
  }
  func.func @transform_7(%arg0: i32, %arg1: memref<32xi32, #tpu.memory_space<smem>>) -> (i32, i32, i32) {
    %get3A = arith.index_cast %arg0 : i32 to index
    %get3A_0 = memref.load %arg1[%get3A] : memref<32xi32, #tpu.memory_space<smem>>
    %and3A = arith.constant 7 : i32
    %and3A_1 = arith.andi %get3A_0, %and3A : i32
    %c0_i32 = arith.constant 0 : i32
    %c0_i32_2 = arith.constant 0 : i32
    %c0_i32_3 = arith.constant 0 : i32
    return %and3A_1, %c0_i32, %c0_i32_2 : i32, i32, i32
  }
  func.func @transform_8(%arg0: i32, %arg1: memref<32xi32, #tpu.memory_space<smem>>) -> (i32, i32, i32) {
    %get3A = arith.index_cast %arg0 : i32 to index
    %get3A_0 = memref.load %arg1[%get3A] : memref<32xi32, #tpu.memory_space<smem>>
    %and3A = arith.constant 7 : i32
    %and3A_1 = arith.andi %get3A_0, %and3A : i32
    %c0_i32 = arith.constant 0 : i32
    %c0_i32_2 = arith.constant 0 : i32
    %c0_i32_3 = arith.constant 0 : i32
    return %and3A_1, %c0_i32, %c0_i32_2 : i32, i32, i32
  }
  func.func @transform_9(%arg0: i32, %arg1: memref<32xi32, #tpu.memory_space<smem>>) -> (i32, i32) {
    %c0_i32 = arith.constant 0 : i32
    %c0_i32_0 = arith.constant 0 : i32
    return %arg0, %c0_i32 : i32, i32
  }
}

</mosaic_0001>

<sc_bundles>
// kernel: kernel.6.cloned.1.call-start
scs
__scs_entry_jumppad:
0x0: {  	(pc) =	sbr.rel $0x88, $3  }
0x1: {  	(tag) =	ssettag $0x0;
	lr =	simm.s32 $0x1  }
0x2: {  	[smem:$0x3F8F] =	sst lr;
	_ =	strace $0xD0000000  }
0x3: {  	_ = 	snop  }
0x4: {  	_ = 	snop  }
0x5: {  	_ = 	snop  }
0x6: {  	_ = 	snop  }
0x7: {  	_ = 	snop  }
__scs_overlays_trampoline_lowered:
0x8: {  	[smem:$0x3F9E] =	sst s0  }
0x9: {  	[smem:$0x3F9F] =	sst s1  }
0xa: {  	[smem:$0x3FA0] =	sst s2  }
0xb: {  	[smem:$0x3FA1] =	sst s3  }
0xc: {  	[smem:$0x3FA2] =	sst s4  }
0xd: {  	[smem:$0x3FA3] =	sst s5  }
0xe: {  	[smem:$0x3FA4] =	sst s6  }
0xf: {  	[smem:$0x3FA5] =	sst s7  }
0x10: {  	[smem:$0x3FA6] =	sst s8  }
0x11: {  	[smem:$0x3FA7] =	sst s9;
	s0 =	simm.s32 @!p0 $0x0  }
0x12: {  	s1 =	sld [smem:$0x3F8D];
	s0 =	simm.s32 @p0 $0x1  }
0x13: {  	[smem:$0x3FA8] =	sst s0;
	s0 =	simm.s32 @!p1 $0x0  }
0x14: {  	s2 =	sld [smem:$0x3F8C];
	s0 =	simm.s32 @p1 $0x1  }
0x15: {  	[smem:$0x3FA9] =	sst s0;
	s0 =	simm.s32 @!p2 $0x0  }
0x16: {  	s3 =	sld [smem:$0x3FDB];
	s0 =	simm.s32 @p2 $0x1  }
0x17: {  	s4 =	simm.s32 $0x1BF5;
	[smem:$0x3FAB] =	sst s0  }
0x18: {  	s0 =	sld [smem:$0x3F8E];
	_ =	swait.ge [sflag:s4], $0x0  }
0x19: {  	s7 =	sld [smem:$0x3F8F]  }
0x1a: {  	s8 =	sadd.s32 $0xFFFFE003, lr  }
0x1b: {  	s9 =	sadd.s32 $0xFFFFFEF7, lr;
	s5 =	simm.s32 $0xFFFFFFFF;
	p2 =	slt.u32 s8, $0xFFFFF086  }
0x1c: {  	p1 =	slt.u32 s9, $0xF7A;
	s5 =	simm.s32 @!p2 $0x0  }
0x1d: {  	s5 =	simm.s32 @p1 $0x1;
	p0 =	seq.s32 s7, s2  }
0x1e: {  	s7 =	smul.u32 @!p0 $0xF7A, s2;
	p2 =	seq.s32 @!p0 s5, $0x0  }
0x1f: {  	s9 =	smul.u32 $0xF7A, s1;
	s8 =	simm.s32 @!p0 $0x1BF5;
	p2 =	por !p2, p0  }
0x20: {  	[sflag:s8] =	ssyncset.s32 @!p0 $0xFFFFF086;
	s6 =	sadd.s32 @!p0 s3, s7;
	s7 =	simm.s32 @!p0 $0x108  }
0x21: {  	s3 =	sadd.s32 s3, s9;
	s6 =	sadd.s32 @!p0 $0x88, s6;
	s7 =	simm.s32 @p2 $0x1082  }
0x22: {  	[simem:s7], [sflag:s8] =	dma.local @!p0 [hbm:s6], $0xF7A  }
0x23: {  	s9 =	sor.u32 $0xD0000000, s2;
	s6 =	simm.s32 $0x108;
	_ =	swait.ge @!p0 [sflag:s8], $0x0  }
0x24: {  	s3 =	sadd.s32 $0x88, s3;
	s6 =	simm.s32 @!p1 $0x1082;
	[sflag:s4] =	ssyncset.s32 $0xFFFFF086  }
0x25: {  	[simem:s6], [sflag:s4] =	dma.local [hbm:s3], $0xF7A  }
0x26: {  	[smem:$0x3F8F] =	sst s1;
	(tag) =	ssettag s2;
	_ =	strace s9  }
0x27: {  	s1 =	sld [smem:$0x3F9F]  }
0x28: {  	s2 =	sld [smem:$0x3FA0]  }
0x29: {  	s4 =	sld [smem:$0x3FA2]  }
0x2a: {  	p0 =	seq.s32 s5, $0x0;
	s5 =	sld [smem:$0x3FA3]  }
0x2b: {  	s6 =	sld [smem:$0x3FA4]  }
0x2c: {  	s7 =	sld [smem:$0x3FA5]  }
0x2d: {  	s3 =	simm.s32 $0x108;
	s8 =	sld [smem:$0x3FA6]  }
0x2e: {  	s3 =	simm.s32 @!p0 $0x1082;
	s9 =	sld [smem:$0x3FA7]  }
0x2f: {  	lr =	sadd.s32 s0, s3;
	s0 =	sld [smem:$0x3F9E]  }
0x30: {  	s3 =	sld [smem:$0x3FA1]  }
0x31: {  	[smem:$0x3FAA] =	sst s10  }
0x32: {  	s10 =	sld [smem:$0x3FA8];
	_ =	sdelay $0x3  }
0x33: {  	p0 =	seq.s32 s10, $0x1;
	s10 =	sld [smem:$0x3FAA];
	_ =	sdelay $0x3  }
0x34: {  	[smem:$0x3FAA] =	sst s10  }
0x35: {  	s10 =	sld [smem:$0x3FA9];
	_ =	sdelay $0x3  }
0x36: {  	p1 =	seq.s32 s10, $0x1;
	s10 =	sld [smem:$0x3FAA];
	_ =	sdelay $0x3  }
0x37: {  	[smem:$0x3FAA] =	sst s10  }
0x38: {  	s10 =	sld [smem:$0x3FAB]  }
0x39: {  	_ = 	snop;
	(pc) =	sbr.ind lr, $3  }
0x3a: {  	_ = 	snop  }
0x3b: {  	_ = 	snop  }
0x3c: {  	p2 =	seq.s32 s10, $0x1;
	s10 =	sld [smem:$0x3FAA]  }
0x3d: {  	_ =	shalt  }
0x3e: {  	_ =	shalt  }
0x3f: {  	_ =	shalt  }
0x40: {  	_ =	shalt  }
0x41: {  	_ =	shalt  }
0x42: {  	_ =	shalt  }
0x43: {  	_ =	shalt  }
0x44: {  	_ =	shalt  }
0x45: {  	_ =	shalt  }
0x46: {  	_ =	shalt  }
0x47: {  	_ =	shalt  }
0x48: {  	_ =	shalt  }
0x49: {  	_ =	shalt  }
0x4a: {  	_ =	shalt  }
0x4b: {  	_ =	shalt  }
0x4c: {  	_ =	shalt  }
0x4d: {  	_ =	shalt  }
0x4e: {  	_ =	shalt  }
0x4f: {  	_ =	shalt  }
0x50: {  	_ =	shalt  }
0x51: {  	_ =	shalt  }
0x52: {  	_ =	shalt  }
0x53: {  	_ =	shalt  }
0x54: {  	_ =	shalt  }
0x55: {  	_ =	shalt  }
0x56: {  	_ =	shalt  }
0x57: {  	_ =	shalt  }
0x58: {  	_ =	shalt  }
0x59: {  	_ =	shalt  }
0x5a: {  	_ =	shalt  }
0x5b: {  	_ =	shalt  }
0x5c: {  	_ =	shalt  }
0x5d: {  	_ =	shalt  }
0x5e: {  	_ =	shalt  }
0x5f: {  	_ =	shalt  }
0x60: {  	_ =	shalt  }
0x61: {  	_ =	shalt  }
0x62: {  	_ =	shalt  }
0x63: {  	_ =	shalt  }
0x64: {  	_ =	shalt  }
0x65: {  	_ =	shalt  }
0x66: {  	_ =	shalt  }
0x67: {  	_ =	shalt  }
0x68: {  	_ =	shalt  }
0x69: {  	_ =	shalt  }
0x6a: {  	_ =	shalt  }
0x6b: {  	_ =	shalt  }
0x6c: {  	_ =	shalt  }
0x6d: {  	_ =	shalt  }
0x6e: {  	_ =	shalt  }
0x6f: {  	_ =	shalt  }
0x70: {  	_ =	shalt  }
0x71: {  	_ =	shalt  }
0x72: {  	_ =	shalt  }
0x73: {  	_ =	shalt  }
0x74: {  	_ =	shalt  }
0x75: {  	_ =	shalt  }
0x76: {  	_ =	shalt  }
0x77: {  	_ =	shalt  }
0x78: {  	_ =	shalt  }
0x79: {  	_ =	shalt  }
0x7a: {  	_ =	shalt  }
0x7b: {  	_ =	shalt  }
0x7c: {  	_ =	shalt  }
0x7d: {  	_ =	shalt  }
0x7e: {  	_ =	shalt  }
0x7f: {  	_ =	shalt  }
0x80: {  	_ =	shalt  }
0x81: {  	_ =	shalt  }
0x82: {  	_ =	shalt  }
0x83: {  	_ =	shalt  }
0x84: {  	_ =	shalt  }
0x85: {  	_ =	shalt  }
0x86: {  	_ =	shalt  }
0x87: {  	_ =	shalt  }
.Lfunc_end0:
.L_simem_size_0:
called_computation_lowered:
.L_overlay_start_0:
0x88: {  	s2 =	sld [smem:$0x3FD9]  }
0x89: {  	s3 =	sld [smem:$0x3FFE];
	_ =	sdelay $0x1  }
0x8a: {  	s1 =	srdreg.scid  }
0x8b: {  	s0 =	sand.u32 $0x1, s1  }
0x8c: {  	s17 =	sshll.u32 s0, $0xA;
	s2 =	sadd.s32 s3, s2  }
0x8d: {  	s2 =	sadd.s32 s2, s17  }
0x8e: {  	[smem:$0x3FB6] =	sst s2  }
0x8f: {  	_ = 	snop  }
0x90: {  	s2 =	sld [smem:$0x3FC9]  }
0x91: {  	s18 =	sld [smem:$0x3FC8]  }
0x92: {  	s4 =	sld [smem:$0x3FD0];
	(tm) =	ssettm $0x1  }
0x93: {  	s5 =	sld [smem:$0x3FFB];
	_ =	sdelay $0x3  }
0x94: {  	_ =	strace s5  }
0x95: {  	s5 =	sld [smem:$0x3FFC];
	_ =	sdelay $0x3  }
0x96: {  	_ =	strace s5  }
0x97: {  	s5 =	sld [smem:$0x3FFD];
	_ =	sdelay $0x3  }
0x98: {  	_ =	strace s5  }
0x99: {  	_ =	strace $0x8FFFFFFF  }
0x9a: {  	s19 =	sld [smem:$0x3FDB];
	_ =	sdelay $0x1  }
0x9b: {  	s6 =	simm.s32 $_scs_section_size  }
0x9c: {  	s7 =	simm.s32 $_size__tile_overlayer_lowered;
	s8 =	simm.s32 $_tile_overlayer_lowered  }
0x9d: {  	s22 =	simm.s32 $0x1BFF;
	s21 =	sshll.u32 s8, $0x1;
	s5 =	sadd.s32 s6, s19  }
0x9e: {  	s9 =	simm.s32 $0x0;
	s20 =	sshll.u32 s7, $0x1;
	s7 =	sadd.s32 s21, s5  }
0x9f: {  	[timem:s9], [sflag:s22] =	dma.local [hbm:s7], s20  }
0xa0: {  	_ =	swait.ge [sflag:s22], s20  }
0xa1: {  	s6 =	ssub.s32 $0x0, s20;
	[sflag:s22] =	ssyncset.done $0x0  }
0xa2: {  	[sflag:s22] =	ssyncadd.s32 s6;
	_ =	sdelay $0x1  }
0xa3: {  	s23 =	simm.s32 $0x1B8B  }
0xa4: {  	_ =	swait.ge [sflag:s23], $0x1  }
0xa5: {  	[sflag:s23] =	ssyncset.done $0x0  }
0xa6: {  	s25 =	simm.s32 $0x1B8E;
	s24 =	sld [smem:$0x3FFE];
	[sflag:s23] =	ssyncadd.s32 $0xFFFFFFFF  }
0xa7: {  	s26 =	simm.s32 $execute0_lowered;
	[smem:$0x3FD2] =	sst s25  }
0xa8: {  	s7 =	sshll.u32 s26, $0x1;
	_ =	strace $0x80000046;
	[dreg:$0x1] =	wrdreg $0xFFFFFFFF  }
0xa9: {  	s28 =	simm.s32 $_size_execute0_lowered;
	s5 =	sadd.s32 s5, s7;
	[dreg:$0x0] =	wrdreg $0x0  }
0xaa: {  	s7 =	sshll.u32 s28, $0x1;
	[dreg:$0x2] =	wrdreg s5  }
0xab: {  	[dreg:$0x3] =	wrdreg s7  }
0xac: {  	[dreg:$0x4] =	wrdreg $0xC0  }
0xad: {  	_ =	task [dreg:s9], $0x5FFFF  }
0xae: {  	[dreg:$0x1] =	wrdreg $0xFFFFFFFF  }
0xaf: {  	[dreg:$0x0] =	wrdreg $0x60  }
0xb0: {  	[dreg:$0x2] =	wrdreg s4  }
0xb1: {  	[dreg:$0x3] =	wrdreg s24  }
0xb2: {  	[dreg:$0x4] =	wrdreg s2  }
0xb3: {  	[dreg:$0x5] =	wrdreg s18  }
0xb4: {  	[dreg:$0x6] =	wrdreg $0x9  }
0xb5: {  	_ =	task.clear_ibuf [dreg:s9], $0x7FFFF;
	_ =	strace $0x90000046  }
0xb6: {  	s29 =	simm.s32 $0x9;
	_ =	strace $0x80000048  }
0xb7: {  	_ =	swait.ge [sflag:s29], $0x1  }
0xb8: {  	[sflag:s29] =	ssyncadd.s32 $0xFFFFFFFF  }
0xb9: {  	_ =	strace $0x90000048  }
0xba: {  	_ =	sfence  }
0xbb: {  	s30 =	sld [smem:$0x0];
	_ =	sdelay $0x2  }
0xbc: {  	s31 =	sshll.u32 s1, $0xD;
	s1 =	sshrl.u32 s1, $0x2  }
0xbd: {  	s3 =	sand.u32 $0x4000, s31;
	s1 =	sadd.s32 s1, s30  }
0xbe: {  	s0 =	sor.u32 s3, s0;
	s1 =	sshll.u32 s1, $0x11  }
0xbf: {  	s0 =	sor.u32 s1, s0  }
0xc0: {  	s0 =	sadd.s32 $0x8F2B, s0  }
0xc1: {  	[sflag:s0] =	ssyncadd.remote.s32 $0x1  }
0xc2: {  	_ =	sfence.sel $0xFFFF  }
0xc3: {  	[dreg:$0x0] =	wrdreg $0xFFFFFFFF;
	(pc) =	sbr.abs _section_cstart, $3  }
0xc4: {  	[dreg:$0x1] =	wrdreg $0xFFFFFFFF  }
0xc5: {  	_ =	task.clear_ibuf [dreg:s9], $0x2FFFF;
	_ =	strace $0x9FFFFFFF  }
0xc6: {  	(tm) =	ssettm $0x7FFFFFFF  }
0xc7: {  	_ =	shalt  }
tec
execute0_lowered:
.L_overlay_start_1:
0x0: {  	(tag) =	ssettag $0x1  }
0x1: {  	s7 =	rddreg [dreg:$0x0]  }
0x2: {  	s5 =	rddreg [dreg:$0x1]  }
0x3: {  	s6 =	rddreg [dreg:$0x2]  }
0x4: {  	s8 =	rddreg [dreg:$0x3]  }
0x5: {  	s0 =	rddreg [dreg:$0x4]  }
0x6: {  	s2 =	simm.s32 $0x0;
	s3 =	srdreg.scid;
	s1 =	stileid.u32  }
0x7: {  	s14 =	simm.s32 $0x1;
	s15 =	simm.s32 $0x2;
	s16 =	simm.s32 $0x180  }
0x8: {  	s17 =	simm.s32 $0x0;
	[smem:$0x7FF] =	sst s2;
	s9 =	sand.u32 $0x1, s3  }
0x9: {  	s3 =	sadd.s32 $0x4400, s5;
	s10 =	sshll.u32 s1, $0x8;
	s11 =	sshll.u32 s9, $0x7  }
0xa: {  	s4 =	sadd.s32 $0x14600, s5;
	s9 =	ssub.s32 $0x2, s9;
	s10 =	sor.u32 s11, s10  }
0xb: {  	_ =	strace $0x80000047;
	s12 =	sshrl.u32 s9, $0x1;
	s11 =	sshrl.u32 s10, $0x3  }
0xc: {  	s10 =	sshll.u32 s10, $0x5;
	s9 =	ssub.s32 s9, s12;
	s12 =	simm.s32 $0x3  }
0xd: {  	s13 =	sadd.s32 s11, s5;
	s5 =	sadd.s32 s6, s10;
	s6 =	sadd.s32 s8, s10  }
0xe: {  	s7 =	sadd.s32 s7, s11;
	s9 =	smax.u32 s9, $0x1;
	s10 =	simm.s32 $0x80  }
0xf: {  	s11 =	simm.s32 $0x400;
	s8 =	sadd.s32 $0x74600, s13;
	s13 =	simm.s32 $0x100  }
.LBB2_1:
0x10: {  	s18 =	simm.s32 $0x180  }
0x11: {  	[tilespmem:s18], [sflag:$0x1] =	stream.strided.gather [hbm4b:s5+s10], $0x100, s11, s10, $0x38;
	[tilespmem:$0x10180] =	vst v63  }
0x12: {  	s20 =	sadd.s32 $0x10, s5;
	s19 =	simm.s32 $0x380  }
0x13: {  	[tilespmem:s19], [sflag:$0x1] =	stream.strided.gather [hbm4b:s20+s10], $0x100, s11, s10, $0x38;
	[tilespmem:$0x10180] =	vst v63  }
0x14: {  	s21 =	sadd.s32 $0x20, s5;
	s22 =	simm.s32 $0x580;
	s23 =	sadd.s32 $0x30, s5  }
0x15: {  	[tilespmem:s22], [sflag:$0x1] =	stream.strided.gather [hbm4b:s21+s10], $0x100, s11, s10, $0x38;
	[tilespmem:$0x10180] =	vst v63  }
0x16: {  	s24 =	simm.s32 $0x780;
	s25 =	sadd.s32 $0x40, s5;
	s26 =	simm.s32 $0x980  }
0x17: {  	[tilespmem:s24], [sflag:$0x1] =	stream.strided.gather [hbm4b:s23+s10], $0x100, s11, s10, $0x38;
	[tilespmem:$0x10180] =	vst v63  }
0x18: {  	s28 =	sadd.s32 $0x50, s5;
	s29 =	simm.s32 $0xB80;
	s30 =	sadd.s32 $0x60, s5  }
0x19: {  	[tilespmem:s26], [sflag:$0x1] =	stream.strided.gather [hbm4b:s25+s10], $0x100, s11, s10, $0x38;
	[tilespmem:$0x10180] =	vst v63  }
0x1a: {  	s31 =	simm.s32 $0xD80;
	s18 =	simm.s32 $0x1000;
	s20 =	simm.s32 $0x8000  }
0x1b: {  	[tilespmem:s29], [sflag:$0x1] =	stream.strided.gather [hbm4b:s28+s10], $0x100, s11, s10, $0x38;
	[tilespmem:$0x10180] =	vst v63  }
0x1c: {  	s19 =	sadd.s32 $0x100, s5;
	s21 =	sadd.s32 $0x70, s5;
	s22 =	simm.s32 $0xF80  }
0x1d: {  	[tilespmem:s31], [sflag:$0x1] =	stream.strided.gather [hbm4b:s30+s10], $0x100, s11, s10, $0x38;
	[tilespmem:$0x10180] =	vst v63  }
.LBB2_2:
0x1e: {  	[tilespmem:s22], [sflag:$0x1] =	stream.strided.gather [hbm4b:s21+s10], $0x100, s11, s10, $0x38;
	[tilespmem:$0x10180] =	vst v63  }
0x1f: {  	s22 =	smov.u32 s18;
	s18 =	smov.u32 s20  }
0x20: {  	s23 =	sadd.s32 $0x4000, s20;
	s18 =	sshra.s32 s18, $0x2;
	s21 =	sadd.s32 $0x180, s22  }
0x21: {  	[tilespmem:s21], [sflag:$0x1] =	stream.strided.gather [hbm4b:s19+s10], $0x100, s11, s10, $0x38;
	[tilespmem:$0x10180] =	vst v63  }
0x22: {  	p0 =	sne.s32 s20, $0x3C000;
	s20 =	sadd.s32 $0x10, s19;
	s21 =	sadd.s32 $0x380, s22  }
0x23: {  	[tilespmem:s21], [sflag:$0x1] =	stream.strided.gather [hbm4b:s20+s10], $0x100, s11, s10, $0x38;
	[tilespmem:$0x10180] =	vst v63  }
0x24: {  	s20 =	sadd.s32 $0x20, s19;
	s21 =	sadd.s32 $0x580, s22  }
0x25: {  	[tilespmem:s21], [sflag:$0x1] =	stream.strided.gather [hbm4b:s20+s10], $0x100, s11, s10, $0x38;
	[tilespmem:$0x10180] =	vst v63  }
0x26: {  	s20 =	sadd.s32 $0x30, s19;
	s21 =	sadd.s32 $0x780, s22  }
0x27: {  	[tilespmem:s21], [sflag:$0x1] =	stream.strided.gather [hbm4b:s20+s10], $0x100, s11, s10, $0x38;
	[tilespmem:$0x10180] =	vst v63  }
0x28: {  	s20 =	sadd.s32 $0x40, s19;
	s21 =	sadd.s32 $0x980, s22  }
0x29: {  	[tilespmem:s21], [sflag:$0x1] =	stream.strided.gather [hbm4b:s20+s10], $0x100, s11, s10, $0x38;
	[tilespmem:$0x10180] =	vst v63  }
.Ltmp0:
0x2a: {  	s20 =	sadd.s32 $0x50, s19;
	s21 =	sadd.s32 $0xB80, s22;
	(pc) =	sbr.rel @p0 .LBB2_2-.Ltmp0, $4  }
0x2b: {  	[tilespmem:s21], [sflag:$0x1] =	stream.strided.gather [hbm4b:s20+s10], $0x100, s11, s10, $0x38;
	[tilespmem:$0x10180] =	vst v63  }
0x2c: {  	s20 =	sadd.s32 $0x60, s19;
	s21 =	sadd.s32 $0xD80, s22;
	s22 =	sadd.s32 $0xF80, s22  }
0x2d: {  	[tilespmem:s21], [sflag:$0x1] =	stream.strided.gather [hbm4b:s20+s10], $0x100, s11, s10, $0x38;
	[tilespmem:$0x10180] =	vst v63  }
0x2e: {  	s21 =	sadd.s32 $0x70, s19;
	s19 =	sadd.s32 $0x100, s19;
	s20 =	smov.u32 s23  }
0x2f: {  	[tilespmem:s22], [sflag:$0x1] =	stream.strided.gather [hbm4b:s21+s10], $0x100, s11, s10, $0x38;
	[tilespmem:$0x10180] =	vst v63  }
0x30: {  	s20 =	sadd.s32 $0x180, s18  }
0x31: {  	[tilespmem:s20], [sflag:$0x1] =	stream.strided.gather [hbm4b:s19+s10], $0x100, s11, s10, $0x38;
	[tilespmem:$0x10180] =	vst v63  }
0x32: {  	s25 =	sadd.s32 $0x10, s19;
	s26 =	sadd.s32 $0x380, s18  }
0x33: {  	[tilespmem:s26], [sflag:$0x1] =	stream.strided.gather [hbm4b:s25+s10], $0x100, s11, s10, $0x38;
	[tilespmem:$0x10180] =	vst v63  }
0x34: {  	s28 =	sadd.s32 $0x20, s19;
	s29 =	sadd.s32 $0x580, s18  }
0x35: {  	[tilespmem:s29], [sflag:$0x1] =	stream.strided.gather [hbm4b:s28+s10], $0x100, s11, s10, $0x38;
	[tilespmem:$0x10180] =	vst v63  }
0x36: {  	s30 =	sadd.s32 $0x30, s19;
	s31 =	sadd.s32 $0x780, s18  }
0x37: {  	[tilespmem:s31], [sflag:$0x1] =	stream.strided.gather [hbm4b:s30+s10], $0x100, s11, s10, $0x38;
	[tilespmem:$0x10180] =	vst v63  }
0x38: {  	s22 =	sadd.s32 $0x40, s19;
	s23 =	sadd.s32 $0x980, s18  }
0x39: {  	[tilespmem:s23], [sflag:$0x1] =	stream.strided.gather [hbm4b:s22+s10], $0x100, s11, s10, $0x38;
	[tilespmem:$0x10180] =	vst v63  }
0x3a: {  	s24 =	sadd.s32 $0x50, s19;
	s25 =	sadd.s32 $0xB80, s18  }
0x3b: {  	[tilespmem:s25], [sflag:$0x1] =	stream.strided.gather [hbm4b:s24+s10], $0x100, s11, s10, $0x38;
	[tilespmem:$0x10180] =	vst v63  }
0x3c: {  	s26 =	sadd.s32 $0x60, s19;
	s28 =	sadd.s32 $0xD80, s18  }
0x3d: {  	[tilespmem:s28], [sflag:$0x1] =	stream.strided.gather [hbm4b:s26+s10], $0x100, s11, s10, $0x38;
	[tilespmem:$0x10180] =	vst v63  }
0x3e: {  	s29 =	sadd.s32 $0x70, s19;
	s30 =	sadd.s32 $0xF80, s18  }
0x3f: {  	[tilespmem:s30], [sflag:$0x1] =	stream.strided.gather [hbm4b:s29+s10], $0x100, s11, s10, $0x38;
	[tilespmem:$0x10180] =	vst v63  }
0x40: {  	s31 =	simm.s32 $0x280  }
0x41: {  	[tilespmem:s31], [sflag:$0x2] =	stream.strided.gather [hbm4b:s6+s10], $0x100, s11, s10, $0x38;
	[tilespmem:$0x10180] =	vst v63  }
0x42: {  	s20 =	simm.s32 $0x480;
	s19 =	sadd.s32 $0x10, s6  }
0x43: {  	[tilespmem:s20], [sflag:$0x2] =	stream.strided.gather [hbm4b:s19+s10], $0x100, s11, s10, $0x38;
	[tilespmem:$0x10180] =	vst v63  }
0x44: {  	s21 =	sadd.s32 $0x20, s6;
	s18 =	simm.s32 $0x1000;
	s22 =	simm.s32 $0x680  }
0x45: {  	[tilespmem:s22], [sflag:$0x2] =	stream.strided.gather [hbm4b:s21+s10], $0x100, s11, s10, $0x38;
	[tilespmem:$0x10180] =	vst v63  }
0x46: {  	s23 =	sadd.s32 $0x30, s6;
	s24 =	simm.s32 $0x880;
	s25 =	sadd.s32 $0x40, s6  }
0x47: {  	[tilespmem:s24], [sflag:$0x2] =	stream.strided.gather [hbm4b:s23+s10], $0x100, s11, s10, $0x38;
	[tilespmem:$0x10180] =	vst v63  }
0x48: {  	s26 =	simm.s32 $0xA80;
	s28 =	sadd.s32 $0x50, s6;
	s29 =	simm.s32 $0xC80  }
0x49: {  	[tilespmem:s26], [sflag:$0x2] =	stream.strided.gather [hbm4b:s25+s10], $0x100, s11, s10, $0x38;
	[tilespmem:$0x10180] =	vst v63  }
0x4a: {  	s30 =	sadd.s32 $0x60, s6;
	s31 =	simm.s32 $0xE80;
	s20 =	simm.s32 $0x8000  }
0x4b: {  	[tilespmem:s29], [sflag:$0x2] =	stream.strided.gather [hbm4b:s28+s10], $0x100, s11, s10, $0x38;
	[tilespmem:$0x10180] =	vst v63  }
0x4c: {  	s19 =	sadd.s32 $0x100, s6;
	s21 =	sadd.s32 $0x70, s6;
	s22 =	simm.s32 $0x1080  }
0x4d: {  	[tilespmem:s31], [sflag:$0x2] =	stream.strided.gather [hbm4b:s30+s10], $0x100, s11, s10, $0x38;
	[tilespmem:$0x10180] =	vst v63  }
.LBB2_4:
0x4e: {  	[tilespmem:s22], [sflag:$0x2] =	stream.strided.gather [hbm4b:s21+s10], $0x100, s11, s10, $0x38;
	[tilespmem:$0x10180] =	vst v63  }
0x4f: {  	s22 =	smov.u32 s18;
	s18 =	smov.u32 s20  }
0x50: {  	s23 =	sadd.s32 $0x4000, s20;
	s18 =	sshra.s32 s18, $0x2;
	s21 =	sadd.s32 $0x280, s22  }
0x51: {  	[tilespmem:s21], [sflag:$0x2] =	stream.strided.gather [hbm4b:s19+s10], $0x100, s11, s10, $0x38;
	[tilespmem:$0x10180] =	vst v63  }
0x52: {  	p0 =	sne.s32 s20, $0x3C000;
	s20 =	sadd.s32 $0x10, s19;
	s21 =	sadd.s32 $0x480, s22  }
0x53: {  	[tilespmem:s21], [sflag:$0x2] =	stream.strided.gather [hbm4b:s20+s10], $0x100, s11, s10, $0x38;
	[tilespmem:$0x10180] =	vst v63  }
0x54: {  	s20 =	sadd.s32 $0x20, s19;
	s21 =	sadd.s32 $0x680, s22  }
0x55: {  	[tilespmem:s21], [sflag:$0x2] =	stream.strided.gather [hbm4b:s20+s10], $0x100, s11, s10, $0x38;
	[tilespmem:$0x10180] =	vst v63  }
0x56: {  	s20 =	sadd.s32 $0x30, s19;
	s21 =	sadd.s32 $0x880, s22  }
0x57: {  	[tilespmem:s21], [sflag:$0x2] =	stream.strided.gather [hbm4b:s20+s10], $0x100, s11, s10, $0x38;
	[tilespmem:$0x10180] =	vst v63  }
0x58: {  	s20 =	sadd.s32 $0x40, s19;
	s21 =	sadd.s32 $0xA80, s22  }
0x59: {  	[tilespmem:s21], [sflag:$0x2] =	stream.strided.gather [hbm4b:s20+s10], $0x100, s11, s10, $0x38;
	[tilespmem:$0x10180] =	vst v63  }
.Ltmp1:
0x5a: {  	s20 =	sadd.s32 $0x50, s19;
	s21 =	sadd.s32 $0xC80, s22;
	(pc) =	sbr.rel @p0 .LBB2_4-.Ltmp1, $4  }
0x5b: {  	[tilespmem:s21], [sflag:$0x2] =	stream.strided.gather [hbm4b:s20+s10], $0x100, s11, s10, $0x38;
	[tilespmem:$0x10180] =	vst v63  }
0x5c: {  	s20 =	sadd.s32 $0x60, s19;
	s21 =	sadd.s32 $0xE80, s22;
	s22 =	sadd.s32 $0x1080, s22  }
0x5d: {  	[tilespmem:s21], [sflag:$0x2] =	stream.strided.gather [hbm4b:s20+s10], $0x100, s11, s10, $0x38;
	[tilespmem:$0x10180] =	vst v63  }
0x5e: {  	s21 =	sadd.s32 $0x70, s19;
	s19 =	sadd.s32 $0x100, s19;
	s20 =	smov.u32 s23  }
0x5f: {  	[tilespmem:s22], [sflag:$0x2] =	stream.strided.gather [hbm4b:s21+s10], $0x100, s11, s10, $0x38;
	[tilespmem:$0x10180] =	vst v63  }
0x60: {  	s20 =	sadd.s32 $0x280, s18  }
0x61: {  	[tilespmem:s20], [sflag:$0x2] =	stream.strided.gather [hbm4b:s19+s10], $0x100, s11, s10, $0x38;
	[tilespmem:$0x10180] =	vst v63  }
0x62: {  	s28 =	sadd.s32 $0x10, s19;
	s29 =	sadd.s32 $0x480, s18  }
0x63: {  	[tilespmem:s29], [sflag:$0x2] =	stream.strided.gather [hbm4b:s28+s10], $0x100, s11, s10, $0x38;
	[tilespmem:$0x10180] =	vst v63  }
0x64: {  	s30 =	sadd.s32 $0x20, s19;
	s31 =	sadd.s32 $0x680, s18  }
0x65: {  	[tilespmem:s31], [sflag:$0x2] =	stream.strided.gather [hbm4b:s30+s10], $0x100, s11, s10, $0x38;
	[tilespmem:$0x10180] =	vst v63  }
0x66: {  	s21 =	sadd.s32 $0x30, s19;
	s22 =	sadd.s32 $0x880, s18  }
0x67: {  	[tilespmem:s22], [sflag:$0x2] =	stream.strided.gather [hbm4b:s21+s10], $0x100, s11, s10, $0x38;
	[tilespmem:$0x10180] =	vst v63  }
0x68: {  	s23 =	sadd.s32 $0x40, s19;
	s24 =	sadd.s32 $0xA80, s18  }
0x69: {  	[tilespmem:s24], [sflag:$0x2] =	stream.strided.gather [hbm4b:s23+s10], $0x100, s11, s10, $0x38;
	[tilespmem:$0x10180] =	vst v63  }
0x6a: {  	s25 =	sadd.s32 $0x50, s19;
	s26 =	sadd.s32 $0xC80, s18  }
0x6b: {  	[tilespmem:s26], [sflag:$0x2] =	stream.strided.gather [hbm4b:s25+s10], $0x100, s11, s10, $0x38;
	[tilespmem:$0x10180] =	vst v63  }
0x6c: {  	s28 =	sadd.s32 $0x60, s19;
	s29 =	sadd.s32 $0xE80, s18  }
0x6d: {  	[tilespmem:s29], [sflag:$0x2] =	stream.strided.gather [hbm4b:s28+s10], $0x100, s11, s10, $0x38;
	[tilespmem:$0x10180] =	vst v63  }
0x6e: {  	s30 =	sadd.s32 $0x70, s19;
	s31 =	sadd.s32 $0x1080, s18  }
0x6f: {  	[tilespmem:s31], [sflag:$0x2] =	stream.strided.gather [hbm4b:s30+s10], $0x100, s11, s10, $0x38;
	[tilespmem:$0x10180] =	vst v63  }
0x70: {  	_ = 	snop  }
0x71: {  	[tilespmem:s2], [sflag:$0x3] =	stream.linear.gather [hbm4b:s7+s2], $0x80, $0x38;
	[tilespmem:$0x10180] =	vst v63  }
0x72: {  	_ =	swait.ge [sflag:s12], $0x80  }
0x73: {  	[sflag:s12] =	ssyncset.done $0x0  }
0x74: {  	[sflag:s12] =	ssyncadd.s32 $0xFFFFFF80  }
0x75: {  	[tilespmem:s10], [sflag:$0x3] =	stream.linear.gather [hbm4b:s3+s2], $0x10, $0x38;
	[tilespmem:$0x10180] =	vst v63  }
0x76: {  	_ =	swait.ge [sflag:s12], $0x10  }
0x77: {  	[sflag:s12] =	ssyncset.done $0x0  }
0x78: {  	[sflag:s12] =	ssyncadd.s32 $0xFFFFFFF0  }
0x79: {  	v0 =	vld [tilespmem:$0x80]  }
0x7a: {  	v1 =	vld [tilespmem:$0x0]  }
0x7b: {  	v2 =	vld [tilespmem:$0x10]  }
0x7c: {  	v3 =	vld [tilespmem:$0x20]  }
0x7d: {  	v4 =	vld [tilespmem:$0x30]  }
0x7e: {  	v6 =	vld [tilespmem:$0x40];
	_ =	sdelay $0x1  }
0x7f: {  	v8 =	vld [tilespmem:$0x50]  }
0x80: {  	v9 =	vld [tilespmem:$0x60];
	v5 =	vshrl.u32 v1, $0xC;
	v7 =	vshrl.u32 v2, $0xC;
	v1 =	vand.u32 $0xFFF, v1  }
0x81: {  	v2 =	vand.u32 $0xFFF, v2;
	v47 =	vshrl.u32 v3, $0xC;
	v48 =	vshrl.u32 v4, $0xC  }
0x82: {  	v3 =	vand.u32 $0xFFF, v3;
	v11 =	vshrl.u32 v6, $0xC;
	v5 =	vperm.xlane v0, v5  }
0x83: {  	v10 =	vld [tilespmem:$0x70];
	v50 =	vand.u32 $0xFFF, v4;
	v53 =	vand.u32 $0xFFF, v6;
	v7 =	vperm.xlane v0, v7  }
0x84: {  	v54 =	vshrl.u32 v8, $0xC;
	v51 =	vperm.xlane v0, v11;
	v1 =	vadd.s32 v1, v5  }
0x85: {  	v57 =	vshrl.u32 v9, $0xC;
	v56 =	vperm.xlane v0, v54;
	v2 =	vadd.s32 v2, v7;
	[tilespmem:$0x100] =	vst v1  }
0x86: {  	v58 =	vand.u32 $0xFFF, v8;
	v4 =	vperm.xlane v0, v57;
	v55 =	vadd.s32 v53, v51;
	[tilespmem:$0x110] =	vst v2  }
0x87: {  	v61 =	vand.u32 $0xFFF, v9;
	v5 =	vperm.xlane v0, v47;
	v60 =	vadd.s32 v58, v56;
	[tilespmem:$0x140] =	vst v55  }
0x88: {  	v59 =	vshrl.u32 v10, $0xC;
	v7 =	vperm.xlane v0, v48;
	v62 =	vadd.s32 v61, v4;
	[tilespmem:$0x150] =	vst v60  }
0x89: {  	v0 =	vperm.xlane v0, v59;
	[tilespmem:$0x160] =	vst v62;
	v49 =	vadd.s32 v3, v5  }
0x8a: {  	v63 =	vand.u32 $0xFFF, v10;
	v52 =	vadd.s32 v50, v7;
	[tilespmem:$0x120] =	vst v49  }
0x8b: {  	v0 =	vadd.s32 v63, v0;
	[tilespmem:$0x130] =	vst v52  }
0x8c: {  	[tilespmem:$0x170] =	vst v0  }
0x8d: {  	[hbm4b:s8+s2] =	stream.linear.scatter [tilespmem:s13], [sflag:$0x3], $0x80, $0x38;
	[tilespmem:$0x10180] =	vst v63  }
0x8e: {  	_ =	swait.ge [sflag:s12], $0x80  }
0x8f: {  	[sflag:s12] =	ssyncset.done $0x0  }
0x90: {  	[sflag:s12] =	ssyncadd.s32 $0xFFFFFF80  }
0x91: {  	_ =	swait.ge [sflag:s14], $0x8000  }
0x92: {  	[sflag:s14] =	ssyncset.done $0x0  }
0x93: {  	[sflag:s14] =	ssyncadd.s32 $0xFFFF8000  }
0x94: {  	s17 =	sadd.s32 $0x1, s17;
	_ =	swait.ge [sflag:s15], $0x8000  }
0x95: {  	p0 =	sne.s32 s17, s9;
	[sflag:s15] =	ssyncset.done $0x0  }
.Ltmp2:
0x96: {  	[sflag:s15] =	ssyncadd.s32 $0xFFFF8000;
	(pc) =	sbr.rel @p0 .LBB2_1-.Ltmp2, $4  }
0x97: {  	[hbm4b:s4+s10] =	stream.indirect.scatter [tilespmem:s16], [sflag:$0x1], $0x200, s13, s10, $0xb8;
	[tilespmem:$0x10180] =	vst v63  }
0x98: {  	_ =	swait.ge [sflag:s14], $0x10000  }
0x99: {  	[sflag:s14] =	ssyncset.done $0x0  }
0x9a: {  	[sflag:s14] =	ssyncadd.s32 $0xFFFF0000  }
0x9b: {  	_ =	sfence.sel $0x180000  }
0x9c: {  	[bflag:$0x0] =	sbarrier.arrive $0xFFFF  }
0x9d: {  	p0 =	sne.s32 s1, $0x0;
	_ =	strace $0x90000047  }
0x9e: {  	s0 =	sadd.s32 @!p0 $0x100000, s0;
	[bflag:$0x2] =	sbarrier.arrive $0xFFFF  }
0x9f: {  	[sflag:s0] =	ssyncadd.tile.s32 @!p0 $0x1;
	_ =	shalt  }
.Lfunc_end2:
_tile_overlayer_lowered:
.L_overlay_start_2:
0xa0: {  	(tag) =	ssettag $0x2  }
0xa1: {  	s0 =	rddreg [dreg:$0x0];
	s2 =	stileid.u32  }
0xa2: {  	s1 =	rddreg [dreg:$0x1];
	p0 =	sne.s32 s2, $0x0  }
0xa3: {  	s3 =	rddreg [dreg:$0x2];
	[bflag:$0x3] =	sbarrier.arrive $0xFFFF;
	s2 =	simm.s32 @!p0 $0x1C03  }
0xa4: {  	[timem:s3], [sflag:s2] =	dma.local @!p0 [hbm:s0], s1  }
0xa5: {  	s0 =	simm.s32 @!p0 $0x3  }
0xa6: {  	_ =	swait.ge @!p0 [sflag:s0], s1  }
0xa7: {  	s1 =	ssub.s32 @!p0 $0x0, s1;
	[sflag:s0] =	ssyncset.done @!p0 $0x0  }
0xa8: {  	[sflag:s0] =	ssyncadd.s32 @!p0 s1  }
0xa9: {  	[bflag:$0x3] =	sbarrier.arrive $0xFFFF  }
0xaa: {  	_ =	shalt  }

// kernel: kernel.9.cloned.1.call-start
scs
__scs_entry_jumppad:
0x0: {  	(pc) =	sbr.rel $0x88, $3  }
0x1: {  	(tag) =	ssettag $0x0;
	lr =	simm.s32 $0x1  }
0x2: {  	[smem:$0x3F8F] =	sst lr;
	_ =	strace $0xD0000000  }
0x3: {  	_ = 	snop  }
0x4: {  	_ = 	snop  }
0x5: {  	_ = 	snop  }
0x6: {  	_ = 	snop  }
0x7: {  	_ = 	snop  }
__scs_overlays_trampoline_lowered:
0x8: {  	[smem:$0x3F9E] =	sst s0  }
0x9: {  	[smem:$0x3F9F] =	sst s1  }
0xa: {  	[smem:$0x3FA0] =	sst s2  }
0xb: {  	[smem:$0x3FA1] =	sst s3  }
0xc: {  	[smem:$0x3FA2] =	sst s4  }
0xd: {  	[smem:$0x3FA3] =	sst s5  }
0xe: {  	[smem:$0x3FA4] =	sst s6  }
0xf: {  	[smem:$0x3FA5] =	sst s7  }
0x10: {  	[smem:$0x3FA6] =	sst s8  }
0x11: {  	[smem:$0x3FA7] =	sst s9;
	s0 =	simm.s32 @!p0 $0x0  }
0x12: {  	s1 =	sld [smem:$0x3F8D];
	s0 =	simm.s32 @p0 $0x1  }
0x13: {  	[smem:$0x3FA8] =	sst s0;
	s0 =	simm.s32 @!p1 $0x0  }
0x14: {  	s2 =	sld [smem:$0x3F8C];
	s0 =	simm.s32 @p1 $0x1  }
0x15: {  	[smem:$0x3FA9] =	sst s0;
	s0 =	simm.s32 @!p2 $0x0  }
0x16: {  	s3 =	sld [smem:$0x3FDB];
	s0 =	simm.s32 @p2 $0x1  }
0x17: {  	s4 =	simm.s32 $0x1BF5;
	[smem:$0x3FAB] =	sst s0  }
0x18: {  	s0 =	sld [smem:$0x3F8E];
	_ =	swait.ge [sflag:s4], $0x0  }
0x19: {  	s7 =	sld [smem:$0x3F8F]  }
0x1a: {  	s8 =	sadd.s32 $0xFFFFE003, lr  }
0x1b: {  	s9 =	sadd.s32 $0xFFFFFEF7, lr;
	s5 =	simm.s32 $0xFFFFFFFF;
	p2 =	slt.u32 s8, $0xFFFFF086  }
0x1c: {  	p1 =	slt.u32 s9, $0xF7A;
	s5 =	simm.s32 @!p2 $0x0  }
0x1d: {  	s5 =	simm.s32 @p1 $0x1;
	p0 =	seq.s32 s7, s2  }
0x1e: {  	s7 =	smul.u32 @!p0 $0xF7A, s2;
	p2 =	seq.s32 @!p0 s5, $0x0  }
0x1f: {  	s9 =	smul.u32 $0xF7A, s1;
	s8 =	simm.s32 @!p0 $0x1BF5;
	p2 =	por !p2, p0  }
0x20: {  	[sflag:s8] =	ssyncset.s32 @!p0 $0xFFFFF086;
	s6 =	sadd.s32 @!p0 s3, s7;
	s7 =	simm.s32 @!p0 $0x108  }
0x21: {  	s3 =	sadd.s32 s3, s9;
	s6 =	sadd.s32 @!p0 $0x88, s6;
	s7 =	simm.s32 @p2 $0x1082  }
0x22: {  	[simem:s7], [sflag:s8] =	dma.local @!p0 [hbm:s6], $0xF7A  }
0x23: {  	s9 =	sor.u32 $0xD0000000, s2;
	s6 =	simm.s32 $0x108;
	_ =	swait.ge @!p0 [sflag:s8], $0x0  }
0x24: {  	s3 =	sadd.s32 $0x88, s3;
	s6 =	simm.s32 @!p1 $0x1082;
	[sflag:s4] =	ssyncset.s32 $0xFFFFF086  }
0x25: {  	[simem:s6], [sflag:s4] =	dma.local [hbm:s3], $0xF7A  }
0x26: {  	[smem:$0x3F8F] =	sst s1;
	(tag) =	ssettag s2;
	_ =	strace s9  }
0x27: {  	s1 =	sld [smem:$0x3F9F]  }
0x28: {  	s2 =	sld [smem:$0x3FA0]  }
0x29: {  	s4 =	sld [smem:$0x3FA2]  }
0x2a: {  	p0 =	seq.s32 s5, $0x0;
	s5 =	sld [smem:$0x3FA3]  }
0x2b: {  	s6 =	sld [smem:$0x3FA4]  }
0x2c: {  	s7 =	sld [smem:$0x3FA5]  }
0x2d: {  	s3 =	simm.s32 $0x108;
	s8 =	sld [smem:$0x3FA6]  }
0x2e: {  	s3 =	simm.s32 @!p0 $0x1082;
	s9 =	sld [smem:$0x3FA7]  }
0x2f: {  	lr =	sadd.s32 s0, s3;
	s0 =	sld [smem:$0x3F9E]  }
0x30: {  	s3 =	sld [smem:$0x3FA1]  }
0x31: {  	[smem:$0x3FAA] =	sst s10  }
0x32: {  	s10 =	sld [smem:$0x3FA8];
	_ =	sdelay $0x3  }
0x33: {  	p0 =	seq.s32 s10, $0x1;
	s10 =	sld [smem:$0x3FAA];
	_ =	sdelay $0x3  }
0x34: {  	[smem:$0x3FAA] =	sst s10  }
0x35: {  	s10 =	sld [smem:$0x3FA9];
	_ =	sdelay $0x3  }
0x36: {  	p1 =	seq.s32 s10, $0x1;
	s10 =	sld [smem:$0x3FAA];
	_ =	sdelay $0x3  }
0x37: {  	[smem:$0x3FAA] =	sst s10  }
0x38: {  	s10 =	sld [smem:$0x3FAB]  }
0x39: {  	_ = 	snop;
	(pc) =	sbr.ind lr, $3  }
0x3a: {  	_ = 	snop  }
0x3b: {  	_ = 	snop  }
0x3c: {  	p2 =	seq.s32 s10, $0x1;
	s10 =	sld [smem:$0x3FAA]  }
0x3d: {  	_ =	shalt  }
0x3e: {  	_ =	shalt  }
0x3f: {  	_ =	shalt  }
0x40: {  	_ =	shalt  }
0x41: {  	_ =	shalt  }
0x42: {  	_ =	shalt  }
0x43: {  	_ =	shalt  }
0x44: {  	_ =	shalt  }
0x45: {  	_ =	shalt  }
0x46: {  	_ =	shalt  }
0x47: {  	_ =	shalt  }
0x48: {  	_ =	shalt  }
0x49: {  	_ =	shalt  }
0x4a: {  	_ =	shalt  }
0x4b: {  	_ =	shalt  }
0x4c: {  	_ =	shalt  }
0x4d: {  	_ =	shalt  }
0x4e: {  	_ =	shalt  }
0x4f: {  	_ =	shalt  }
0x50: {  	_ =	shalt  }
0x51: {  	_ =	shalt  }
0x52: {  	_ =	shalt  }
0x53: {  	_ =	shalt  }
0x54: {  	_ =	shalt  }
0x55: {  	_ =	shalt  }
0x56: {  	_ =	shalt  }
0x57: {  	_ =	shalt  }
0x58: {  	_ =	shalt  }
0x59: {  	_ =	shalt  }
0x5a: {  	_ =	shalt  }
0x5b: {  	_ =	shalt  }
0x5c: {  	_ =	shalt  }
0x5d: {  	_ =	shalt  }
0x5e: {  	_ =	shalt  }
0x5f: {  	_ =	shalt  }
0x60: {  	_ =	shalt  }
0x61: {  	_ =	shalt  }
0x62: {  	_ =	shalt  }
0x63: {  	_ =	shalt  }
0x64: {  	_ =	shalt  }
0x65: {  	_ =	shalt  }
0x66: {  	_ =	shalt  }
0x67: {  	_ =	shalt  }
0x68: {  	_ =	shalt  }
0x69: {  	_ =	shalt  }
0x6a: {  	_ =	shalt  }
0x6b: {  	_ =	shalt  }
0x6c: {  	_ =	shalt  }
0x6d: {  	_ =	shalt  }
0x6e: {  	_ =	shalt  }
0x6f: {  	_ =	shalt  }
0x70: {  	_ =	shalt  }
0x71: {  	_ =	shalt  }
0x72: {  	_ =	shalt  }
0x73: {  	_ =	shalt  }
0x74: {  	_ =	shalt  }
0x75: {  	_ =	shalt  }
0x76: {  	_ =	shalt  }
0x77: {  	_ =	shalt  }
0x78: {  	_ =	shalt  }
0x79: {  	_ =	shalt  }
0x7a: {  	_ =	shalt  }
0x7b: {  	_ =	shalt  }
0x7c: {  	_ =	shalt  }
0x7d: {  	_ =	shalt  }
0x7e: {  	_ =	shalt  }
0x7f: {  	_ =	shalt  }
0x80: {  	_ =	shalt  }
0x81: {  	_ =	shalt  }
0x82: {  	_ =	shalt  }
0x83: {  	_ =	shalt  }
0x84: {  	_ =	shalt  }
0x85: {  	_ =	shalt  }
0x86: {  	_ =	shalt  }
0x87: {  	_ =	shalt  }
.Lfunc_end0:
.L_simem_size_0:
called_computation.1_lowered:
.L_overlay_start_0:
0x88: {  	s2 =	sld [smem:$0x3FD9]  }
0x89: {  	s3 =	sld [smem:$0x3FFE];
	_ =	sdelay $0x1  }
0x8a: {  	s1 =	srdreg.scid  }
0x8b: {  	s0 =	sand.u32 $0x1, s1  }
0x8c: {  	s17 =	sshll.u32 s0, $0xA;
	s2 =	sadd.s32 s3, s2  }
0x8d: {  	s2 =	sadd.s32 s2, s17  }
0x8e: {  	[smem:$0x3FB6] =	sst s2  }
0x8f: {  	_ = 	snop  }
0x90: {  	s2 =	sld [smem:$0x3FD0];
	(tm) =	ssettm $0x1  }
0x91: {  	s18 =	sld [smem:$0x3FFB];
	_ =	sdelay $0x3  }
0x92: {  	_ =	strace s18  }
0x93: {  	s3 =	sld [smem:$0x3FFC];
	_ =	sdelay $0x3  }
0x94: {  	_ =	strace s3  }
0x95: {  	s3 =	sld [smem:$0x3FFD];
	_ =	sdelay $0x3  }
0x96: {  	_ =	strace s3  }
0x97: {  	_ =	strace $0x8FFFFFFF  }
0x98: {  	s19 =	sld [smem:$0x3FDB];
	_ =	sdelay $0x1  }
0x99: {  	s4 =	simm.s32 $_scs_section_size  }
0x9a: {  	s5 =	simm.s32 $_size__tile_overlayer_lowered;
	s6 =	simm.s32 $_tile_overlayer_lowered  }
0x9b: {  	s22 =	simm.s32 $0x1BFF;
	s21 =	sshll.u32 s6, $0x1;
	s3 =	sadd.s32 s4, s19  }
0x9c: {  	s7 =	simm.s32 $0x0;
	s20 =	sshll.u32 s5, $0x1;
	s5 =	sadd.s32 s21, s3  }
0x9d: {  	[timem:s7], [sflag:s22] =	dma.local [hbm:s5], s20  }
0x9e: {  	_ =	swait.ge [sflag:s22], s20  }
0x9f: {  	s4 =	ssub.s32 $0x0, s20;
	[sflag:s22] =	ssyncset.done $0x0  }
0xa0: {  	[sflag:s22] =	ssyncadd.s32 s4;
	_ =	sdelay $0x1  }
0xa1: {  	s23 =	simm.s32 $0x1B8B  }
0xa2: {  	_ =	swait.ge [sflag:s23], $0x1  }
0xa3: {  	[sflag:s23] =	ssyncset.done $0x0  }
0xa4: {  	s25 =	simm.s32 $0x1B8E;
	s24 =	sld [smem:$0x3FFE];
	[sflag:s23] =	ssyncadd.s32 $0xFFFFFFFF  }
0xa5: {  	s26 =	simm.s32 $execute0_lowered;
	[smem:$0x3FD2] =	sst s25  }
0xa6: {  	s5 =	sshll.u32 s26, $0x1;
	_ =	strace $0x80000049;
	[dreg:$0x1] =	wrdreg $0xFFFFFFFF  }
0xa7: {  	s28 =	simm.s32 $_size_execute0_lowered;
	s3 =	sadd.s32 s3, s5;
	[dreg:$0x0] =	wrdreg $0x0  }
0xa8: {  	s5 =	sshll.u32 s28, $0x1;
	[dreg:$0x2] =	wrdreg s3  }
0xa9: {  	[dreg:$0x3] =	wrdreg s5  }
0xaa: {  	[dreg:$0x4] =	wrdreg $0xC0  }
0xab: {  	_ =	task [dreg:s7], $0x5FFFF  }
0xac: {  	[dreg:$0x1] =	wrdreg $0xFFFFFFFF  }
0xad: {  	[dreg:$0x0] =	wrdreg $0x60  }
0xae: {  	[dreg:$0x2] =	wrdreg s24  }
0xaf: {  	[dreg:$0x3] =	wrdreg s2  }
0xb0: {  	[dreg:$0x4] =	wrdreg $0x9  }
0xb1: {  	_ =	task.clear_ibuf [dreg:s7], $0x5FFFF;
	_ =	strace $0x90000049  }
0xb2: {  	s29 =	simm.s32 $0x9;
	_ =	strace $0x8000004B  }
0xb3: {  	_ =	swait.ge [sflag:s29], $0x1  }
0xb4: {  	[sflag:s29] =	ssyncadd.s32 $0xFFFFFFFF  }
0xb5: {  	_ =	strace $0x9000004B  }
0xb6: {  	_ =	sfence  }
0xb7: {  	s30 =	sld [smem:$0x0];
	_ =	sdelay $0x2  }
0xb8: {  	s31 =	sshll.u32 s1, $0xD;
	s1 =	sshrl.u32 s1, $0x2  }
0xb9: {  	s3 =	sand.u32 $0x4000, s31;
	s1 =	sadd.s32 s1, s30  }
0xba: {  	s0 =	sor.u32 s3, s0;
	s1 =	sshll.u32 s1, $0x11  }
0xbb: {  	s0 =	sor.u32 s1, s0  }
0xbc: {  	s0 =	sadd.s32 $0x8F2B, s0  }
0xbd: {  	[sflag:s0] =	ssyncadd.remote.s32 $0x1  }
0xbe: {  	_ =	sfence.sel $0xFFFF  }
0xbf: {  	[dreg:$0x0] =	wrdreg $0xFFFFFFFF;
	(pc) =	sbr.abs _section_cstart, $3  }
0xc0: {  	[dreg:$0x1] =	wrdreg $0xFFFFFFFF  }
0xc1: {  	_ =	task.clear_ibuf [dreg:s7], $0x2FFFF;
	_ =	strace $0x9FFFFFFF  }
0xc2: {  	(tm) =	ssettm $0x7FFFFFFF  }
0xc3: {  	_ =	shalt  }
tec
execute0_lowered:
.L_overlay_start_1:
0x0: {  	(tag) =	ssettag $0x1  }
0x1: {  	v1 =	vlaneseq.u32  }
0x2: {  	v0 =	vmul.u32 $0x80, v1  }
0x3: {  	v1 =	vmul.u32 $0x4, v1  }
0x4: {  	v2 =	vor.u32 $0x1, v0  }
0x5: {  	v3 =	vor.u32 $0x1, v1;
	v7 =	vor.u32 $0x3, v1;
	v8 =	vor.u32 $0x800, v0  }
0x6: {  	v9 =	vor.u32 $0x801, v0;
	v10 =	vor.u32 $0x40, v1;
	v11 =	vor.u32 $0x41, v1  }
0x7: {  	v12 =	vor.u32 $0x802, v0;
	v13 =	vor.u32 $0x42, v1;
	v14 =	vor.u32 $0x803, v0  }
0x8: {  	v15 =	vor.u32 $0x43, v1;
	v16 =	vor.u32 $0x1000, v0;
	v17 =	vor.u32 $0x1001, v0  }
0x9: {  	v18 =	vor.u32 $0x80, v1;
	v19 =	vor.u32 $0x81, v1;
	v20 =	vor.u32 $0x1002, v0  }
0xa: {  	v21 =	vor.u32 $0x82, v1;
	v22 =	vor.u32 $0x1003, v0;
	v23 =	vor.u32 $0x83, v1  }
0xb: {  	v24 =	vor.u32 $0x1800, v0;
	v25 =	vor.u32 $0x1801, v0;
	v26 =	vor.u32 $0xC0, v1  }
0xc: {  	v27 =	vor.u32 $0xC1, v1;
	v28 =	vor.u32 $0x1802, v0;
	v29 =	vor.u32 $0xC2, v1  }
0xd: {  	v30 =	vor.u32 $0x1803, v0;
	v31 =	vor.u32 $0xC3, v1;
	v32 =	vor.u32 $0x2000, v0  }
0xe: {  	s4 =	rddreg [dreg:$0x0];
	v33 =	vor.u32 $0x2001, v0;
	v34 =	vor.u32 $0x100, v1;
	v35 =	vor.u32 $0x101, v1  }
0xf: {  	s6 =	rddreg [dreg:$0x1];
	v36 =	vor.u32 $0x2002, v0;
	v37 =	vor.u32 $0x102, v1;
	v38 =	vor.u32 $0x2003, v0  }
0x10: {  	s0 =	rddreg [dreg:$0x2];
	s2 =	simm.s32 $0x0;
	s3 =	srdreg.scid;
	v39 =	vor.u32 $0x103, v1;
	v40 =	vor.u32 $0x2800, v0;
	v41 =	vor.u32 $0x2801, v0  }
0x11: {  	s1 =	stileid.u32;
	s11 =	simm.s32 $0x1;
	s12 =	simm.s32 $0x8080;
	v42 =	vor.u32 $0x140, v1;
	v43 =	vor.u32 $0x141, v1;
	v44 =	vor.u32 $0x2802, v0  }
0x12: {  	[smem:$0x7FF] =	sst s2;
	s5 =	sand.u32 $0x1, s3;
	s31 =	sshll.u32 s1, $0x1;
	v45 =	vor.u32 $0x142, v1;
	v46 =	vor.u32 $0x2803, v0;
	v47 =	vor.u32 $0x143, v1  }
0x13: {  	s3 =	sadd.s32 $0x14600, s4;
	s7 =	sor.u32 s5, s31;
	s5 =	ssub.s32 $0x2, s5;
	v48 =	vor.u32 $0x3000, v0;
	v49 =	vor.u32 $0x3001, v0;
	v50 =	vor.u32 $0x180, v1  }
0x14: {  	s8 =	sshll.u32 s7, $0x4;
	s9 =	sshll.u32 s7, $0xB;
	s10 =	sshrl.u32 s5, $0x1;
	v51 =	vor.u32 $0x181, v1;
	v52 =	vor.u32 $0x3002, v0;
	[tilespmem:$0x1FFC0] =	vst v3;
	v3 =	vor.u32 $0x2, v0  }
0x15: {  	s7 =	sshll.u32 s7, $0x6;
	v53 =	vor.u32 $0x182, v1;
	v54 =	vor.u32 $0x3003, v0;
	s8 =	sadd.s32 s8, s4;
	s9 =	sadd.s32 s9, s4;
	[tilespmem:$0x1FFD0] =	vst v3;
	v3 =	vor.u32 $0x2, v1  }
0x16: {  	v55 =	vor.u32 $0x183, v1;
	v56 =	vor.u32 $0x3800, v0;
	s10 =	ssub.s32 s5, s10;
	s6 =	sadd.s32 s6, s7;
	s4 =	sadd.s32 $0x74600, s8;
	[tilespmem:$0x1FFE0] =	vst v3;
	v3 =	vor.u32 $0x3, v0  }
0x17: {  	v57 =	vor.u32 $0x3801, v0;
	v58 =	vor.u32 $0x1C0, v1;
	v59 =	vor.u32 $0x1C1, v1;
	s5 =	sadd.s32 $0x4600, s9;
	s7 =	smax.u32 s10, $0x1;
	s8 =	simm.s32 $0x2;
	[tilespmem:$0x1FFF0] =	vst v3  }
0x18: {  	v60 =	vor.u32 $0x3802, v0;
	v61 =	vor.u32 $0x1C2, v1;
	v62 =	vor.u32 $0x3803, v0;
	s9 =	simm.s32 $0x80;
	s10 =	simm.s32 $0x4080;
	_ =	strace $0x8000004A  }
.LBB2_1:
0x19: {  	[tilespmem:s2], [sflag:$0x2] =	stream.linear.gather [hbm4b:s4+s2], $0x80, $0x38;
	[tilespmem:$0x8280] =	vst v63  }
0x1a: {  	_ =	swait.ge [sflag:s8], $0x80  }
0x1b: {  	[sflag:s8] =	ssyncset.done $0x0  }
0x1c: {  	[sflag:s8] =	ssyncadd.s32 $0xFFFFFF80  }
0x1d: {  	[tilespmem:s9], [sflag:$0x2] =	stream.linear.gather [hbm4b:s5+s2], $0x4000, $0x38;
	[tilespmem:$0x8280] =	vst v63  }
0x1e: {  	_ =	swait.ge [sflag:s8], $0x4000  }
0x1f: {  	[sflag:s8] =	ssyncset.done $0x0  }
0x20: {  	[sflag:s8] =	ssyncadd.s32 $0xFFFFC000  }
0x21: {  	[tilespmem:s10], [sflag:$0x1] =	stream.indirect.gather [hbm4b:s3+s9], $0x80, s2, s9, $0xb8;
	[tilespmem:$0x8280] =	vst v63  }
0x22: {  	_ =	swait.ge [sflag:s11], $0x4000  }
0x23: {  	[sflag:s11] =	ssyncset.done $0x0  }
0x24: {  	[sflag:s11] =	ssyncadd.s32 $0xFFFFC000  }
0x25: {  	v63 =	vld.idx.msk [tilespmem:v0+s10+$0x0], $0xffff;
	_ =	sdelay $0x4  }
0x26: {  	v3 =	vmul.f32 $1.442695020e+00, v63;
	_ =	sdelay $0x1  }
0x27: {  	(erf) = vpow2.f32 v3;
	_ =	sdelay $0x4  }
0x28: {  	v3 =	vld.idx.msk [tilespmem:v0+s9+$0x0], $0xffff  }
0x29: {  	v4 =	vld.idx.msk [tilespmem:v2+s9+$0x0], $0xffff;
	_ =	sdelay $0x2  }
0x2a: {  	v5 =	vpop (erf)  }
0x2b: {  	v5 =	vmul.f32 v5, v3  }
0x2c: {  	v63 =	vadd.f32 v63, v4  }
0x2d: {  	vm0 =	veq.f32 v5, $0.0e+00  }
0x2e: {  	v5 =	vsel vm0, $0xC17F1402, v63  }
0x2f: {  	[tilespmem:v1+s12+$0x0] =	vst.idx.msk $0xffff, v5  }
0x30: {  	v5 =	vld.idx.msk [tilespmem:v2+s10+$0x0], $0xffff;
	_ =	sdelay $0x4  }
0x31: {  	v63 =	vmul.f32 $1.442695020e+00, v5;
	_ =	sdelay $0x1  }
0x32: {  	(erf) = vpow2.f32 v63;
	_ =	sdelay $0x5  }
0x33: {  	v6 =	vld [tilespmem:$0x1FFC0];
	_ =	sdelay $0x2  }
0x34: {  	v63 =	vpop (erf)  }
0x35: {  	v63 =	vmul.f32 v63, v3  }
0x36: {  	v5 =	vadd.f32 v5, v4  }
0x37: {  	vm9 =	veq.f32 v63, $0.0e+00  }
0x38: {  	v5 =	vsel vm9, $0xC17F1402, v5  }
0x39: {  	[tilespmem:v6+s12+$0x0] =	vst.idx.msk $0xffff, v5;
	v5 =	vld [tilespmem:$0x1FFD0];
	_ =	sdelay $0x7  }
0x3a: {  	v5 =	vld.idx.msk [tilespmem:v5+s10+$0x0], $0xffff;
	_ =	sdelay $0x4  }
0x3b: {  	v63 =	vmul.f32 $1.442695020e+00, v5;
	_ =	sdelay $0x1  }
0x3c: {  	(erf) = vpow2.f32 v63;
	_ =	sdelay $0x5  }
0x3d: {  	v6 =	vld [tilespmem:$0x1FFE0];
	_ =	sdelay $0x2  }
0x3e: {  	v63 =	vpop (erf)  }
0x3f: {  	v63 =	vmul.f32 v63, v3  }
0x40: {  	v5 =	vadd.f32 v5, v4  }
0x41: {  	vm10 =	veq.f32 v63, $0.0e+00  }
0x42: {  	v5 =	vsel vm10, $0xC17F1402, v5  }
0x43: {  	[tilespmem:v6+s12+$0x0] =	vst.idx.msk $0xffff, v5;
	v5 =	vld [tilespmem:$0x1FFF0];
	_ =	sdelay $0x7  }
0x44: {  	v5 =	vld.idx.msk [tilespmem:v5+s10+$0x0], $0xffff;
	_ =	sdelay $0x4  }
0x45: {  	v63 =	vmul.f32 $1.442695020e+00, v5;
	_ =	sdelay $0x1  }
0x46: {  	(erf) = vpow2.f32 v63;
	_ =	sdelay $0x8  }
0x47: {  	v63 =	vpop (erf)  }
0x48: {  	v3 =	vmul.f32 v63, v3  }
0x49: {  	v4 =	vadd.f32 v5, v4  }
0x4a: {  	vm11 =	veq.f32 v3, $0.0e+00  }
0x4b: {  	v3 =	vsel vm11, $0xC17F1402, v4  }
0x4c: {  	[tilespmem:v7+s12+$0x0] =	vst.idx.msk $0xffff, v3  }
0x4d: {  	v3 =	vld.idx.msk [tilespmem:v8+s10+$0x0], $0xffff;
	_ =	sdelay $0x4  }
0x4e: {  	v4 =	vmul.f32 $1.442695020e+00, v3;
	_ =	sdelay $0x1  }
0x4f: {  	(erf) = vpow2.f32 v4;
	_ =	sdelay $0x4  }
0x50: {  	v4 =	vld.idx.msk [tilespmem:v8+s9+$0x0], $0xffff  }
0x51: {  	v5 =	vld.idx.msk [tilespmem:v9+s9+$0x0], $0xffff;
	_ =	sdelay $0x2  }
0x52: {  	v63 =	vpop (erf)  }
0x53: {  	v63 =	vmul.f32 v63, v4  }
0x54: {  	v3 =	vadd.f32 v3, v5  }
0x55: {  	vm12 =	veq.f32 v63, $0.0e+00  }
0x56: {  	v3 =	vsel vm12, $0xC17F1402, v3  }
0x57: {  	[tilespmem:v10+s12+$0x0] =	vst.idx.msk $0xffff, v3  }
0x58: {  	v3 =	vld.idx.msk [tilespmem:v9+s10+$0x0], $0xffff;
	_ =	sdelay $0x4  }
0x59: {  	v63 =	vmul.f32 $1.442695020e+00, v3;
	_ =	sdelay $0x1  }
0x5a: {  	(erf) = vpow2.f32 v63;
	_ =	sdelay $0x8  }
0x5b: {  	v63 =	vpop (erf)  }
0x5c: {  	v63 =	vmul.f32 v63, v4  }
0x5d: {  	v3 =	vadd.f32 v3, v5  }
0x5e: {  	vm13 =	veq.f32 v63, $0.0e+00  }
0x5f: {  	v3 =	vsel vm13, $0xC17F1402, v3  }
0x60: {  	[tilespmem:v11+s12+$0x0] =	vst.idx.msk $0xffff, v3  }
0x61: {  	v3 =	vld.idx.msk [tilespmem:v12+s10+$0x0], $0xffff;
	_ =	sdelay $0x4  }
0x62: {  	v63 =	vmul.f32 $1.442695020e+00, v3;
	_ =	sdelay $0x1  }
0x63: {  	(erf) = vpow2.f32 v63;
	_ =	sdelay $0x8  }
0x64: {  	v63 =	vpop (erf)  }
0x65: {  	v63 =	vmul.f32 v63, v4  }
0x66: {  	v3 =	vadd.f32 v3, v5  }
0x67: {  	vm14 =	veq.f32 v63, $0.0e+00  }
0x68: {  	v3 =	vsel vm14, $0xC17F1402, v3  }
0x69: {  	[tilespmem:v13+s12+$0x0] =	vst.idx.msk $0xffff, v3  }
0x6a: {  	v3 =	vld.idx.msk [tilespmem:v14+s10+$0x0], $0xffff;
	_ =	sdelay $0x4  }
0x6b: {  	v63 =	vmul.f32 $1.442695020e+00, v3;
	_ =	sdelay $0x1  }
0x6c: {  	(erf) = vpow2.f32 v63;
	_ =	sdelay $0x8  }
0x6d: {  	v63 =	vpop (erf)  }
0x6e: {  	v4 =	vmul.f32 v63, v4  }
0x6f: {  	v3 =	vadd.f32 v3, v5  }
0x70: {  	vm15 =	veq.f32 v4, $0.0e+00  }
0x71: {  	v3 =	vsel vm15, $0xC17F1402, v3  }
0x72: {  	[tilespmem:v15+s12+$0x0] =	vst.idx.msk $0xffff, v3  }
0x73: {  	v3 =	vld.idx.msk [tilespmem:v16+s10+$0x0], $0xffff;
	_ =	sdelay $0x4  }
0x74: {  	v4 =	vmul.f32 $1.442695020e+00, v3;
	_ =	sdelay $0x1  }
0x75: {  	(erf) = vpow2.f32 v4;
	_ =	sdelay $0x4  }
0x76: {  	v4 =	vld.idx.msk [tilespmem:v16+s9+$0x0], $0xffff  }
0x77: {  	v5 =	vld.idx.msk [tilespmem:v17+s9+$0x0], $0xffff;
	_ =	sdelay $0x2  }
0x78: {  	v63 =	vpop (erf)  }
0x79: {  	v63 =	vmul.f32 v63, v4  }
0x7a: {  	v3 =	vadd.f32 v3, v5  }
0x7b: {  	vm4 =	veq.f32 v63, $0.0e+00  }
0x7c: {  	v3 =	vsel vm4, $0xC17F1402, v3  }
0x7d: {  	[tilespmem:v18+s12+$0x0] =	vst.idx.msk $0xffff, v3  }
0x7e: {  	v3 =	vld.idx.msk [tilespmem:v17+s10+$0x0], $0xffff;
	_ =	sdelay $0x4  }
0x7f: {  	v63 =	vmul.f32 $1.442695020e+00, v3;
	_ =	sdelay $0x1  }
0x80: {  	(erf) = vpow2.f32 v63;
	_ =	sdelay $0x8  }
0x81: {  	v63 =	vpop (erf)  }
0x82: {  	v63 =	vmul.f32 v63, v4  }
0x83: {  	v3 =	vadd.f32 v3, v5  }
0x84: {  	vm5 =	veq.f32 v63, $0.0e+00  }
0x85: {  	v3 =	vsel vm5, $0xC17F1402, v3  }
0x86: {  	[tilespmem:v19+s12+$0x0] =	vst.idx.msk $0xffff, v3  }
0x87: {  	v3 =	vld.idx.msk [tilespmem:v20+s10+$0x0], $0xffff;
	_ =	sdelay $0x4  }
0x88: {  	v63 =	vmul.f32 $1.442695020e+00, v3;
	_ =	sdelay $0x1  }
0x89: {  	(erf) = vpow2.f32 v63;
	_ =	sdelay $0x8  }
0x8a: {  	v63 =	vpop (erf)  }
0x8b: {  	v63 =	vmul.f32 v63, v4  }
0x8c: {  	v3 =	vadd.f32 v3, v5  }
0x8d: {  	vm6 =	veq.f32 v63, $0.0e+00  }
0x8e: {  	v3 =	vsel vm6, $0xC17F1402, v3  }
0x8f: {  	[tilespmem:v21+s12+$0x0] =	vst.idx.msk $0xffff, v3  }
0x90: {  	v3 =	vld.idx.msk [tilespmem:v22+s10+$0x0], $0xffff;
	_ =	sdelay $0x4  }
0x91: {  	v63 =	vmul.f32 $1.442695020e+00, v3;
	_ =	sdelay $0x1  }
0x92: {  	(erf) = vpow2.f32 v63;
	_ =	sdelay $0x8  }
0x93: {  	v63 =	vpop (erf)  }
0x94: {  	v4 =	vmul.f32 v63, v4  }
0x95: {  	v3 =	vadd.f32 v3, v5  }
0x96: {  	vm7 =	veq.f32 v4, $0.0e+00  }
0x97: {  	v3 =	vsel vm7, $0xC17F1402, v3  }
0x98: {  	[tilespmem:v23+s12+$0x0] =	vst.idx.msk $0xffff, v3  }
0x99: {  	v3 =	vld.idx.msk [tilespmem:v24+s10+$0x0], $0xffff;
	_ =	sdelay $0x4  }
0x9a: {  	v4 =	vmul.f32 $1.442695020e+00, v3;
	_ =	sdelay $0x1  }
0x9b: {  	(erf) = vpow2.f32 v4;
	_ =	sdelay $0x4  }
0x9c: {  	v4 =	vld.idx.msk [tilespmem:v24+s9+$0x0], $0xffff  }
0x9d: {  	v5 =	vld.idx.msk [tilespmem:v25+s9+$0x0], $0xffff;
	_ =	sdelay $0x2  }
0x9e: {  	v63 =	vpop (erf)  }
0x9f: {  	v63 =	vmul.f32 v63, v4  }
0xa0: {  	v3 =	vadd.f32 v3, v5  }
0xa1: {  	vm8 =	veq.f32 v63, $0.0e+00  }
0xa2: {  	v3 =	vsel vm8, $0xC17F1402, v3  }
0xa3: {  	[tilespmem:v26+s12+$0x0] =	vst.idx.msk $0xffff, v3  }
0xa4: {  	v3 =	vld.idx.msk [tilespmem:v25+s10+$0x0], $0xffff;
	_ =	sdelay $0x4  }
0xa5: {  	v63 =	vmul.f32 $1.442695020e+00, v3;
	_ =	sdelay $0x1  }
0xa6: {  	(erf) = vpow2.f32 v63;
	_ =	sdelay $0x8  }
0xa7: {  	v63 =	vpop (erf)  }
0xa8: {  	v63 =	vmul.f32 v63, v4  }
0xa9: {  	v3 =	vadd.f32 v3, v5  }
0xaa: {  	vm9 =	veq.f32 v63, $0.0e+00  }
0xab: {  	v3 =	vsel vm9, $0xC17F1402, v3  }
0xac: {  	[tilespmem:v27+s12+$0x0] =	vst.idx.msk $0xffff, v3  }
0xad: {  	v3 =	vld.idx.msk [tilespmem:v28+s10+$0x0], $0xffff;
	_ =	sdelay $0x4  }
0xae: {  	v63 =	vmul.f32 $1.442695020e+00, v3;
	_ =	sdelay $0x1  }
0xaf: {  	(erf) = vpow2.f32 v63;
	_ =	sdelay $0x8  }
0xb0: {  	v63 =	vpop (erf)  }
0xb1: {  	v63 =	vmul.f32 v63, v4  }
0xb2: {  	v3 =	vadd.f32 v3, v5  }
0xb3: {  	vm10 =	veq.f32 v63, $0.0e+00  }
0xb4: {  	v3 =	vsel vm10, $0xC17F1402, v3  }
0xb5: {  	[tilespmem:v29+s12+$0x0] =	vst.idx.msk $0xffff, v3  }
0xb6: {  	v3 =	vld.idx.msk [tilespmem:v30+s10+$0x0], $0xffff;
	_ =	sdelay $0x4  }
0xb7: {  	v63 =	vmul.f32 $1.442695020e+00, v3;
	_ =	sdelay $0x1  }
0xb8: {  	(erf) = vpow2.f32 v63;
	_ =	sdelay $0x8  }
0xb9: {  	v63 =	vpop (erf)  }
0xba: {  	v4 =	vmul.f32 v63, v4  }
0xbb: {  	v3 =	vadd.f32 v3, v5  }
0xbc: {  	vm11 =	veq.f32 v4, $0.0e+00  }
0xbd: {  	v3 =	vsel vm11, $0xC17F1402, v3  }
0xbe: {  	[tilespmem:v31+s12+$0x0] =	vst.idx.msk $0xffff, v3  }
0xbf: {  	v3 =	vld.idx.msk [tilespmem:v32+s10+$0x0], $0xffff;
	_ =	sdelay $0x4  }
0xc0: {  	v4 =	vmul.f32 $1.442695020e+00, v3;
	_ =	sdelay $0x1  }
0xc1: {  	(erf) = vpow2.f32 v4;
	_ =	sdelay $0x4  }
0xc2: {  	v4 =	vld.idx.msk [tilespmem:v32+s9+$0x0], $0xffff  }
0xc3: {  	v5 =	vld.idx.msk [tilespmem:v33+s9+$0x0], $0xffff;
	_ =	sdelay $0x2  }
0xc4: {  	v63 =	vpop (erf)  }
0xc5: {  	v63 =	vmul.f32 v63, v4  }
0xc6: {  	v3 =	vadd.f32 v3, v5  }
0xc7: {  	vm12 =	veq.f32 v63, $0.0e+00  }
0xc8: {  	v3 =	vsel vm12, $0xC17F1402, v3  }
0xc9: {  	[tilespmem:v34+s12+$0x0] =	vst.idx.msk $0xffff, v3  }
0xca: {  	v3 =	vld.idx.msk [tilespmem:v33+s10+$0x0], $0xffff;
	_ =	sdelay $0x4  }
0xcb: {  	v63 =	vmul.f32 $1.442695020e+00, v3;
	_ =	sdelay $0x1  }
0xcc: {  	(erf) = vpow2.f32 v63;
	_ =	sdelay $0x8  }
0xcd: {  	v63 =	vpop (erf)  }
0xce: {  	v63 =	vmul.f32 v63, v4  }
0xcf: {  	v3 =	vadd.f32 v3, v5  }
0xd0: {  	vm13 =	veq.f32 v63, $0.0e+00  }
0xd1: {  	v3 =	vsel vm13, $0xC17F1402, v3  }
0xd2: {  	[tilespmem:v35+s12+$0x0] =	vst.idx.msk $0xffff, v3  }
0xd3: {  	v3 =	vld.idx.msk [tilespmem:v36+s10+$0x0], $0xffff;
	_ =	sdelay $0x4  }
0xd4: {  	v63 =	vmul.f32 $1.442695020e+00, v3;
	_ =	sdelay $0x1  }
0xd5: {  	(erf) = vpow2.f32 v63;
	_ =	sdelay $0x8  }
0xd6: {  	v63 =	vpop (erf)  }
0xd7: {  	v63 =	vmul.f32 v63, v4  }
0xd8: {  	v3 =	vadd.f32 v3, v5  }
0xd9: {  	vm14 =	veq.f32 v63, $0.0e+00  }
0xda: {  	v3 =	vsel vm14, $0xC17F1402, v3  }
0xdb: {  	[tilespmem:v37+s12+$0x0] =	vst.idx.msk $0xffff, v3  }
0xdc: {  	v3 =	vld.idx.msk [tilespmem:v38+s10+$0x0], $0xffff;
	_ =	sdelay $0x4  }
0xdd: {  	v63 =	vmul.f32 $1.442695020e+00, v3;
	_ =	sdelay $0x1  }
0xde: {  	(erf) = vpow2.f32 v63;
	_ =	sdelay $0x8  }
0xdf: {  	v63 =	vpop (erf)  }
0xe0: {  	v4 =	vmul.f32 v63, v4  }
0xe1: {  	v3 =	vadd.f32 v3, v5  }
0xe2: {  	vm15 =	veq.f32 v4, $0.0e+00  }
0xe3: {  	v3 =	vsel vm15, $0xC17F1402, v3  }
0xe4: {  	[tilespmem:v39+s12+$0x0] =	vst.idx.msk $0xffff, v3  }
0xe5: {  	v3 =	vld.idx.msk [tilespmem:v40+s10+$0x0], $0xffff;
	_ =	sdelay $0x4  }
0xe6: {  	v4 =	vmul.f32 $1.442695020e+00, v3;
	_ =	sdelay $0x1  }
0xe7: {  	(erf) = vpow2.f32 v4;
	_ =	sdelay $0x4  }
0xe8: {  	v4 =	vld.idx.msk [tilespmem:v40+s9+$0x0], $0xffff  }
0xe9: {  	v5 =	vld.idx.msk [tilespmem:v41+s9+$0x0], $0xffff;
	_ =	sdelay $0x2  }
0xea: {  	v63 =	vpop (erf)  }
0xeb: {  	v63 =	vmul.f32 v63, v4  }
0xec: {  	v3 =	vadd.f32 v3, v5  }
0xed: {  	vm4 =	veq.f32 v63, $0.0e+00  }
0xee: {  	v3 =	vsel vm4, $0xC17F1402, v3  }
0xef: {  	[tilespmem:v42+s12+$0x0] =	vst.idx.msk $0xffff, v3  }
0xf0: {  	v3 =	vld.idx.msk [tilespmem:v41+s10+$0x0], $0xffff;
	_ =	sdelay $0x4  }
0xf1: {  	v63 =	vmul.f32 $1.442695020e+00, v3;
	_ =	sdelay $0x1  }
0xf2: {  	(erf) = vpow2.f32 v63;
	_ =	sdelay $0x8  }
0xf3: {  	v63 =	vpop (erf)  }
0xf4: {  	v63 =	vmul.f32 v63, v4  }
0xf5: {  	v3 =	vadd.f32 v3, v5  }
0xf6: {  	vm5 =	veq.f32 v63, $0.0e+00  }
0xf7: {  	v3 =	vsel vm5, $0xC17F1402, v3  }
0xf8: {  	[tilespmem:v43+s12+$0x0] =	vst.idx.msk $0xffff, v3  }
0xf9: {  	v3 =	vld.idx.msk [tilespmem:v44+s10+$0x0], $0xffff;
	_ =	sdelay $0x4  }
0xfa: {  	v63 =	vmul.f32 $1.442695020e+00, v3;
	_ =	sdelay $0x1  }
0xfb: {  	(erf) = vpow2.f32 v63;
	_ =	sdelay $0x8  }
0xfc: {  	v63 =	vpop (erf)  }
0xfd: {  	v63 =	vmul.f32 v63, v4  }
0xfe: {  	v3 =	vadd.f32 v3, v5  }
0xff: {  	vm6 =	veq.f32 v63, $0.0e+00  }
0x100: {  	v3 =	vsel vm6, $0xC17F1402, v3  }
0x101: {  	[tilespmem:v45+s12+$0x0] =	vst.idx.msk $0xffff, v3  }
0x102: {  	v3 =	vld.idx.msk [tilespmem:v46+s10+$0x0], $0xffff;
	_ =	sdelay $0x4  }
0x103: {  	v63 =	vmul.f32 $1.442695020e+00, v3;
	_ =	sdelay $0x1  }
0x104: {  	(erf) = vpow2.f32 v63;
	_ =	sdelay $0x8  }
0x105: {  	v63 =	vpop (erf)  }
0x106: {  	v4 =	vmul.f32 v63, v4  }
0x107: {  	v3 =	vadd.f32 v3, v5  }
0x108: {  	vm7 =	veq.f32 v4, $0.0e+00  }
0x109: {  	v3 =	vsel vm7, $0xC17F1402, v3  }
0x10a: {  	[tilespmem:v47+s12+$0x0] =	vst.idx.msk $0xffff, v3  }
0x10b: {  	v3 =	vld.idx.msk [tilespmem:v48+s10+$0x0], $0xffff;
	_ =	sdelay $0x4  }
0x10c: {  	v4 =	vmul.f32 $1.442695020e+00, v3;
	_ =	sdelay $0x1  }
0x10d: {  	(erf) = vpow2.f32 v4;
	_ =	sdelay $0x4  }
0x10e: {  	v4 =	vld.idx.msk [tilespmem:v48+s9+$0x0], $0xffff  }
0x10f: {  	v5 =	vld.idx.msk [tilespmem:v49+s9+$0x0], $0xffff;
	_ =	sdelay $0x2  }
0x110: {  	v63 =	vpop (erf)  }
0x111: {  	v63 =	vmul.f32 v63, v4  }
0x112: {  	v3 =	vadd.f32 v3, v5  }
0x113: {  	vm8 =	veq.f32 v63, $0.0e+00  }
0x114: {  	v3 =	vsel vm8, $0xC17F1402, v3  }
0x115: {  	[tilespmem:v50+s12+$0x0] =	vst.idx.msk $0xffff, v3  }
0x116: {  	v3 =	vld.idx.msk [tilespmem:v49+s10+$0x0], $0xffff;
	_ =	sdelay $0x4  }
0x117: {  	v63 =	vmul.f32 $1.442695020e+00, v3;
	_ =	sdelay $0x1  }
0x118: {  	(erf) = vpow2.f32 v63;
	_ =	sdelay $0x8  }
0x119: {  	v63 =	vpop (erf)  }
0x11a: {  	v63 =	vmul.f32 v63, v4  }
0x11b: {  	v3 =	vadd.f32 v3, v5  }
0x11c: {  	vm9 =	veq.f32 v63, $0.0e+00  }
0x11d: {  	v3 =	vsel vm9, $0xC17F1402, v3  }
0x11e: {  	[tilespmem:v51+s12+$0x0] =	vst.idx.msk $0xffff, v3  }
0x11f: {  	v3 =	vld.idx.msk [tilespmem:v52+s10+$0x0], $0xffff;
	_ =	sdelay $0x4  }
0x120: {  	v63 =	vmul.f32 $1.442695020e+00, v3;
	_ =	sdelay $0x1  }
0x121: {  	(erf) = vpow2.f32 v63;
	_ =	sdelay $0x8  }
0x122: {  	v63 =	vpop (erf)  }
0x123: {  	v63 =	vmul.f32 v63, v4  }
0x124: {  	v3 =	vadd.f32 v3, v5  }
0x125: {  	vm10 =	veq.f32 v63, $0.0e+00  }
0x126: {  	v3 =	vsel vm10, $0xC17F1402, v3  }
0x127: {  	[tilespmem:v53+s12+$0x0] =	vst.idx.msk $0xffff, v3  }
0x128: {  	v3 =	vld.idx.msk [tilespmem:v54+s10+$0x0], $0xffff;
	_ =	sdelay $0x4  }
0x129: {  	v63 =	vmul.f32 $1.442695020e+00, v3;
	_ =	sdelay $0x1  }
0x12a: {  	(erf) = vpow2.f32 v63;
	_ =	sdelay $0x8  }
0x12b: {  	v63 =	vpop (erf)  }
0x12c: {  	v4 =	vmul.f32 v63, v4  }
0x12d: {  	v3 =	vadd.f32 v3, v5  }
0x12e: {  	vm11 =	veq.f32 v4, $0.0e+00  }
0x12f: {  	v3 =	vsel vm11, $0xC17F1402, v3  }
0x130: {  	[tilespmem:v55+s12+$0x0] =	vst.idx.msk $0xffff, v3  }
0x131: {  	v3 =	vld.idx.msk [tilespmem:v56+s10+$0x0], $0xffff;
	_ =	sdelay $0x4  }
0x132: {  	v4 =	vmul.f32 $1.442695020e+00, v3;
	_ =	sdelay $0x1  }
0x133: {  	(erf) = vpow2.f32 v4;
	_ =	sdelay $0x4  }
0x134: {  	v4 =	vld.idx.msk [tilespmem:v56+s9+$0x0], $0xffff  }
0x135: {  	v5 =	vld.idx.msk [tilespmem:v57+s9+$0x0], $0xffff;
	_ =	sdelay $0x2  }
0x136: {  	v63 =	vpop (erf)  }
0x137: {  	v63 =	vmul.f32 v63, v4  }
0x138: {  	v3 =	vadd.f32 v3, v5  }
0x139: {  	vm12 =	veq.f32 v63, $0.0e+00  }
0x13a: {  	v3 =	vsel vm12, $0xC17F1402, v3  }
0x13b: {  	[tilespmem:v58+s12+$0x0] =	vst.idx.msk $0xffff, v3  }
0x13c: {  	v3 =	vld.idx.msk [tilespmem:v57+s10+$0x0], $0xffff;
	_ =	sdelay $0x4  }
0x13d: {  	v63 =	vmul.f32 $1.442695020e+00, v3;
	_ =	sdelay $0x1  }
0x13e: {  	(erf) = vpow2.f32 v63;
	_ =	sdelay $0x8  }
0x13f: {  	v63 =	vpop (erf)  }
0x140: {  	v63 =	vmul.f32 v63, v4  }
0x141: {  	v3 =	vadd.f32 v3, v5  }
0x142: {  	vm13 =	veq.f32 v63, $0.0e+00  }
0x143: {  	v3 =	vsel vm13, $0xC17F1402, v3  }
0x144: {  	[tilespmem:v59+s12+$0x0] =	vst.idx.msk $0xffff, v3  }
0x145: {  	v3 =	vld.idx.msk [tilespmem:v60+s10+$0x0], $0xffff;
	_ =	sdelay $0x4  }
0x146: {  	v63 =	vmul.f32 $1.442695020e+00, v3;
	_ =	sdelay $0x1  }
0x147: {  	(erf) = vpow2.f32 v63;
	_ =	sdelay $0x8  }
0x148: {  	v63 =	vpop (erf)  }
0x149: {  	v63 =	vmul.f32 v63, v4  }
0x14a: {  	v3 =	vadd.f32 v3, v5  }
0x14b: {  	vm14 =	veq.f32 v63, $0.0e+00  }
0x14c: {  	v3 =	vsel vm14, $0xC17F1402, v3  }
0x14d: {  	[tilespmem:v61+s12+$0x0] =	vst.idx.msk $0xffff, v3  }
0x14e: {  	v3 =	vld.idx.msk [tilespmem:v62+s10+$0x0], $0xffff;
	_ =	sdelay $0x4  }
0x14f: {  	v63 =	vmul.f32 $1.442695020e+00, v3;
	_ =	sdelay $0x1  }
0x150: {  	(erf) = vpow2.f32 v63;
	_ =	sdelay $0x8  }
0x151: {  	v6 =	vor.u32 $0x1C3, v1;
	v63 =	vpop (erf)  }
0x152: {  	v4 =	vmul.f32 v63, v4  }
0x153: {  	v3 =	vadd.f32 v3, v5  }
0x154: {  	vm15 =	veq.f32 v4, $0.0e+00  }
0x155: {  	p0 =	sne.s32 s7, $0x1;
	v3 =	vsel vm15, $0xC17F1402, v3  }
.Ltmp0:
0x156: {  	[tilespmem:v6+s12+$0x0] =	vst.idx.msk $0xffff, v3;
	(pc) =	sbr.rel @p0 .LBB2_1-.Ltmp0, $4  }
0x157: {  	[hbm4b:s6+s2] =	stream.linear.scatter [tilespmem:s12], [sflag:$0x2], $0x200, $0x38;
	[tilespmem:$0x8280] =	vst v63  }
0x158: {  	_ =	swait.ge [sflag:s8], $0x200  }
0x159: {  	[sflag:s8] =	ssyncset.done $0x0  }
0x15a: {  	s7 =	sadd.s32 $0xFFFFFFFF, s7;
	[sflag:s8] =	ssyncadd.s32 $0xFFFFFE00  }
0x15b: {  	_ =	sfence.sel $0x180000  }
0x15c: {  	[bflag:$0x0] =	sbarrier.arrive $0xFFFF  }
0x15d: {  	p0 =	sne.s32 s1, $0x0;
	_ =	strace $0x9000004A  }
0x15e: {  	s0 =	sadd.s32 @!p0 $0x100000, s0;
	[bflag:$0x2] =	sbarrier.arrive $0xFFFF  }
0x15f: {  	[sflag:s0] =	ssyncadd.tile.s32 @!p0 $0x1;
	_ =	shalt  }
.Lfunc_end2:
_tile_overlayer_lowered:
.L_overlay_start_2:
0x160: {  	(tag) =	ssettag $0x2  }
0x161: {  	s0 =	rddreg [dreg:$0x0];
	s2 =	stileid.u32  }
0x162: {  	s1 =	rddreg [dreg:$0x1];
	p0 =	sne.s32 s2, $0x0  }
0x163: {  	s3 =	rddreg [dreg:$0x2];
	[bflag:$0x3] =	sbarrier.arrive $0xFFFF;
	s2 =	simm.s32 @!p0 $0x1C02  }
0x164: {  	[timem:s3], [sflag:s2] =	dma.local @!p0 [hbm:s0], s1  }
0x165: {  	s0 =	simm.s32 @!p0 $0x2  }
0x166: {  	_ =	swait.ge @!p0 [sflag:s0], s1  }
0x167: {  	s1 =	ssub.s32 @!p0 $0x0, s1;
	[sflag:s0] =	ssyncset.done @!p0 $0x0  }
0x168: {  	[sflag:s0] =	ssyncadd.s32 @!p0 s1  }
0x169: {  	[bflag:$0x3] =	sbarrier.arrive $0xFFFF  }
0x16a: {  	_ =	shalt  }

</sc_bundles>
